<compile_context>
chip_gen: v7x
topology: tpu7x:2x2x1
jax: 0.10.2.dev20260603
libtpu: 0.0.44.dev20260713+nightly
codegen_flags: <defaults>
</compile_context>

<pallas_src>
import functools

import jax
import jax.numpy as jnp
from jax import lax
from jax.experimental import pallas as pl
from jax.experimental.pallas import tpu as pltpu
from jax.experimental.pallas import tpu_sc as plsc

B = 16384
H = 512
LANES = 16
NC = 2
NS = 16
NW = NC * NS
BPW = B // NW
CH = 16
NCHUNK = BPW // CH
HC = H // LANES
HU = 4
SPLIT = 2

_mesh = plsc.VectorSubcoreMesh(core_axis_name="c", subcore_axis_name="s")


@functools.partial(
    pl.kernel,
    mesh=_mesh,
    out_type=jax.ShapeDtypeStruct((B,), jnp.float32),
    compiler_params=pltpu.CompilerParams(needs_layout_passes=False),
    scratch_types=[
        pltpu.VMEM((BPW,), jnp.int32),
        pltpu.VMEM((BPW,), jnp.int32),
        pltpu.VMEM((2, CH, H), jnp.float32),
        pltpu.VMEM((2, CH, H), jnp.float32),
        pltpu.VMEM((2, CH, H), jnp.float32),
        pltpu.VMEM((2, CH, H), jnp.float32),
        pltpu.VMEM((2, CH, H), jnp.float32),
        pltpu.VMEM((2, CH, H), jnp.float32),
        pltpu.VMEM((BPW,), jnp.float32),
        pltpu.VMEM((BPW,), jnp.float32),
        pltpu.VMEM((BPW,), jnp.float32),
        pltpu.VMEM((LANES, LANES), jnp.float32),
        pltpu.SemaphoreType.DMA,
        pltpu.SemaphoreType.DMA,
    ],
)
def _bpr_sc(uidx_h, iidx_h, vis_h, txt_h, ua_h, ia_h, ub_h, ib_h, tv_h, tt_h,
            out_h,
            uidx_v, iidx_v, ua_v, ia_v, tv_v, tt_v, vis_v, txt_v, ub_v, ib_v,
            out_v, tmp_v, sem0, sem1):
    wid = lax.axis_index("s") * NC + lax.axis_index("c")
    base = wid * BPW
    idx_copies = [
        pltpu.make_async_copy(uidx_h.at[pl.ds(base, BPW)], uidx_v, sem0),
        pltpu.make_async_copy(iidx_h.at[pl.ds(base, BPW)], iidx_v, sem1),
    ]
    for c in idx_copies:
        c.start()
    for c in idx_copies:
        c.wait()

    def copies(p, j):
        sem = sem0 if p == 0 else sem1
        cs = []
        sub = CH // SPLIT
        for s in range(SPLIT):
            row = pl.ds(j * CH + s * sub, sub)
            dsl = pl.ds(s * sub, sub)
            usl = uidx_v.at[row]
            isl = iidx_v.at[row]
            cs += [
                pltpu.make_async_copy(ua_h.at[usl], ua_v.at[p, dsl], sem),
                pltpu.make_async_copy(ia_h.at[isl], ia_v.at[p, dsl], sem),
                pltpu.make_async_copy(tv_h.at[usl], tv_v.at[p, dsl], sem),
                pltpu.make_async_copy(tt_h.at[usl], tt_v.at[p, dsl], sem),
            ]
        grow = pl.ds(base + j * CH, CH)
        cs += [
            pltpu.make_async_copy(vis_h.at[grow], vis_v.at[p], sem),
            pltpu.make_async_copy(txt_h.at[grow], txt_v.at[p], sem),
        ]
        return cs

    def issue(p, j):
        for c in copies(p, j):
            c.start()

    def drain(p, j):
        for c in copies(p, j):
            c.wait()

    beta_copies = [
        pltpu.make_async_copy(tab.at[idx.at[pl.ds(k * 128, 128)]],
                              dst.at[pl.ds(k * 128, 128)], sem0)
        for tab, idx, dst in ((ub_h, uidx_v, ub_v), (ib_h, iidx_v, ib_v))
        for k in range(BPW // 128)
    ]
    for c in beta_copies:
        c.start()
    issue(0, 0)
    issue(1, 1)
    for c in beta_copies:
        c.wait()
    lane = lax.broadcasted_iota(jnp.int32, (LANES,), 0)

    def compute(p, j):
        @plsc.parallel_loop(0, CH, 1, unroll=1)
        def row_body(r):
            zero = jnp.zeros((LANES,), jnp.float32)

            def h_body(hb, accs):
                accs = list(accs)
                for u in range(HU):
                    sl = pl.ds(hb * (HU * LANES) + u * LANES, LANES)
                    k = u % 2
                    accs[0 + k] = accs[0 + k] + ua_v[p, r, sl] * ia_v[p, r, sl]
                    accs[2 + k] = accs[2 + k] + tv_v[p, r, sl] * vis_v[p, r, sl]
                    accs[4 + k] = accs[4 + k] + tt_v[p, r, sl] * txt_v[p, r, sl]
                return tuple(accs)

            acc = lax.fori_loop(0, HC // HU, h_body, (zero,) * 6)
            tot = ((acc[0] + acc[1]) + (acc[2] + acc[3])) + (acc[4] + acc[5])
            plsc.store_scatter(tmp_v, [lane, jnp.full((LANES,), 0, jnp.int32) + r],
                               tot)
        bsl = pl.ds(j * CH, CH)
        out16 = ub_v[bsl] + ib_v[bsl]
        for l in range(LANES):
            out16 = out16 + tmp_v[l]
        out_v[pl.ds(j * CH, CH)] = out16

    def outer(g, carry):
        for p in range(2):
            j = 2 * g + p
            drain(p, j)
            compute(p, j)

            @pl.when(j + 2 < NCHUNK)
            def _issue_next():
                issue(p, j + 2)
        return carry

    lax.fori_loop(0, NCHUNK // 2, outer, 0)
    pltpu.sync_copy(out_v, out_h.at[pl.ds(base, BPW)])


def kernel(user_idx, item_idx, visfeat, textfeat, user_alpha, item_alpha,
           user_beta, item_beta, user_visembed, user_textembed):
    return _bpr_sc(user_idx.astype(jnp.int32), item_idx.astype(jnp.int32),
                   visfeat, textfeat, user_alpha, item_alpha,
                   user_beta.reshape(-1), item_beta.reshape(-1),
                   user_visembed, user_textembed)

# --- scband reference (transcript-rebuilt; emitter-appended) ---
"""Pipeline reference for scband-big-pai-bpr-58918361367041 (READ-ONLY COPY).

The authoritative reference and input builder live on the scoring server;
editing this copy changes nothing except your own understanding.
"""

import jax, jax.numpy as jnp
import numpy as np

N_USERS = 100000
N_ITEMS = 100000
HIDDEN = 512
BATCH = 16384

def setup_inputs(seed: int = 0) -> dict:
    key = jax.random.key(seed)
    ks = jax.random.split(key, 12)
    user_idx = jax.random.randint(ks[0], (BATCH,), 0, N_USERS, dtype=jnp.int64 if jax.config.jax_enable_x64 else jnp.int32)
    item_idx = jax.random.randint(ks[1], (BATCH,), 0, N_ITEMS, dtype=jnp.int64 if jax.config.jax_enable_x64 else jnp.int32)
    visfeat = jax.random.normal(ks[2], (BATCH, HIDDEN), dtype=jnp.float32)
    textfeat = jax.random.normal(ks[3], (BATCH, HIDDEN), dtype=jnp.float32)
    # learned parameters (init.uniform_(w, 0, 0.01) in the original)
    user_alpha = jax.random.uniform(ks[4], (N_USERS, HIDDEN), dtype=jnp.float32, minval=0.0, maxval=0.01)
    item_alpha = jax.random.uniform(ks[5], (N_ITEMS, HIDDEN), dtype=jnp.float32, minval=0.0, maxval=0.01)
    user_beta = jax.random.uniform(ks[6], (N_USERS, 1), dtype=jnp.float32, minval=0.0, maxval=0.01)
    item_beta = jax.random.uniform(ks[7], (N_ITEMS, 1), dtype=jnp.float32, minval=0.0, maxval=0.01)
    user_visembed = jax.random.uniform(ks[8], (N_USERS, HIDDEN), dtype=jnp.float32, minval=0.0, maxval=0.01)
    user_textembed = jax.random.uniform(ks[9], (N_USERS, HIDDEN), dtype=jnp.float32, minval=0.0, maxval=0.01)
    return {
        "user_idx": user_idx,
        "item_idx": item_idx,
        "visfeat": visfeat,
        "textfeat": textfeat,
        "user_alpha": user_alpha,
        "item_alpha": item_alpha,
        "user_beta": user_beta,
        "item_beta": item_beta,
        "user_visembed": user_visembed,
        "user_textembed": user_textembed,
    }

def reference(user_idx, item_idx, visfeat, textfeat, user_alpha, item_alpha,
              user_beta, item_beta, user_visembed, user_textembed):
    # BPR.forward core
    ua = jnp.take(user_alpha, user_idx, axis=0)          # [B, H]
    ub = jnp.take(user_beta, user_idx, axis=0)           # [B, 1]
    ia = jnp.take(item_alpha, item_idx, axis=0)          # [B, H]
    ib = jnp.take(item_beta, item_idx, axis=0)           # [B, 1]
    bpr = ub[:, 0] + ib[:, 0] + jnp.sum(ua * ia, axis=1)  # bmm([B,1,H],[B,H,1]) == rowwise dot
    # VTBPR extras
    theta_vis = jnp.take(user_visembed, user_idx, axis=0)    # [B, H]
    theta_text = jnp.take(user_textembed, user_idx, axis=0)  # [B, H]
    out1 = jnp.sum(theta_vis * visfeat, axis=1)
    out2 = jnp.sum(theta_text * textfeat, axis=1)
    return bpr + out1 + out2

if __name__ == "__main__":
    import jax
    _d = setup_inputs()
    print(jax.jit(kernel)(*tuple(_d.values())))

</pallas_src>

<mosaic_0001>
#map = affine_map<(d0, d1) -> (0)>
#map1 = affine_map<(d0, d1) -> (0, 0)>
module attributes {stable_mosaic.version = 14 : i64} {
  func.func @_bpr_sc(%arg0: i32, %arg1: i32, %arg2: memref<16384xi32, #tpu.memory_space<hbm>>, %arg3: memref<16384xi32, #tpu.memory_space<hbm>>, %arg4: memref<16384x512xf32, #tpu.memory_space<hbm>>, %arg5: memref<16384x512xf32, #tpu.memory_space<hbm>>, %arg6: memref<100000x512xf32, #tpu.memory_space<hbm>>, %arg7: memref<100000x512xf32, #tpu.memory_space<hbm>>, %arg8: memref<100000xf32, #tpu.memory_space<hbm>>, %arg9: memref<100000xf32, #tpu.memory_space<hbm>>, %arg10: memref<100000x512xf32, #tpu.memory_space<hbm>>, %arg11: memref<100000x512xf32, #tpu.memory_space<hbm>>, %arg12: memref<16384xf32, #tpu.memory_space<hbm>>, %arg13: memref<512xi32, #tpu.memory_space<vmem>>, %arg14: memref<512xi32, #tpu.memory_space<vmem>>, %arg15: memref<2x16x512xf32, #tpu.memory_space<vmem>>, %arg16: memref<2x16x512xf32, #tpu.memory_space<vmem>>, %arg17: memref<2x16x512xf32, #tpu.memory_space<vmem>>, %arg18: memref<2x16x512xf32, #tpu.memory_space<vmem>>, %arg19: memref<2x16x512xf32, #tpu.memory_space<vmem>>, %arg20: memref<2x16x512xf32, #tpu.memory_space<vmem>>, %arg21: memref<512xf32, #tpu.memory_space<vmem>>, %arg22: memref<512xf32, #tpu.memory_space<vmem>>, %arg23: memref<512xf32, #tpu.memory_space<vmem>>, %arg24: memref<16x16xf32, #tpu.memory_space<vmem>>, %arg25: memref<!tpu.dma_semaphore, #tpu.memory_space<semaphore_mem>>, %arg26: memref<!tpu.dma_semaphore, #tpu.memory_space<semaphore_mem>>) attributes {dimension_semantics = [#tpu.dimension_semantics<core_parallel>, #tpu.dimension_semantics<subcore_parallel>], iteration_bounds = array<i64: 2, 16>, scalar_prefetch = 0 : i64, scratch_operands = 14 : i64, tpu.core_type = #tpu.core_type<sc_vector_subcore>, window_params = [{transform_indices = #map}, {transform_indices = #map}, {transform_indices = #map1}, {transform_indices = #map1}, {transform_indices = #map1}, {transform_indices = #map1}, {transform_indices = #map}, {transform_indices = #map}, {transform_indices = #map1}, {transform_indices = #map1}, {transform_indices = #map}]} {
    %mul3A = arith.constant 2 : i32
    %mul3A_0 = arith.muli %arg1, %mul3A : i32
    %add3A = arith.addi %mul3A_0, %arg0 : i32
    %mul3A_1 = arith.constant 512 : i32
    %mul3A_2 = arith.muli %add3A, %mul3A_1 : i32
    %dma_start3A = tpu.memref_slice %arg2[%mul3A_2] : memref<16384xi32, #tpu.memory_space<hbm>> -> memref<512xi32, #tpu.memory_space<hbm>>
    %dma_start3A_3 = tpu.memref_slice %arg2[%mul3A_2] : memref<16384xi32, #tpu.memory_space<hbm>> -> memref<512xi32, #tpu.memory_space<hbm>>
    tpu.enqueue_dma source(%dma_start3A_3 : memref<512xi32, #tpu.memory_space<hbm>>) target(%arg13 : memref<512xi32, #tpu.memory_space<vmem>>) target_semaphore(%arg25 : memref<!tpu.dma_semaphore, #tpu.memory_space<semaphore_mem>>)
    %dma_start3A_4 = tpu.memref_slice %arg3[%mul3A_2] : memref<16384xi32, #tpu.memory_space<hbm>> -> memref<512xi32, #tpu.memory_space<hbm>>
    %dma_start3A_5 = tpu.memref_slice %arg3[%mul3A_2] : memref<16384xi32, #tpu.memory_space<hbm>> -> memref<512xi32, #tpu.memory_space<hbm>>
    tpu.enqueue_dma source(%dma_start3A_5 : memref<512xi32, #tpu.memory_space<hbm>>) target(%arg14 : memref<512xi32, #tpu.memory_space<vmem>>) target_semaphore(%arg26 : memref<!tpu.dma_semaphore, #tpu.memory_space<semaphore_mem>>)
    %dma_wait3A = tpu.memref_slice %arg2[%mul3A_2] : memref<16384xi32, #tpu.memory_space<hbm>> -> memref<512xi32, #tpu.memory_space<hbm>>
    %dma_wait3A_6 = tpu.memref_slice %arg2[%mul3A_2] : memref<16384xi32, #tpu.memory_space<hbm>> -> memref<512xi32, #tpu.memory_space<hbm>>
    tpu.wait_dma2 semaphore(%arg25 : memref<!tpu.dma_semaphore, #tpu.memory_space<semaphore_mem>>) src(%dma_wait3A_6 : memref<512xi32, #tpu.memory_space<hbm>>) dst(%arg13 : memref<512xi32, #tpu.memory_space<vmem>>)
    %dma_wait3A_7 = tpu.memref_slice %arg3[%mul3A_2] : memref<16384xi32, #tpu.memory_space<hbm>> -> memref<512xi32, #tpu.memory_space<hbm>>
    %dma_wait3A_8 = tpu.memref_slice %arg3[%mul3A_2] : memref<16384xi32, #tpu.memory_space<hbm>> -> memref<512xi32, #tpu.memory_space<hbm>>
    tpu.wait_dma2 semaphore(%arg26 : memref<!tpu.dma_semaphore, #tpu.memory_space<semaphore_mem>>) src(%dma_wait3A_8 : memref<512xi32, #tpu.memory_space<hbm>>) dst(%arg14 : memref<512xi32, #tpu.memory_space<vmem>>)
    %dma_start3A_9 = arith.constant 0 : i32
    %dma_start3A_10 = tpu.memref_slice %arg21[%dma_start3A_9] : memref<512xf32, #tpu.memory_space<vmem>> -> memref<128xf32, #tpu.memory_space<vmem>>
    %dma_start3A_11 = arith.constant 0 : i32
    %dma_start3A_12 = tpu.memref_slice %arg13[%dma_start3A_11] : memref<512xi32, #tpu.memory_space<vmem>> -> memref<128xi32, #tpu.memory_space<vmem>>
    %dma_start3A_13 = arith.constant 0 : i32
    %dma_start3A_14 = tpu.memref_slice %arg8[%dma_start3A_13] : memref<100000xf32, #tpu.memory_space<hbm>> -> memref<100000xf32, #tpu.memory_space<hbm>>
    tpu.enqueue_indirect_dma source(%dma_start3A_14 : memref<100000xf32, #tpu.memory_space<hbm>>) target(%dma_start3A_10 : memref<128xf32, #tpu.memory_space<vmem>>) offsets(%dma_start3A_12 : memref<128xi32, #tpu.memory_space<vmem>>) semaphore(%arg25 : memref<!tpu.dma_semaphore, #tpu.memory_space<semaphore_mem>>)
    %dma_start3A_15 = arith.constant 128 : i32
    %dma_start3A_16 = tpu.memref_slice %arg21[%dma_start3A_15] : memref<512xf32, #tpu.memory_space<vmem>> -> memref<128xf32, #tpu.memory_space<vmem>>
    %dma_start3A_17 = arith.constant 128 : i32
    %dma_start3A_18 = tpu.memref_slice %arg13[%dma_start3A_17] : memref<512xi32, #tpu.memory_space<vmem>> -> memref<128xi32, #tpu.memory_space<vmem>>
    %dma_start3A_19 = arith.constant 0 : i32
    %dma_start3A_20 = tpu.memref_slice %arg8[%dma_start3A_19] : memref<100000xf32, #tpu.memory_space<hbm>> -> memref<100000xf32, #tpu.memory_space<hbm>>
    tpu.enqueue_indirect_dma source(%dma_start3A_20 : memref<100000xf32, #tpu.memory_space<hbm>>) target(%dma_start3A_16 : memref<128xf32, #tpu.memory_space<vmem>>) offsets(%dma_start3A_18 : memref<128xi32, #tpu.memory_space<vmem>>) semaphore(%arg25 : memref<!tpu.dma_semaphore, #tpu.memory_space<semaphore_mem>>)
    %dma_start3A_21 = arith.constant 256 : i32
    %dma_start3A_22 = tpu.memref_slice %arg21[%dma_start3A_21] : memref<512xf32, #tpu.memory_space<vmem>> -> memref<128xf32, #tpu.memory_space<vmem>>
    %dma_start3A_23 = arith.constant 256 : i32
    %dma_start3A_24 = tpu.memref_slice %arg13[%dma_start3A_23] : memref<512xi32, #tpu.memory_space<vmem>> -> memref<128xi32, #tpu.memory_space<vmem>>
    %dma_start3A_25 = arith.constant 0 : i32
    %dma_start3A_26 = tpu.memref_slice %arg8[%dma_start3A_25] : memref<100000xf32, #tpu.memory_space<hbm>> -> memref<100000xf32, #tpu.memory_space<hbm>>
    tpu.enqueue_indirect_dma source(%dma_start3A_26 : memref<100000xf32, #tpu.memory_space<hbm>>) target(%dma_start3A_22 : memref<128xf32, #tpu.memory_space<vmem>>) offsets(%dma_start3A_24 : memref<128xi32, #tpu.memory_space<vmem>>) semaphore(%arg25 : memref<!tpu.dma_semaphore, #tpu.memory_space<semaphore_mem>>)
    %dma_start3A_27 = arith.constant 384 : i32
    %dma_start3A_28 = tpu.memref_slice %arg21[%dma_start3A_27] : memref<512xf32, #tpu.memory_space<vmem>> -> memref<128xf32, #tpu.memory_space<vmem>>
    %dma_start3A_29 = arith.constant 384 : i32
    %dma_start3A_30 = tpu.memref_slice %arg13[%dma_start3A_29] : memref<512xi32, #tpu.memory_space<vmem>> -> memref<128xi32, #tpu.memory_space<vmem>>
    %dma_start3A_31 = arith.constant 0 : i32
    %dma_start3A_32 = tpu.memref_slice %arg8[%dma_start3A_31] : memref<100000xf32, #tpu.memory_space<hbm>> -> memref<100000xf32, #tpu.memory_space<hbm>>
    tpu.enqueue_indirect_dma source(%dma_start3A_32 : memref<100000xf32, #tpu.memory_space<hbm>>) target(%dma_start3A_28 : memref<128xf32, #tpu.memory_space<vmem>>) offsets(%dma_start3A_30 : memref<128xi32, #tpu.memory_space<vmem>>) semaphore(%arg25 : memref<!tpu.dma_semaphore, #tpu.memory_space<semaphore_mem>>)
    %dma_start3A_33 = arith.constant 0 : i32
    %dma_start3A_34 = tpu.memref_slice %arg22[%dma_start3A_33] : memref<512xf32, #tpu.memory_space<vmem>> -> memref<128xf32, #tpu.memory_space<vmem>>
    %dma_start3A_35 = arith.constant 0 : i32
    %dma_start3A_36 = tpu.memref_slice %arg14[%dma_start3A_35] : memref<512xi32, #tpu.memory_space<vmem>> -> memref<128xi32, #tpu.memory_space<vmem>>
    %dma_start3A_37 = arith.constant 0 : i32
    %dma_start3A_38 = tpu.memref_slice %arg9[%dma_start3A_37] : memref<100000xf32, #tpu.memory_space<hbm>> -> memref<100000xf32, #tpu.memory_space<hbm>>
    tpu.enqueue_indirect_dma source(%dma_start3A_38 : memref<100000xf32, #tpu.memory_space<hbm>>) target(%dma_start3A_34 : memref<128xf32, #tpu.memory_space<vmem>>) offsets(%dma_start3A_36 : memref<128xi32, #tpu.memory_space<vmem>>) semaphore(%arg25 : memref<!tpu.dma_semaphore, #tpu.memory_space<semaphore_mem>>)
    %dma_start3A_39 = arith.constant 128 : i32
    %dma_start3A_40 = tpu.memref_slice %arg22[%dma_start3A_39] : memref<512xf32, #tpu.memory_space<vmem>> -> memref<128xf32, #tpu.memory_space<vmem>>
    %dma_start3A_41 = arith.constant 128 : i32
    %dma_start3A_42 = tpu.memref_slice %arg14[%dma_start3A_41] : memref<512xi32, #tpu.memory_space<vmem>> -> memref<128xi32, #tpu.memory_space<vmem>>
    %dma_start3A_43 = arith.constant 0 : i32
    %dma_start3A_44 = tpu.memref_slice %arg9[%dma_start3A_43] : memref<100000xf32, #tpu.memory_space<hbm>> -> memref<100000xf32, #tpu.memory_space<hbm>>
    tpu.enqueue_indirect_dma source(%dma_start3A_44 : memref<100000xf32, #tpu.memory_space<hbm>>) target(%dma_start3A_40 : memref<128xf32, #tpu.memory_space<vmem>>) offsets(%dma_start3A_42 : memref<128xi32, #tpu.memory_space<vmem>>) semaphore(%arg25 : memref<!tpu.dma_semaphore, #tpu.memory_space<semaphore_mem>>)
    %dma_start3A_45 = arith.constant 256 : i32
    %dma_start3A_46 = tpu.memref_slice %arg22[%dma_start3A_45] : memref<512xf32, #tpu.memory_space<vmem>> -> memref<128xf32, #tpu.memory_space<vmem>>
    %dma_start3A_47 = arith.constant 256 : i32
    %dma_start3A_48 = tpu.memref_slice %arg14[%dma_start3A_47] : memref<512xi32, #tpu.memory_space<vmem>> -> memref<128xi32, #tpu.memory_space<vmem>>
    %dma_start3A_49 = arith.constant 0 : i32
    %dma_start3A_50 = tpu.memref_slice %arg9[%dma_start3A_49] : memref<100000xf32, #tpu.memory_space<hbm>> -> memref<100000xf32, #tpu.memory_space<hbm>>
    tpu.enqueue_indirect_dma source(%dma_start3A_50 : memref<100000xf32, #tpu.memory_space<hbm>>) target(%dma_start3A_46 : memref<128xf32, #tpu.memory_space<vmem>>) offsets(%dma_start3A_48 : memref<128xi32, #tpu.memory_space<vmem>>) semaphore(%arg25 : memref<!tpu.dma_semaphore, #tpu.memory_space<semaphore_mem>>)
    %dma_start3A_51 = arith.constant 384 : i32
    %dma_start3A_52 = tpu.memref_slice %arg22[%dma_start3A_51] : memref<512xf32, #tpu.memory_space<vmem>> -> memref<128xf32, #tpu.memory_space<vmem>>
    %dma_start3A_53 = arith.constant 384 : i32
    %dma_start3A_54 = tpu.memref_slice %arg14[%dma_start3A_53] : memref<512xi32, #tpu.memory_space<vmem>> -> memref<128xi32, #tpu.memory_space<vmem>>
    %dma_start3A_55 = arith.constant 0 : i32
    %dma_start3A_56 = tpu.memref_slice %arg9[%dma_start3A_55] : memref<100000xf32, #tpu.memory_space<hbm>> -> memref<100000xf32, #tpu.memory_space<hbm>>
    tpu.enqueue_indirect_dma source(%dma_start3A_56 : memref<100000xf32, #tpu.memory_space<hbm>>) target(%dma_start3A_52 : memref<128xf32, #tpu.memory_space<vmem>>) offsets(%dma_start3A_54 : memref<128xi32, #tpu.memory_space<vmem>>) semaphore(%arg25 : memref<!tpu.dma_semaphore, #tpu.memory_space<semaphore_mem>>)
    %add3A_57 = arith.constant 0 : i32
    %add3A_58 = arith.addi %mul3A_2, %add3A_57 : i32
    %dma_start3A_59 = arith.constant 0 : i32
    %dma_start3A_60 = arith.constant 0 : i32
    %dma_start3A_61 = arith.constant 0 : i32
    %dma_start3A_62 = tpu.memref_slice %arg15[%dma_start3A_59, %dma_start3A_60, %dma_start3A_61] : memref<2x16x512xf32, #tpu.memory_space<vmem>> -> memref<1x8x512xf32, #tpu.memory_space<vmem>>
    %dma_start3A_63 = tpu.memref_squeeze %dma_start3A_62 : memref<1x8x512xf32, #tpu.memory_space<vmem>> -> memref<8x512xf32, #tpu.memory_space<vmem>>
    %dma_start3A_64 = arith.constant 0 : i32
    %dma_start3A_65 = tpu.memref_slice %arg13[%dma_start3A_64] : memref<512xi32, #tpu.memory_space<vmem>> -> memref<8xi32, #tpu.memory_space<vmem>>
    %dma_start3A_66 = arith.constant 0 : i32
    %dma_start3A_67 = arith.constant 0 : i32
    %dma_start3A_68 = tpu.memref_slice %arg6[%dma_start3A_66, %dma_start3A_67] : memref<100000x512xf32, #tpu.memory_space<hbm>> -> memref<100000x512xf32, #tpu.memory_space<hbm>>
    tpu.enqueue_indirect_dma source(%dma_start3A_68 : memref<100000x512xf32, #tpu.memory_space<hbm>>) target(%dma_start3A_63 : memref<8x512xf32, #tpu.memory_space<vmem>>) offsets(%dma_start3A_65 : memref<8xi32, #tpu.memory_space<vmem>>) semaphore(%arg25 : memref<!tpu.dma_semaphore, #tpu.memory_space<semaphore_mem>>)
    %dma_start3A_69 = arith.constant 0 : i32
    %dma_start3A_70 = arith.constant 0 : i32
    %dma_start3A_71 = arith.constant 0 : i32
    %dma_start3A_72 = tpu.memref_slice %arg16[%dma_start3A_69, %dma_start3A_70, %dma_start3A_71] : memref<2x16x512xf32, #tpu.memory_space<vmem>> -> memref<1x8x512xf32, #tpu.memory_space<vmem>>
    %dma_start3A_73 = tpu.memref_squeeze %dma_start3A_72 : memref<1x8x512xf32, #tpu.memory_space<vmem>> -> memref<8x512xf32, #tpu.memory_space<vmem>>
    %dma_start3A_74 = arith.constant 0 : i32
    %dma_start3A_75 = tpu.memref_slice %arg14[%dma_start3A_74] : memref<512xi32, #tpu.memory_space<vmem>> -> memref<8xi32, #tpu.memory_space<vmem>>
    %dma_start3A_76 = arith.constant 0 : i32
    %dma_start3A_77 = arith.constant 0 : i32
    %dma_start3A_78 = tpu.memref_slice %arg7[%dma_start3A_76, %dma_start3A_77] : memref<100000x512xf32, #tpu.memory_space<hbm>> -> memref<100000x512xf32, #tpu.memory_space<hbm>>
    tpu.enqueue_indirect_dma source(%dma_start3A_78 : memref<100000x512xf32, #tpu.memory_space<hbm>>) target(%dma_start3A_73 : memref<8x512xf32, #tpu.memory_space<vmem>>) offsets(%dma_start3A_75 : memref<8xi32, #tpu.memory_space<vmem>>) semaphore(%arg25 : memref<!tpu.dma_semaphore, #tpu.memory_space<semaphore_mem>>)
    %dma_start3A_79 = arith.constant 0 : i32
    %dma_start3A_80 = arith.constant 0 : i32
    %dma_start3A_81 = arith.constant 0 : i32
    %dma_start3A_82 = tpu.memref_slice %arg17[%dma_start3A_79, %dma_start3A_80, %dma_start3A_81] : memref<2x16x512xf32, #tpu.memory_space<vmem>> -> memref<1x8x512xf32, #tpu.memory_space<vmem>>
    %dma_start3A_83 = tpu.memref_squeeze %dma_start3A_82 : memref<1x8x512xf32, #tpu.memory_space<vmem>> -> memref<8x512xf32, #tpu.memory_space<vmem>>
    %dma_start3A_84 = arith.constant 0 : i32
    %dma_start3A_85 = tpu.memref_slice %arg13[%dma_start3A_84] : memref<512xi32, #tpu.memory_space<vmem>> -> memref<8xi32, #tpu.memory_space<vmem>>
    %dma_start3A_86 = arith.constant 0 : i32
    %dma_start3A_87 = arith.constant 0 : i32
    %dma_start3A_88 = tpu.memref_slice %arg10[%dma_start3A_86, %dma_start3A_87] : memref<100000x512xf32, #tpu.memory_space<hbm>> -> memref<100000x512xf32, #tpu.memory_space<hbm>>
    tpu.enqueue_indirect_dma source(%dma_start3A_88 : memref<100000x512xf32, #tpu.memory_space<hbm>>) target(%dma_start3A_83 : memref<8x512xf32, #tpu.memory_space<vmem>>) offsets(%dma_start3A_85 : memref<8xi32, #tpu.memory_space<vmem>>) semaphore(%arg25 : memref<!tpu.dma_semaphore, #tpu.memory_space<semaphore_mem>>)
    %dma_start3A_89 = arith.constant 0 : i32
    %dma_start3A_90 = arith.constant 0 : i32
    %dma_start3A_91 = arith.constant 0 : i32
    %dma_start3A_92 = tpu.memref_slice %arg18[%dma_start3A_89, %dma_start3A_90, %dma_start3A_91] : memref<2x16x512xf32, #tpu.memory_space<vmem>> -> memref<1x8x512xf32, #tpu.memory_space<vmem>>
    %dma_start3A_93 = tpu.memref_squeeze %dma_start3A_92 : memref<1x8x512xf32, #tpu.memory_space<vmem>> -> memref<8x512xf32, #tpu.memory_space<vmem>>
    %dma_start3A_94 = arith.constant 0 : i32
    %dma_start3A_95 = tpu.memref_slice %arg13[%dma_start3A_94] : memref<512xi32, #tpu.memory_space<vmem>> -> memref<8xi32, #tpu.memory_space<vmem>>
    %dma_start3A_96 = arith.constant 0 : i32
    %dma_start3A_97 = arith.constant 0 : i32
    %dma_start3A_98 = tpu.memref_slice %arg11[%dma_start3A_96, %dma_start3A_97] : memref<100000x512xf32, #tpu.memory_space<hbm>> -> memref<100000x512xf32, #tpu.memory_space<hbm>>
    tpu.enqueue_indirect_dma source(%dma_start3A_98 : memref<100000x512xf32, #tpu.memory_space<hbm>>) target(%dma_start3A_93 : memref<8x512xf32, #tpu.memory_space<vmem>>) offsets(%dma_start3A_95 : memref<8xi32, #tpu.memory_space<vmem>>) semaphore(%arg25 : memref<!tpu.dma_semaphore, #tpu.memory_space<semaphore_mem>>)
    %dma_start3A_99 = arith.constant 0 : i32
    %dma_start3A_100 = arith.constant 8 : i32
    %dma_start3A_101 = arith.constant 0 : i32
    %dma_start3A_102 = tpu.memref_slice %arg15[%dma_start3A_99, %dma_start3A_100, %dma_start3A_101] : memref<2x16x512xf32, #tpu.memory_space<vmem>> -> memref<1x8x512xf32, #tpu.memory_space<vmem>>
    %dma_start3A_103 = tpu.memref_squeeze %dma_start3A_102 : memref<1x8x512xf32, #tpu.memory_space<vmem>> -> memref<8x512xf32, #tpu.memory_space<vmem>>
    %dma_start3A_104 = arith.constant 8 : i32
    %dma_start3A_105 = tpu.memref_slice %arg13[%dma_start3A_104] : memref<512xi32, #tpu.memory_space<vmem>> -> memref<8xi32, #tpu.memory_space<vmem>>
    %dma_start3A_106 = arith.constant 0 : i32
    %dma_start3A_107 = arith.constant 0 : i32
    %dma_start3A_108 = tpu.memref_slice %arg6[%dma_start3A_106, %dma_start3A_107] : memref<100000x512xf32, #tpu.memory_space<hbm>> -> memref<100000x512xf32, #tpu.memory_space<hbm>>
    tpu.enqueue_indirect_dma source(%dma_start3A_108 : memref<100000x512xf32, #tpu.memory_space<hbm>>) target(%dma_start3A_103 : memref<8x512xf32, #tpu.memory_space<vmem>>) offsets(%dma_start3A_105 : memref<8xi32, #tpu.memory_space<vmem>>) semaphore(%arg25 : memref<!tpu.dma_semaphore, #tpu.memory_space<semaphore_mem>>)
    %dma_start3A_109 = arith.constant 0 : i32
    %dma_start3A_110 = arith.constant 8 : i32
    %dma_start3A_111 = arith.constant 0 : i32
    %dma_start3A_112 = tpu.memref_slice %arg16[%dma_start3A_109, %dma_start3A_110, %dma_start3A_111] : memref<2x16x512xf32, #tpu.memory_space<vmem>> -> memref<1x8x512xf32, #tpu.memory_space<vmem>>
    %dma_start3A_113 = tpu.memref_squeeze %dma_start3A_112 : memref<1x8x512xf32, #tpu.memory_space<vmem>> -> memref<8x512xf32, #tpu.memory_space<vmem>>
    %dma_start3A_114 = arith.constant 8 : i32
    %dma_start3A_115 = tpu.memref_slice %arg14[%dma_start3A_114] : memref<512xi32, #tpu.memory_space<vmem>> -> memref<8xi32, #tpu.memory_space<vmem>>
    %dma_start3A_116 = arith.constant 0 : i32
    %dma_start3A_117 = arith.constant 0 : i32
    %dma_start3A_118 = tpu.memref_slice %arg7[%dma_start3A_116, %dma_start3A_117] : memref<100000x512xf32, #tpu.memory_space<hbm>> -> memref<100000x512xf32, #tpu.memory_space<hbm>>
    tpu.enqueue_indirect_dma source(%dma_start3A_118 : memref<100000x512xf32, #tpu.memory_space<hbm>>) target(%dma_start3A_113 : memref<8x512xf32, #tpu.memory_space<vmem>>) offsets(%dma_start3A_115 : memref<8xi32, #tpu.memory_space<vmem>>) semaphore(%arg25 : memref<!tpu.dma_semaphore, #tpu.memory_space<semaphore_mem>>)
    %dma_start3A_119 = arith.constant 0 : i32
    %dma_start3A_120 = arith.constant 8 : i32
    %dma_start3A_121 = arith.constant 0 : i32
    %dma_start3A_122 = tpu.memref_slice %arg17[%dma_start3A_119, %dma_start3A_120, %dma_start3A_121] : memref<2x16x512xf32, #tpu.memory_space<vmem>> -> memref<1x8x512xf32, #tpu.memory_space<vmem>>
    %dma_start3A_123 = tpu.memref_squeeze %dma_start3A_122 : memref<1x8x512xf32, #tpu.memory_space<vmem>> -> memref<8x512xf32, #tpu.memory_space<vmem>>
    %dma_start3A_124 = arith.constant 8 : i32
    %dma_start3A_125 = tpu.memref_slice %arg13[%dma_start3A_124] : memref<512xi32, #tpu.memory_space<vmem>> -> memref<8xi32, #tpu.memory_space<vmem>>
    %dma_start3A_126 = arith.constant 0 : i32
    %dma_start3A_127 = arith.constant 0 : i32
    %dma_start3A_128 = tpu.memref_slice %arg10[%dma_start3A_126, %dma_start3A_127] : memref<100000x512xf32, #tpu.memory_space<hbm>> -> memref<100000x512xf32, #tpu.memory_space<hbm>>
    tpu.enqueue_indirect_dma source(%dma_start3A_128 : memref<100000x512xf32, #tpu.memory_space<hbm>>) target(%dma_start3A_123 : memref<8x512xf32, #tpu.memory_space<vmem>>) offsets(%dma_start3A_125 : memref<8xi32, #tpu.memory_space<vmem>>) semaphore(%arg25 : memref<!tpu.dma_semaphore, #tpu.memory_space<semaphore_mem>>)
    %dma_start3A_129 = arith.constant 0 : i32
    %dma_start3A_130 = arith.constant 8 : i32
    %dma_start3A_131 = arith.constant 0 : i32
    %dma_start3A_132 = tpu.memref_slice %arg18[%dma_start3A_129, %dma_start3A_130, %dma_start3A_131] : memref<2x16x512xf32, #tpu.memory_space<vmem>> -> memref<1x8x512xf32, #tpu.memory_space<vmem>>
    %dma_start3A_133 = tpu.memref_squeeze %dma_start3A_132 : memref<1x8x512xf32, #tpu.memory_space<vmem>> -> memref<8x512xf32, #tpu.memory_space<vmem>>
    %dma_start3A_134 = arith.constant 8 : i32
    %dma_start3A_135 = tpu.memref_slice %arg13[%dma_start3A_134] : memref<512xi32, #tpu.memory_space<vmem>> -> memref<8xi32, #tpu.memory_space<vmem>>
    %dma_start3A_136 = arith.constant 0 : i32
    %dma_start3A_137 = arith.constant 0 : i32
    %dma_start3A_138 = tpu.memref_slice %arg11[%dma_start3A_136, %dma_start3A_137] : memref<100000x512xf32, #tpu.memory_space<hbm>> -> memref<100000x512xf32, #tpu.memory_space<hbm>>
    tpu.enqueue_indirect_dma source(%dma_start3A_138 : memref<100000x512xf32, #tpu.memory_space<hbm>>) target(%dma_start3A_133 : memref<8x512xf32, #tpu.memory_space<vmem>>) offsets(%dma_start3A_135 : memref<8xi32, #tpu.memory_space<vmem>>) semaphore(%arg25 : memref<!tpu.dma_semaphore, #tpu.memory_space<semaphore_mem>>)
    %dma_start3A_139 = arith.constant 0 : i32
    %dma_start3A_140 = arith.constant 0 : i32
    %dma_start3A_141 = arith.constant 0 : i32
    %dma_start3A_142 = tpu.memref_slice %arg19[%dma_start3A_139, %dma_start3A_140, %dma_start3A_141] : memref<2x16x512xf32, #tpu.memory_space<vmem>> -> memref<1x16x512xf32, #tpu.memory_space<vmem>>
    %dma_start3A_143 = tpu.memref_squeeze %dma_start3A_142 : memref<1x16x512xf32, #tpu.memory_space<vmem>> -> memref<16x512xf32, #tpu.memory_space<vmem>>
    %dma_start3A_144 = arith.constant 0 : i32
    %dma_start3A_145 = tpu.memref_slice %arg4[%add3A_58, %dma_start3A_144] : memref<16384x512xf32, #tpu.memory_space<hbm>> -> memref<16x512xf32, #tpu.memory_space<hbm>>
    %dma_start3A_146 = arith.constant 0 : i32
    %dma_start3A_147 = arith.constant 0 : i32
    %dma_start3A_148 = tpu.memref_slice %arg19[%dma_start3A_139, %dma_start3A_146, %dma_start3A_147] : memref<2x16x512xf32, #tpu.memory_space<vmem>> -> memref<1x16x512xf32, #tpu.memory_space<vmem>>
    %dma_start3A_149 = tpu.memref_squeeze %dma_start3A_148 : memref<1x16x512xf32, #tpu.memory_space<vmem>> -> memref<16x512xf32, #tpu.memory_space<vmem>>
    %dma_start3A_150 = arith.constant 0 : i32
    %dma_start3A_151 = tpu.memref_slice %arg4[%add3A_58, %dma_start3A_150] : memref<16384x512xf32, #tpu.memory_space<hbm>> -> memref<16x512xf32, #tpu.memory_space<hbm>>
    tpu.enqueue_dma source(%dma_start3A_151 : memref<16x512xf32, #tpu.memory_space<hbm>>) target(%dma_start3A_149 : memref<16x512xf32, #tpu.memory_space<vmem>>) target_semaphore(%arg25 : memref<!tpu.dma_semaphore, #tpu.memory_space<semaphore_mem>>)
    %dma_start3A_152 = arith.constant 0 : i32
    %dma_start3A_153 = arith.constant 0 : i32
    %dma_start3A_154 = arith.constant 0 : i32
    %dma_start3A_155 = tpu.memref_slice %arg20[%dma_start3A_152, %dma_start3A_153, %dma_start3A_154] : memref<2x16x512xf32, #tpu.memory_space<vmem>> -> memref<1x16x512xf32, #tpu.memory_space<vmem>>
    %dma_start3A_156 = tpu.memref_squeeze %dma_start3A_155 : memref<1x16x512xf32, #tpu.memory_space<vmem>> -> memref<16x512xf32, #tpu.memory_space<vmem>>
    %dma_start3A_157 = arith.constant 0 : i32
    %dma_start3A_158 = tpu.memref_slice %arg5[%add3A_58, %dma_start3A_157] : memref<16384x512xf32, #tpu.memory_space<hbm>> -> memref<16x512xf32, #tpu.memory_space<hbm>>
    %dma_start3A_159 = arith.constant 0 : i32
    %dma_start3A_160 = arith.constant 0 : i32
    %dma_start3A_161 = tpu.memref_slice %arg20[%dma_start3A_152, %dma_start3A_159, %dma_start3A_160] : memref<2x16x512xf32, #tpu.memory_space<vmem>> -> memref<1x16x512xf32, #tpu.memory_space<vmem>>
    %dma_start3A_162 = tpu.memref_squeeze %dma_start3A_161 : memref<1x16x512xf32, #tpu.memory_space<vmem>> -> memref<16x512xf32, #tpu.memory_space<vmem>>
    %dma_start3A_163 = arith.constant 0 : i32
    %dma_start3A_164 = tpu.memref_slice %arg5[%add3A_58, %dma_start3A_163] : memref<16384x512xf32, #tpu.memory_space<hbm>> -> memref<16x512xf32, #tpu.memory_space<hbm>>
    tpu.enqueue_dma source(%dma_start3A_164 : memref<16x512xf32, #tpu.memory_space<hbm>>) target(%dma_start3A_162 : memref<16x512xf32, #tpu.memory_space<vmem>>) target_semaphore(%arg25 : memref<!tpu.dma_semaphore, #tpu.memory_space<semaphore_mem>>)
    %add3A_165 = arith.constant 16 : i32
    %add3A_166 = arith.addi %mul3A_2, %add3A_165 : i32
    %dma_start3A_167 = arith.constant 1 : i32
    %dma_start3A_168 = arith.constant 0 : i32
    %dma_start3A_169 = arith.constant 0 : i32
    %dma_start3A_170 = tpu.memref_slice %arg15[%dma_start3A_167, %dma_start3A_168, %dma_start3A_169] : memref<2x16x512xf32, #tpu.memory_space<vmem>> -> memref<1x8x512xf32, #tpu.memory_space<vmem>>
    %dma_start3A_171 = tpu.memref_squeeze %dma_start3A_170 : memref<1x8x512xf32, #tpu.memory_space<vmem>> -> memref<8x512xf32, #tpu.memory_space<vmem>>
    %dma_start3A_172 = arith.constant 16 : i32
    %dma_start3A_173 = tpu.memref_slice %arg13[%dma_start3A_172] : memref<512xi32, #tpu.memory_space<vmem>> -> memref<8xi32, #tpu.memory_space<vmem>>
    %dma_start3A_174 = arith.constant 0 : i32
    %dma_start3A_175 = arith.constant 0 : i32
    %dma_start3A_176 = tpu.memref_slice %arg6[%dma_start3A_174, %dma_start3A_175] : memref<100000x512xf32, #tpu.memory_space<hbm>> -> memref<100000x512xf32, #tpu.memory_space<hbm>>
    tpu.enqueue_indirect_dma source(%dma_start3A_176 : memref<100000x512xf32, #tpu.memory_space<hbm>>) target(%dma_start3A_171 : memref<8x512xf32, #tpu.memory_space<vmem>>) offsets(%dma_start3A_173 : memref<8xi32, #tpu.memory_space<vmem>>) semaphore(%arg26 : memref<!tpu.dma_semaphore, #tpu.memory_space<semaphore_mem>>)
    %dma_start3A_177 = arith.constant 1 : i32
    %dma_start3A_178 = arith.constant 0 : i32
    %dma_start3A_179 = arith.constant 0 : i32
    %dma_start3A_180 = tpu.memref_slice %arg16[%dma_start3A_177, %dma_start3A_178, %dma_start3A_179] : memref<2x16x512xf32, #tpu.memory_space<vmem>> -> memref<1x8x512xf32, #tpu.memory_space<vmem>>
    %dma_start3A_181 = tpu.memref_squeeze %dma_start3A_180 : memref<1x8x512xf32, #tpu.memory_space<vmem>> -> memref<8x512xf32, #tpu.memory_space<vmem>>
    %dma_start3A_182 = arith.constant 16 : i32
    %dma_start3A_183 = tpu.memref_slice %arg14[%dma_start3A_182] : memref<512xi32, #tpu.memory_space<vmem>> -> memref<8xi32, #tpu.memory_space<vmem>>
    %dma_start3A_184 = arith.constant 0 : i32
    %dma_start3A_185 = arith.constant 0 : i32
    %dma_start3A_186 = tpu.memref_slice %arg7[%dma_start3A_184, %dma_start3A_185] : memref<100000x512xf32, #tpu.memory_space<hbm>> -> memref<100000x512xf32, #tpu.memory_space<hbm>>
    tpu.enqueue_indirect_dma source(%dma_start3A_186 : memref<100000x512xf32, #tpu.memory_space<hbm>>) target(%dma_start3A_181 : memref<8x512xf32, #tpu.memory_space<vmem>>) offsets(%dma_start3A_183 : memref<8xi32, #tpu.memory_space<vmem>>) semaphore(%arg26 : memref<!tpu.dma_semaphore, #tpu.memory_space<semaphore_mem>>)
    %dma_start3A_187 = arith.constant 1 : i32
    %dma_start3A_188 = arith.constant 0 : i32
    %dma_start3A_189 = arith.constant 0 : i32
    %dma_start3A_190 = tpu.memref_slice %arg17[%dma_start3A_187, %dma_start3A_188, %dma_start3A_189] : memref<2x16x512xf32, #tpu.memory_space<vmem>> -> memref<1x8x512xf32, #tpu.memory_space<vmem>>
    %dma_start3A_191 = tpu.memref_squeeze %dma_start3A_190 : memref<1x8x512xf32, #tpu.memory_space<vmem>> -> memref<8x512xf32, #tpu.memory_space<vmem>>
    %dma_start3A_192 = arith.constant 16 : i32
    %dma_start3A_193 = tpu.memref_slice %arg13[%dma_start3A_192] : memref<512xi32, #tpu.memory_space<vmem>> -> memref<8xi32, #tpu.memory_space<vmem>>
    %dma_start3A_194 = arith.constant 0 : i32
    %dma_start3A_195 = arith.constant 0 : i32
    %dma_start3A_196 = tpu.memref_slice %arg10[%dma_start3A_194, %dma_start3A_195] : memref<100000x512xf32, #tpu.memory_space<hbm>> -> memref<100000x512xf32, #tpu.memory_space<hbm>>
    tpu.enqueue_indirect_dma source(%dma_start3A_196 : memref<100000x512xf32, #tpu.memory_space<hbm>>) target(%dma_start3A_191 : memref<8x512xf32, #tpu.memory_space<vmem>>) offsets(%dma_start3A_193 : memref<8xi32, #tpu.memory_space<vmem>>) semaphore(%arg26 : memref<!tpu.dma_semaphore, #tpu.memory_space<semaphore_mem>>)
    %dma_start3A_197 = arith.constant 1 : i32
    %dma_start3A_198 = arith.constant 0 : i32
    %dma_start3A_199 = arith.constant 0 : i32
    %dma_start3A_200 = tpu.memref_slice %arg18[%dma_start3A_197, %dma_start3A_198, %dma_start3A_199] : memref<2x16x512xf32, #tpu.memory_space<vmem>> -> memref<1x8x512xf32, #tpu.memory_space<vmem>>
    %dma_start3A_201 = tpu.memref_squeeze %dma_start3A_200 : memref<1x8x512xf32, #tpu.memory_space<vmem>> -> memref<8x512xf32, #tpu.memory_space<vmem>>
    %dma_start3A_202 = arith.constant 16 : i32
    %dma_start3A_203 = tpu.memref_slice %arg13[%dma_start3A_202] : memref<512xi32, #tpu.memory_space<vmem>> -> memref<8xi32, #tpu.memory_space<vmem>>
    %dma_start3A_204 = arith.constant 0 : i32
    %dma_start3A_205 = arith.constant 0 : i32
    %dma_start3A_206 = tpu.memref_slice %arg11[%dma_start3A_204, %dma_start3A_205] : memref<100000x512xf32, #tpu.memory_space<hbm>> -> memref<100000x512xf32, #tpu.memory_space<hbm>>
    tpu.enqueue_indirect_dma source(%dma_start3A_206 : memref<100000x512xf32, #tpu.memory_space<hbm>>) target(%dma_start3A_201 : memref<8x512xf32, #tpu.memory_space<vmem>>) offsets(%dma_start3A_203 : memref<8xi32, #tpu.memory_space<vmem>>) semaphore(%arg26 : memref<!tpu.dma_semaphore, #tpu.memory_space<semaphore_mem>>)
    %dma_start3A_207 = arith.constant 1 : i32
    %dma_start3A_208 = arith.constant 8 : i32
    %dma_start3A_209 = arith.constant 0 : i32
    %dma_start3A_210 = tpu.memref_slice %arg15[%dma_start3A_207, %dma_start3A_208, %dma_start3A_209] : memref<2x16x512xf32, #tpu.memory_space<vmem>> -> memref<1x8x512xf32, #tpu.memory_space<vmem>>
    %dma_start3A_211 = tpu.memref_squeeze %dma_start3A_210 : memref<1x8x512xf32, #tpu.memory_space<vmem>> -> memref<8x512xf32, #tpu.memory_space<vmem>>
    %dma_start3A_212 = arith.constant 24 : i32
    %dma_start3A_213 = tpu.memref_slice %arg13[%dma_start3A_212] : memref<512xi32, #tpu.memory_space<vmem>> -> memref<8xi32, #tpu.memory_space<vmem>>
    %dma_start3A_214 = arith.constant 0 : i32
    %dma_start3A_215 = arith.constant 0 : i32
    %dma_start3A_216 = tpu.memref_slice %arg6[%dma_start3A_214, %dma_start3A_215] : memref<100000x512xf32, #tpu.memory_space<hbm>> -> memref<100000x512xf32, #tpu.memory_space<hbm>>
    tpu.enqueue_indirect_dma source(%dma_start3A_216 : memref<100000x512xf32, #tpu.memory_space<hbm>>) target(%dma_start3A_211 : memref<8x512xf32, #tpu.memory_space<vmem>>) offsets(%dma_start3A_213 : memref<8xi32, #tpu.memory_space<vmem>>) semaphore(%arg26 : memref<!tpu.dma_semaphore, #tpu.memory_space<semaphore_mem>>)
    %dma_start3A_217 = arith.constant 1 : i32
    %dma_start3A_218 = arith.constant 8 : i32
    %dma_start3A_219 = arith.constant 0 : i32
    %dma_start3A_220 = tpu.memref_slice %arg16[%dma_start3A_217, %dma_start3A_218, %dma_start3A_219] : memref<2x16x512xf32, #tpu.memory_space<vmem>> -> memref<1x8x512xf32, #tpu.memory_space<vmem>>
    %dma_start3A_221 = tpu.memref_squeeze %dma_start3A_220 : memref<1x8x512xf32, #tpu.memory_space<vmem>> -> memref<8x512xf32, #tpu.memory_space<vmem>>
    %dma_start3A_222 = arith.constant 24 : i32
    %dma_start3A_223 = tpu.memref_slice %arg14[%dma_start3A_222] : memref<512xi32, #tpu.memory_space<vmem>> -> memref<8xi32, #tpu.memory_space<vmem>>
    %dma_start3A_224 = arith.constant 0 : i32
    %dma_start3A_225 = arith.constant 0 : i32
    %dma_start3A_226 = tpu.memref_slice %arg7[%dma_start3A_224, %dma_start3A_225] : memref<100000x512xf32, #tpu.memory_space<hbm>> -> memref<100000x512xf32, #tpu.memory_space<hbm>>
    tpu.enqueue_indirect_dma source(%dma_start3A_226 : memref<100000x512xf32, #tpu.memory_space<hbm>>) target(%dma_start3A_221 : memref<8x512xf32, #tpu.memory_space<vmem>>) offsets(%dma_start3A_223 : memref<8xi32, #tpu.memory_space<vmem>>) semaphore(%arg26 : memref<!tpu.dma_semaphore, #tpu.memory_space<semaphore_mem>>)
    %dma_start3A_227 = arith.constant 1 : i32
    %dma_start3A_228 = arith.constant 8 : i32
    %dma_start3A_229 = arith.constant 0 : i32
    %dma_start3A_230 = tpu.memref_slice %arg17[%dma_start3A_227, %dma_start3A_228, %dma_start3A_229] : memref<2x16x512xf32, #tpu.memory_space<vmem>> -> memref<1x8x512xf32, #tpu.memory_space<vmem>>
    %dma_start3A_231 = tpu.memref_squeeze %dma_start3A_230 : memref<1x8x512xf32, #tpu.memory_space<vmem>> -> memref<8x512xf32, #tpu.memory_space<vmem>>
    %dma_start3A_232 = arith.constant 24 : i32
    %dma_start3A_233 = tpu.memref_slice %arg13[%dma_start3A_232] : memref<512xi32, #tpu.memory_space<vmem>> -> memref<8xi32, #tpu.memory_space<vmem>>
    %dma_start3A_234 = arith.constant 0 : i32
    %dma_start3A_235 = arith.constant 0 : i32
    %dma_start3A_236 = tpu.memref_slice %arg10[%dma_start3A_234, %dma_start3A_235] : memref<100000x512xf32, #tpu.memory_space<hbm>> -> memref<100000x512xf32, #tpu.memory_space<hbm>>
    tpu.enqueue_indirect_dma source(%dma_start3A_236 : memref<100000x512xf32, #tpu.memory_space<hbm>>) target(%dma_start3A_231 : memref<8x512xf32, #tpu.memory_space<vmem>>) offsets(%dma_start3A_233 : memref<8xi32, #tpu.memory_space<vmem>>) semaphore(%arg26 : memref<!tpu.dma_semaphore, #tpu.memory_space<semaphore_mem>>)
    %dma_start3A_237 = arith.constant 1 : i32
    %dma_start3A_238 = arith.constant 8 : i32
    %dma_start3A_239 = arith.constant 0 : i32
    %dma_start3A_240 = tpu.memref_slice %arg18[%dma_start3A_237, %dma_start3A_238, %dma_start3A_239] : memref<2x16x512xf32, #tpu.memory_space<vmem>> -> memref<1x8x512xf32, #tpu.memory_space<vmem>>
    %dma_start3A_241 = tpu.memref_squeeze %dma_start3A_240 : memref<1x8x512xf32, #tpu.memory_space<vmem>> -> memref<8x512xf32, #tpu.memory_space<vmem>>
    %dma_start3A_242 = arith.constant 24 : i32
    %dma_start3A_243 = tpu.memref_slice %arg13[%dma_start3A_242] : memref<512xi32, #tpu.memory_space<vmem>> -> memref<8xi32, #tpu.memory_space<vmem>>
    %dma_start3A_244 = arith.constant 0 : i32
    %dma_start3A_245 = arith.constant 0 : i32
    %dma_start3A_246 = tpu.memref_slice %arg11[%dma_start3A_244, %dma_start3A_245] : memref<100000x512xf32, #tpu.memory_space<hbm>> -> memref<100000x512xf32, #tpu.memory_space<hbm>>
    tpu.enqueue_indirect_dma source(%dma_start3A_246 : memref<100000x512xf32, #tpu.memory_space<hbm>>) target(%dma_start3A_241 : memref<8x512xf32, #tpu.memory_space<vmem>>) offsets(%dma_start3A_243 : memref<8xi32, #tpu.memory_space<vmem>>) semaphore(%arg26 : memref<!tpu.dma_semaphore, #tpu.memory_space<semaphore_mem>>)
    %dma_start3A_247 = arith.constant 1 : i32
    %dma_start3A_248 = arith.constant 0 : i32
    %dma_start3A_249 = arith.constant 0 : i32
    %dma_start3A_250 = tpu.memref_slice %arg19[%dma_start3A_247, %dma_start3A_248, %dma_start3A_249] : memref<2x16x512xf32, #tpu.memory_space<vmem>> -> memref<1x16x512xf32, #tpu.memory_space<vmem>>
    %dma_start3A_251 = tpu.memref_squeeze %dma_start3A_250 : memref<1x16x512xf32, #tpu.memory_space<vmem>> -> memref<16x512xf32, #tpu.memory_space<vmem>>
    %dma_start3A_252 = arith.constant 0 : i32
    %dma_start3A_253 = tpu.memref_slice %arg4[%add3A_166, %dma_start3A_252] : memref<16384x512xf32, #tpu.memory_space<hbm>> -> memref<16x512xf32, #tpu.memory_space<hbm>>
    %dma_start3A_254 = arith.constant 0 : i32
    %dma_start3A_255 = arith.constant 0 : i32
    %dma_start3A_256 = tpu.memref_slice %arg19[%dma_start3A_247, %dma_start3A_254, %dma_start3A_255] : memref<2x16x512xf32, #tpu.memory_space<vmem>> -> memref<1x16x512xf32, #tpu.memory_space<vmem>>
    %dma_start3A_257 = tpu.memref_squeeze %dma_start3A_256 : memref<1x16x512xf32, #tpu.memory_space<vmem>> -> memref<16x512xf32, #tpu.memory_space<vmem>>
    %dma_start3A_258 = arith.constant 0 : i32
    %dma_start3A_259 = tpu.memref_slice %arg4[%add3A_166, %dma_start3A_258] : memref<16384x512xf32, #tpu.memory_space<hbm>> -> memref<16x512xf32, #tpu.memory_space<hbm>>
    tpu.enqueue_dma source(%dma_start3A_259 : memref<16x512xf32, #tpu.memory_space<hbm>>) target(%dma_start3A_257 : memref<16x512xf32, #tpu.memory_space<vmem>>) target_semaphore(%arg26 : memref<!tpu.dma_semaphore, #tpu.memory_space<semaphore_mem>>)
    %dma_start3A_260 = arith.constant 1 : i32
    %dma_start3A_261 = arith.constant 0 : i32
    %dma_start3A_262 = arith.constant 0 : i32
    %dma_start3A_263 = tpu.memref_slice %arg20[%dma_start3A_260, %dma_start3A_261, %dma_start3A_262] : memref<2x16x512xf32, #tpu.memory_space<vmem>> -> memref<1x16x512xf32, #tpu.memory_space<vmem>>
    %dma_start3A_264 = tpu.memref_squeeze %dma_start3A_263 : memref<1x16x512xf32, #tpu.memory_space<vmem>> -> memref<16x512xf32, #tpu.memory_space<vmem>>
    %dma_start3A_265 = arith.constant 0 : i32
    %dma_start3A_266 = tpu.memref_slice %arg5[%add3A_166, %dma_start3A_265] : memref<16384x512xf32, #tpu.memory_space<hbm>> -> memref<16x512xf32, #tpu.memory_space<hbm>>
    %dma_start3A_267 = arith.constant 0 : i32
    %dma_start3A_268 = arith.constant 0 : i32
    %dma_start3A_269 = tpu.memref_slice %arg20[%dma_start3A_260, %dma_start3A_267, %dma_start3A_268] : memref<2x16x512xf32, #tpu.memory_space<vmem>> -> memref<1x16x512xf32, #tpu.memory_space<vmem>>
    %dma_start3A_270 = tpu.memref_squeeze %dma_start3A_269 : memref<1x16x512xf32, #tpu.memory_space<vmem>> -> memref<16x512xf32, #tpu.memory_space<vmem>>
    %dma_start3A_271 = arith.constant 0 : i32
    %dma_start3A_272 = tpu.memref_slice %arg5[%add3A_166, %dma_start3A_271] : memref<16384x512xf32, #tpu.memory_space<hbm>> -> memref<16x512xf32, #tpu.memory_space<hbm>>
    tpu.enqueue_dma source(%dma_start3A_272 : memref<16x512xf32, #tpu.memory_space<hbm>>) target(%dma_start3A_270 : memref<16x512xf32, #tpu.memory_space<vmem>>) target_semaphore(%arg26 : memref<!tpu.dma_semaphore, #tpu.memory_space<semaphore_mem>>)
    %dma_wait3A_273 = arith.constant 0 : i32
    %dma_wait3A_274 = tpu.memref_slice %arg21[%dma_wait3A_273] : memref<512xf32, #tpu.memory_space<vmem>> -> memref<128xf32, #tpu.memory_space<vmem>>
    %dma_wait3A_275 = arith.constant 0 : i32
    %dma_wait3A_276 = tpu.memref_slice %arg13[%dma_wait3A_275] : memref<512xi32, #tpu.memory_space<vmem>> -> memref<128xi32, #tpu.memory_space<vmem>>
    %dma_wait3A_277 = arith.constant 0 : i32
    %dma_wait3A_278 = tpu.memref_slice %arg8[%dma_wait3A_277] : memref<100000xf32, #tpu.memory_space<hbm>> -> memref<100000xf32, #tpu.memory_space<hbm>>
    tpu.wait_indirect_dma semaphore(%arg25 : memref<!tpu.dma_semaphore, #tpu.memory_space<semaphore_mem>>) src(%dma_wait3A_278 : memref<100000xf32, #tpu.memory_space<hbm>>) dst(%dma_wait3A_274 : memref<128xf32, #tpu.memory_space<vmem>>)
    %dma_wait3A_279 = arith.constant 128 : i32
    %dma_wait3A_280 = tpu.memref_slice %arg21[%dma_wait3A_279] : memref<512xf32, #tpu.memory_space<vmem>> -> memref<128xf32, #tpu.memory_space<vmem>>
    %dma_wait3A_281 = arith.constant 128 : i32
    %dma_wait3A_282 = tpu.memref_slice %arg13[%dma_wait3A_281] : memref<512xi32, #tpu.memory_space<vmem>> -> memref<128xi32, #tpu.memory_space<vmem>>
    %dma_wait3A_283 = arith.constant 0 : i32
    %dma_wait3A_284 = tpu.memref_slice %arg8[%dma_wait3A_283] : memref<100000xf32, #tpu.memory_space<hbm>> -> memref<100000xf32, #tpu.memory_space<hbm>>
    tpu.wait_indirect_dma semaphore(%arg25 : memref<!tpu.dma_semaphore, #tpu.memory_space<semaphore_mem>>) src(%dma_wait3A_284 : memref<100000xf32, #tpu.memory_space<hbm>>) dst(%dma_wait3A_280 : memref<128xf32, #tpu.memory_space<vmem>>)
    %dma_wait3A_285 = arith.constant 256 : i32
    %dma_wait3A_286 = tpu.memref_slice %arg21[%dma_wait3A_285] : memref<512xf32, #tpu.memory_space<vmem>> -> memref<128xf32, #tpu.memory_space<vmem>>
    %dma_wait3A_287 = arith.constant 256 : i32
    %dma_wait3A_288 = tpu.memref_slice %arg13[%dma_wait3A_287] : memref<512xi32, #tpu.memory_space<vmem>> -> memref<128xi32, #tpu.memory_space<vmem>>
    %dma_wait3A_289 = arith.constant 0 : i32
    %dma_wait3A_290 = tpu.memref_slice %arg8[%dma_wait3A_289] : memref<100000xf32, #tpu.memory_space<hbm>> -> memref<100000xf32, #tpu.memory_space<hbm>>
    tpu.wait_indirect_dma semaphore(%arg25 : memref<!tpu.dma_semaphore, #tpu.memory_space<semaphore_mem>>) src(%dma_wait3A_290 : memref<100000xf32, #tpu.memory_space<hbm>>) dst(%dma_wait3A_286 : memref<128xf32, #tpu.memory_space<vmem>>)
    %dma_wait3A_291 = arith.constant 384 : i32
    %dma_wait3A_292 = tpu.memref_slice %arg21[%dma_wait3A_291] : memref<512xf32, #tpu.memory_space<vmem>> -> memref<128xf32, #tpu.memory_space<vmem>>
    %dma_wait3A_293 = arith.constant 384 : i32
    %dma_wait3A_294 = tpu.memref_slice %arg13[%dma_wait3A_293] : memref<512xi32, #tpu.memory_space<vmem>> -> memref<128xi32, #tpu.memory_space<vmem>>
    %dma_wait3A_295 = arith.constant 0 : i32
    %dma_wait3A_296 = tpu.memref_slice %arg8[%dma_wait3A_295] : memref<100000xf32, #tpu.memory_space<hbm>> -> memref<100000xf32, #tpu.memory_space<hbm>>
    tpu.wait_indirect_dma semaphore(%arg25 : memref<!tpu.dma_semaphore, #tpu.memory_space<semaphore_mem>>) src(%dma_wait3A_296 : memref<100000xf32, #tpu.memory_space<hbm>>) dst(%dma_wait3A_292 : memref<128xf32, #tpu.memory_space<vmem>>)
    %dma_wait3A_297 = arith.constant 0 : i32
    %dma_wait3A_298 = tpu.memref_slice %arg22[%dma_wait3A_297] : memref<512xf32, #tpu.memory_space<vmem>> -> memref<128xf32, #tpu.memory_space<vmem>>
    %dma_wait3A_299 = arith.constant 0 : i32
    %dma_wait3A_300 = tpu.memref_slice %arg14[%dma_wait3A_299] : memref<512xi32, #tpu.memory_space<vmem>> -> memref<128xi32, #tpu.memory_space<vmem>>
    %dma_wait3A_301 = arith.constant 0 : i32
    %dma_wait3A_302 = tpu.memref_slice %arg9[%dma_wait3A_301] : memref<100000xf32, #tpu.memory_space<hbm>> -> memref<100000xf32, #tpu.memory_space<hbm>>
    tpu.wait_indirect_dma semaphore(%arg25 : memref<!tpu.dma_semaphore, #tpu.memory_space<semaphore_mem>>) src(%dma_wait3A_302 : memref<100000xf32, #tpu.memory_space<hbm>>) dst(%dma_wait3A_298 : memref<128xf32, #tpu.memory_space<vmem>>)
    %dma_wait3A_303 = arith.constant 128 : i32
    %dma_wait3A_304 = tpu.memref_slice %arg22[%dma_wait3A_303] : memref<512xf32, #tpu.memory_space<vmem>> -> memref<128xf32, #tpu.memory_space<vmem>>
    %dma_wait3A_305 = arith.constant 128 : i32
    %dma_wait3A_306 = tpu.memref_slice %arg14[%dma_wait3A_305] : memref<512xi32, #tpu.memory_space<vmem>> -> memref<128xi32, #tpu.memory_space<vmem>>
    %dma_wait3A_307 = arith.constant 0 : i32
    %dma_wait3A_308 = tpu.memref_slice %arg9[%dma_wait3A_307] : memref<100000xf32, #tpu.memory_space<hbm>> -> memref<100000xf32, #tpu.memory_space<hbm>>
    tpu.wait_indirect_dma semaphore(%arg25 : memref<!tpu.dma_semaphore, #tpu.memory_space<semaphore_mem>>) src(%dma_wait3A_308 : memref<100000xf32, #tpu.memory_space<hbm>>) dst(%dma_wait3A_304 : memref<128xf32, #tpu.memory_space<vmem>>)
    %dma_wait3A_309 = arith.constant 256 : i32
    %dma_wait3A_310 = tpu.memref_slice %arg22[%dma_wait3A_309] : memref<512xf32, #tpu.memory_space<vmem>> -> memref<128xf32, #tpu.memory_space<vmem>>
    %dma_wait3A_311 = arith.constant 256 : i32
    %dma_wait3A_312 = tpu.memref_slice %arg14[%dma_wait3A_311] : memref<512xi32, #tpu.memory_space<vmem>> -> memref<128xi32, #tpu.memory_space<vmem>>
    %dma_wait3A_313 = arith.constant 0 : i32
    %dma_wait3A_314 = tpu.memref_slice %arg9[%dma_wait3A_313] : memref<100000xf32, #tpu.memory_space<hbm>> -> memref<100000xf32, #tpu.memory_space<hbm>>
    tpu.wait_indirect_dma semaphore(%arg25 : memref<!tpu.dma_semaphore, #tpu.memory_space<semaphore_mem>>) src(%dma_wait3A_314 : memref<100000xf32, #tpu.memory_space<hbm>>) dst(%dma_wait3A_310 : memref<128xf32, #tpu.memory_space<vmem>>)
    %dma_wait3A_315 = arith.constant 384 : i32
    %dma_wait3A_316 = tpu.memref_slice %arg22[%dma_wait3A_315] : memref<512xf32, #tpu.memory_space<vmem>> -> memref<128xf32, #tpu.memory_space<vmem>>
    %dma_wait3A_317 = arith.constant 384 : i32
    %dma_wait3A_318 = tpu.memref_slice %arg14[%dma_wait3A_317] : memref<512xi32, #tpu.memory_space<vmem>> -> memref<128xi32, #tpu.memory_space<vmem>>
    %dma_wait3A_319 = arith.constant 0 : i32
    %dma_wait3A_320 = tpu.memref_slice %arg9[%dma_wait3A_319] : memref<100000xf32, #tpu.memory_space<hbm>> -> memref<100000xf32, #tpu.memory_space<hbm>>
    tpu.wait_indirect_dma semaphore(%arg25 : memref<!tpu.dma_semaphore, #tpu.memory_space<semaphore_mem>>) src(%dma_wait3A_320 : memref<100000xf32, #tpu.memory_space<hbm>>) dst(%dma_wait3A_316 : memref<128xf32, #tpu.memory_space<vmem>>)
    %iota3A = tpu.iota {dimensions = array<i32: 0>} : vector<16xi32>
    %scan3A = arith.constant 0 : i32
    %scan3A_321 = arith.constant 0 : i32
    %scan3A_322 = arith.constant 16 : i32
    %scan3A_323 = arith.addi %scan3A_321, %scan3A_322 : i32
    %scan3A_324 = arith.constant 1 : i32
    scf.for %scan3A_326 = %scan3A_321 to %scan3A_323 step %scan3A_324  : i32 {
      %mul3A_327 = arith.constant 2 : i32
      %mul3A_328 = arith.muli %mul3A_327, %scan3A_326 : i32
      %add3A_329 = arith.constant 0 : i32
      %add3A_330 = arith.addi %mul3A_328, %add3A_329 : i32
      %mul3A_331 = arith.constant 16 : i32
      %mul3A_332 = arith.muli %add3A_330, %mul3A_331 : i32
      %add3A_333 = arith.constant 0 : i32
      %add3A_334 = arith.addi %mul3A_332, %add3A_333 : i32
      %mul3A_335 = arith.constant 16 : i32
      %mul3A_336 = arith.muli %add3A_330, %mul3A_335 : i32
      %add3A_337 = arith.constant 8 : i32
      %add3A_338 = arith.addi %mul3A_336, %add3A_337 : i32
      %mul3A_339 = arith.constant 16 : i32
      %mul3A_340 = arith.muli %add3A_330, %mul3A_339 : i32
      %add3A_341 = arith.addi %mul3A_2, %mul3A_340 : i32
      %dma_wait3A_342 = arith.constant 0 : i32
      %dma_wait3A_343 = arith.constant 0 : i32
      %dma_wait3A_344 = arith.constant 0 : i32
      %dma_wait3A_345 = tpu.memref_slice %arg15[%dma_wait3A_342, %dma_wait3A_343, %dma_wait3A_344] : memref<2x16x512xf32, #tpu.memory_space<vmem>> -> memref<1x8x512xf32, #tpu.memory_space<vmem>>
      %dma_wait3A_346 = tpu.memref_squeeze %dma_wait3A_345 : memref<1x8x512xf32, #tpu.memory_space<vmem>> -> memref<8x512xf32, #tpu.memory_space<vmem>>
      %dma_wait3A_347 = tpu.memref_slice %arg13[%add3A_334] : memref<512xi32, #tpu.memory_space<vmem>> -> memref<8xi32, #tpu.memory_space<vmem>>
      %dma_wait3A_348 = arith.constant 0 : i32
      %dma_wait3A_349 = arith.constant 0 : i32
      %dma_wait3A_350 = tpu.memref_slice %arg6[%dma_wait3A_348, %dma_wait3A_349] : memref<100000x512xf32, #tpu.memory_space<hbm>> -> memref<100000x512xf32, #tpu.memory_space<hbm>>
      tpu.wait_indirect_dma semaphore(%arg25 : memref<!tpu.dma_semaphore, #tpu.memory_space<semaphore_mem>>) src(%dma_wait3A_350 : memref<100000x512xf32, #tpu.memory_space<hbm>>) dst(%dma_wait3A_346 : memref<8x512xf32, #tpu.memory_space<vmem>>)
      %dma_wait3A_351 = arith.constant 0 : i32
      %dma_wait3A_352 = arith.constant 0 : i32
      %dma_wait3A_353 = arith.constant 0 : i32
      %dma_wait3A_354 = tpu.memref_slice %arg16[%dma_wait3A_351, %dma_wait3A_352, %dma_wait3A_353] : memref<2x16x512xf32, #tpu.memory_space<vmem>> -> memref<1x8x512xf32, #tpu.memory_space<vmem>>
      %dma_wait3A_355 = tpu.memref_squeeze %dma_wait3A_354 : memref<1x8x512xf32, #tpu.memory_space<vmem>> -> memref<8x512xf32, #tpu.memory_space<vmem>>
      %dma_wait3A_356 = tpu.memref_slice %arg14[%add3A_334] : memref<512xi32, #tpu.memory_space<vmem>> -> memref<8xi32, #tpu.memory_space<vmem>>
      %dma_wait3A_357 = arith.constant 0 : i32
      %dma_wait3A_358 = arith.constant 0 : i32
      %dma_wait3A_359 = tpu.memref_slice %arg7[%dma_wait3A_357, %dma_wait3A_358] : memref<100000x512xf32, #tpu.memory_space<hbm>> -> memref<100000x512xf32, #tpu.memory_space<hbm>>
      tpu.wait_indirect_dma semaphore(%arg25 : memref<!tpu.dma_semaphore, #tpu.memory_space<semaphore_mem>>) src(%dma_wait3A_359 : memref<100000x512xf32, #tpu.memory_space<hbm>>) dst(%dma_wait3A_355 : memref<8x512xf32, #tpu.memory_space<vmem>>)
      %dma_wait3A_360 = arith.constant 0 : i32
      %dma_wait3A_361 = arith.constant 0 : i32
      %dma_wait3A_362 = arith.constant 0 : i32
      %dma_wait3A_363 = tpu.memref_slice %arg17[%dma_wait3A_360, %dma_wait3A_361, %dma_wait3A_362] : memref<2x16x512xf32, #tpu.memory_space<vmem>> -> memref<1x8x512xf32, #tpu.memory_space<vmem>>
      %dma_wait3A_364 = tpu.memref_squeeze %dma_wait3A_363 : memref<1x8x512xf32, #tpu.memory_space<vmem>> -> memref<8x512xf32, #tpu.memory_space<vmem>>
      %dma_wait3A_365 = tpu.memref_slice %arg13[%add3A_334] : memref<512xi32, #tpu.memory_space<vmem>> -> memref<8xi32, #tpu.memory_space<vmem>>
      %dma_wait3A_366 = arith.constant 0 : i32
      %dma_wait3A_367 = arith.constant 0 : i32
      %dma_wait3A_368 = tpu.memref_slice %arg10[%dma_wait3A_366, %dma_wait3A_367] : memref<100000x512xf32, #tpu.memory_space<hbm>> -> memref<100000x512xf32, #tpu.memory_space<hbm>>
      tpu.wait_indirect_dma semaphore(%arg25 : memref<!tpu.dma_semaphore, #tpu.memory_space<semaphore_mem>>) src(%dma_wait3A_368 : memref<100000x512xf32, #tpu.memory_space<hbm>>) dst(%dma_wait3A_364 : memref<8x512xf32, #tpu.memory_space<vmem>>)
      %dma_wait3A_369 = arith.constant 0 : i32
      %dma_wait3A_370 = arith.constant 0 : i32
      %dma_wait3A_371 = arith.constant 0 : i32
      %dma_wait3A_372 = tpu.memref_slice %arg18[%dma_wait3A_369, %dma_wait3A_370, %dma_wait3A_371] : memref<2x16x512xf32, #tpu.memory_space<vmem>> -> memref<1x8x512xf32, #tpu.memory_space<vmem>>
      %dma_wait3A_373 = tpu.memref_squeeze %dma_wait3A_372 : memref<1x8x512xf32, #tpu.memory_space<vmem>> -> memref<8x512xf32, #tpu.memory_space<vmem>>
      %dma_wait3A_374 = tpu.memref_slice %arg13[%add3A_334] : memref<512xi32, #tpu.memory_space<vmem>> -> memref<8xi32, #tpu.memory_space<vmem>>
      %dma_wait3A_375 = arith.constant 0 : i32
      %dma_wait3A_376 = arith.constant 0 : i32
      %dma_wait3A_377 = tpu.memref_slice %arg11[%dma_wait3A_375, %dma_wait3A_376] : memref<100000x512xf32, #tpu.memory_space<hbm>> -> memref<100000x512xf32, #tpu.memory_space<hbm>>
      tpu.wait_indirect_dma semaphore(%arg25 : memref<!tpu.dma_semaphore, #tpu.memory_space<semaphore_mem>>) src(%dma_wait3A_377 : memref<100000x512xf32, #tpu.memory_space<hbm>>) dst(%dma_wait3A_373 : memref<8x512xf32, #tpu.memory_space<vmem>>)
      %dma_wait3A_378 = arith.constant 0 : i32
      %dma_wait3A_379 = arith.constant 8 : i32
      %dma_wait3A_380 = arith.constant 0 : i32
      %dma_wait3A_381 = tpu.memref_slice %arg15[%dma_wait3A_378, %dma_wait3A_379, %dma_wait3A_380] : memref<2x16x512xf32, #tpu.memory_space<vmem>> -> memref<1x8x512xf32, #tpu.memory_space<vmem>>
      %dma_wait3A_382 = tpu.memref_squeeze %dma_wait3A_381 : memref<1x8x512xf32, #tpu.memory_space<vmem>> -> memref<8x512xf32, #tpu.memory_space<vmem>>
      %dma_wait3A_383 = tpu.memref_slice %arg13[%add3A_338] : memref<512xi32, #tpu.memory_space<vmem>> -> memref<8xi32, #tpu.memory_space<vmem>>
      %dma_wait3A_384 = arith.constant 0 : i32
      %dma_wait3A_385 = arith.constant 0 : i32
      %dma_wait3A_386 = tpu.memref_slice %arg6[%dma_wait3A_384, %dma_wait3A_385] : memref<100000x512xf32, #tpu.memory_space<hbm>> -> memref<100000x512xf32, #tpu.memory_space<hbm>>
      tpu.wait_indirect_dma semaphore(%arg25 : memref<!tpu.dma_semaphore, #tpu.memory_space<semaphore_mem>>) src(%dma_wait3A_386 : memref<100000x512xf32, #tpu.memory_space<hbm>>) dst(%dma_wait3A_382 : memref<8x512xf32, #tpu.memory_space<vmem>>)
      %dma_wait3A_387 = arith.constant 0 : i32
      %dma_wait3A_388 = arith.constant 8 : i32
      %dma_wait3A_389 = arith.constant 0 : i32
      %dma_wait3A_390 = tpu.memref_slice %arg16[%dma_wait3A_387, %dma_wait3A_388, %dma_wait3A_389] : memref<2x16x512xf32, #tpu.memory_space<vmem>> -> memref<1x8x512xf32, #tpu.memory_space<vmem>>
      %dma_wait3A_391 = tpu.memref_squeeze %dma_wait3A_390 : memref<1x8x512xf32, #tpu.memory_space<vmem>> -> memref<8x512xf32, #tpu.memory_space<vmem>>
      %dma_wait3A_392 = tpu.memref_slice %arg14[%add3A_338] : memref<512xi32, #tpu.memory_space<vmem>> -> memref<8xi32, #tpu.memory_space<vmem>>
      %dma_wait3A_393 = arith.constant 0 : i32
      %dma_wait3A_394 = arith.constant 0 : i32
      %dma_wait3A_395 = tpu.memref_slice %arg7[%dma_wait3A_393, %dma_wait3A_394] : memref<100000x512xf32, #tpu.memory_space<hbm>> -> memref<100000x512xf32, #tpu.memory_space<hbm>>
      tpu.wait_indirect_dma semaphore(%arg25 : memref<!tpu.dma_semaphore, #tpu.memory_space<semaphore_mem>>) src(%dma_wait3A_395 : memref<100000x512xf32, #tpu.memory_space<hbm>>) dst(%dma_wait3A_391 : memref<8x512xf32, #tpu.memory_space<vmem>>)
      %dma_wait3A_396 = arith.constant 0 : i32
      %dma_wait3A_397 = arith.constant 8 : i32
      %dma_wait3A_398 = arith.constant 0 : i32
      %dma_wait3A_399 = tpu.memref_slice %arg17[%dma_wait3A_396, %dma_wait3A_397, %dma_wait3A_398] : memref<2x16x512xf32, #tpu.memory_space<vmem>> -> memref<1x8x512xf32, #tpu.memory_space<vmem>>
      %dma_wait3A_400 = tpu.memref_squeeze %dma_wait3A_399 : memref<1x8x512xf32, #tpu.memory_space<vmem>> -> memref<8x512xf32, #tpu.memory_space<vmem>>
      %dma_wait3A_401 = tpu.memref_slice %arg13[%add3A_338] : memref<512xi32, #tpu.memory_space<vmem>> -> memref<8xi32, #tpu.memory_space<vmem>>
      %dma_wait3A_402 = arith.constant 0 : i32
      %dma_wait3A_403 = arith.constant 0 : i32
      %dma_wait3A_404 = tpu.memref_slice %arg10[%dma_wait3A_402, %dma_wait3A_403] : memref<100000x512xf32, #tpu.memory_space<hbm>> -> memref<100000x512xf32, #tpu.memory_space<hbm>>
      tpu.wait_indirect_dma semaphore(%arg25 : memref<!tpu.dma_semaphore, #tpu.memory_space<semaphore_mem>>) src(%dma_wait3A_404 : memref<100000x512xf32, #tpu.memory_space<hbm>>) dst(%dma_wait3A_400 : memref<8x512xf32, #tpu.memory_space<vmem>>)
      %dma_wait3A_405 = arith.constant 0 : i32
      %dma_wait3A_406 = arith.constant 8 : i32
      %dma_wait3A_407 = arith.constant 0 : i32
      %dma_wait3A_408 = tpu.memref_slice %arg18[%dma_wait3A_405, %dma_wait3A_406, %dma_wait3A_407] : memref<2x16x512xf32, #tpu.memory_space<vmem>> -> memref<1x8x512xf32, #tpu.memory_space<vmem>>
      %dma_wait3A_409 = tpu.memref_squeeze %dma_wait3A_408 : memref<1x8x512xf32, #tpu.memory_space<vmem>> -> memref<8x512xf32, #tpu.memory_space<vmem>>
      %dma_wait3A_410 = tpu.memref_slice %arg13[%add3A_338] : memref<512xi32, #tpu.memory_space<vmem>> -> memref<8xi32, #tpu.memory_space<vmem>>
      %dma_wait3A_411 = arith.constant 0 : i32
      %dma_wait3A_412 = arith.constant 0 : i32
      %dma_wait3A_413 = tpu.memref_slice %arg11[%dma_wait3A_411, %dma_wait3A_412] : memref<100000x512xf32, #tpu.memory_space<hbm>> -> memref<100000x512xf32, #tpu.memory_space<hbm>>
      tpu.wait_indirect_dma semaphore(%arg25 : memref<!tpu.dma_semaphore, #tpu.memory_space<semaphore_mem>>) src(%dma_wait3A_413 : memref<100000x512xf32, #tpu.memory_space<hbm>>) dst(%dma_wait3A_409 : memref<8x512xf32, #tpu.memory_space<vmem>>)
      %dma_wait3A_414 = arith.constant 0 : i32
      %dma_wait3A_415 = arith.constant 0 : i32
      %dma_wait3A_416 = arith.constant 0 : i32
      %dma_wait3A_417 = tpu.memref_slice %arg19[%dma_wait3A_414, %dma_wait3A_415, %dma_wait3A_416] : memref<2x16x512xf32, #tpu.memory_space<vmem>> -> memref<1x16x512xf32, #tpu.memory_space<vmem>>
      %dma_wait3A_418 = tpu.memref_squeeze %dma_wait3A_417 : memref<1x16x512xf32, #tpu.memory_space<vmem>> -> memref<16x512xf32, #tpu.memory_space<vmem>>
      %dma_wait3A_419 = arith.constant 0 : i32
      %dma_wait3A_420 = tpu.memref_slice %arg4[%add3A_341, %dma_wait3A_419] : memref<16384x512xf32, #tpu.memory_space<hbm>> -> memref<16x512xf32, #tpu.memory_space<hbm>>
      %dma_wait3A_421 = arith.constant 0 : i32
      %dma_wait3A_422 = arith.constant 0 : i32
      %dma_wait3A_423 = tpu.memref_slice %arg19[%dma_wait3A_414, %dma_wait3A_421, %dma_wait3A_422] : memref<2x16x512xf32, #tpu.memory_space<vmem>> -> memref<1x16x512xf32, #tpu.memory_space<vmem>>
      %dma_wait3A_424 = tpu.memref_squeeze %dma_wait3A_423 : memref<1x16x512xf32, #tpu.memory_space<vmem>> -> memref<16x512xf32, #tpu.memory_space<vmem>>
      %dma_wait3A_425 = arith.constant 0 : i32
      %dma_wait3A_426 = tpu.memref_slice %arg4[%add3A_341, %dma_wait3A_425] : memref<16384x512xf32, #tpu.memory_space<hbm>> -> memref<16x512xf32, #tpu.memory_space<hbm>>
      tpu.wait_dma2 semaphore(%arg25 : memref<!tpu.dma_semaphore, #tpu.memory_space<semaphore_mem>>) src(%dma_wait3A_426 : memref<16x512xf32, #tpu.memory_space<hbm>>) dst(%dma_wait3A_424 : memref<16x512xf32, #tpu.memory_space<vmem>>)
      %dma_wait3A_427 = arith.constant 0 : i32
      %dma_wait3A_428 = arith.constant 0 : i32
      %dma_wait3A_429 = arith.constant 0 : i32
      %dma_wait3A_430 = tpu.memref_slice %arg20[%dma_wait3A_427, %dma_wait3A_428, %dma_wait3A_429] : memref<2x16x512xf32, #tpu.memory_space<vmem>> -> memref<1x16x512xf32, #tpu.memory_space<vmem>>
      %dma_wait3A_431 = tpu.memref_squeeze %dma_wait3A_430 : memref<1x16x512xf32, #tpu.memory_space<vmem>> -> memref<16x512xf32, #tpu.memory_space<vmem>>
      %dma_wait3A_432 = arith.constant 0 : i32
      %dma_wait3A_433 = tpu.memref_slice %arg5[%add3A_341, %dma_wait3A_432] : memref<16384x512xf32, #tpu.memory_space<hbm>> -> memref<16x512xf32, #tpu.memory_space<hbm>>
      %dma_wait3A_434 = arith.constant 0 : i32
      %dma_wait3A_435 = arith.constant 0 : i32
      %dma_wait3A_436 = tpu.memref_slice %arg20[%dma_wait3A_427, %dma_wait3A_434, %dma_wait3A_435] : memref<2x16x512xf32, #tpu.memory_space<vmem>> -> memref<1x16x512xf32, #tpu.memory_space<vmem>>
      %dma_wait3A_437 = tpu.memref_squeeze %dma_wait3A_436 : memref<1x16x512xf32, #tpu.memory_space<vmem>> -> memref<16x512xf32, #tpu.memory_space<vmem>>
      %dma_wait3A_438 = arith.constant 0 : i32
      %dma_wait3A_439 = tpu.memref_slice %arg5[%add3A_341, %dma_wait3A_438] : memref<16384x512xf32, #tpu.memory_space<hbm>> -> memref<16x512xf32, #tpu.memory_space<hbm>>
      tpu.wait_dma2 semaphore(%arg25 : memref<!tpu.dma_semaphore, #tpu.memory_space<semaphore_mem>>) src(%dma_wait3A_439 : memref<16x512xf32, #tpu.memory_space<hbm>>) dst(%dma_wait3A_437 : memref<16x512xf32, #tpu.memory_space<vmem>>)
      %parallel_loop3A = arith.constant 0 : i32
      %parallel_loop3A_440 = arith.constant 16 : i32
      %parallel_loop3A_441 = arith.constant 1 : i32
      scf.for %parallel_loop3A_749 = %parallel_loop3A to %parallel_loop3A_440 step %parallel_loop3A_441  : i32 {
        %parallel_loop3A_750 = arith.constant 0.000000e+00 : f32
        %parallel_loop3A_751 = vector.broadcast %parallel_loop3A_750 : f32 to vector<16xf32>
        %parallel_loop3A_752 = arith.constant 0 : i32
        %parallel_loop3A_753 = arith.constant 8 : i32
        %parallel_loop3A_754 = arith.addi %parallel_loop3A_752, %parallel_loop3A_753 : i32
        %parallel_loop3A_755 = arith.constant 1 : i32
        %parallel_loop3A_756:6 = scf.for %scan3A_767 = %parallel_loop3A_752 to %parallel_loop3A_754 step %parallel_loop3A_755 iter_args(%scan3A_768 = %parallel_loop3A_751, %scan3A_769 = %parallel_loop3A_751, %scan3A_770 = %parallel_loop3A_751, %scan3A_771 = %parallel_loop3A_751, %scan3A_772 = %parallel_loop3A_751, %scan3A_773 = %parallel_loop3A_751) -> (vector<16xf32>, vector<16xf32>, vector<16xf32>, vector<16xf32>, vector<16xf32>, vector<16xf32>)  : i32 {
          %parallel_loop3A_774 = arith.constant 64 : i32
          %parallel_loop3A_775 = arith.muli %scan3A_767, %parallel_loop3A_774 : i32
          %parallel_loop3A_776 = arith.constant 0 : i32
          %parallel_loop3A_777 = arith.addi %parallel_loop3A_775, %parallel_loop3A_776 : i32
          %parallel_loop3A_778 = arith.constant 0 : i32
          %parallel_loop3A_779 = arith.index_cast %parallel_loop3A_778 : i32 to index
          %parallel_loop3A_780 = arith.index_cast %parallel_loop3A_749 : i32 to index
          %parallel_loop3A_781 = arith.index_cast %parallel_loop3A_777 : i32 to index
          %parallel_loop3A_782 = tpu.vector_load %arg15[%parallel_loop3A_779, %parallel_loop3A_780, %parallel_loop3A_781] {strides = array<i32>} : memref<2x16x512xf32, #tpu.memory_space<vmem>>, vector<16xf32>,
          %parallel_loop3A_783 = arith.constant 0 : i32
          %parallel_loop3A_784 = arith.index_cast %parallel_loop3A_783 : i32 to index
          %parallel_loop3A_785 = arith.index_cast %parallel_loop3A_749 : i32 to index
          %parallel_loop3A_786 = arith.index_cast %parallel_loop3A_777 : i32 to index
          %parallel_loop3A_787 = tpu.vector_load %arg16[%parallel_loop3A_784, %parallel_loop3A_785, %parallel_loop3A_786] {strides = array<i32>} : memref<2x16x512xf32, #tpu.memory_space<vmem>>, vector<16xf32>,
          %parallel_loop3A_788 = arith.mulf %parallel_loop3A_782, %parallel_loop3A_787 : vector<16xf32>
          %parallel_loop3A_789 = arith.addf %scan3A_768, %parallel_loop3A_788 : vector<16xf32>
          %parallel_loop3A_790 = arith.constant 0 : i32
          %parallel_loop3A_791 = arith.index_cast %parallel_loop3A_790 : i32 to index
          %parallel_loop3A_792 = arith.index_cast %parallel_loop3A_749 : i32 to index
          %parallel_loop3A_793 = arith.index_cast %parallel_loop3A_777 : i32 to index
          %parallel_loop3A_794 = tpu.vector_load %arg17[%parallel_loop3A_791, %parallel_loop3A_792, %parallel_loop3A_793] {strides = array<i32>} : memref<2x16x512xf32, #tpu.memory_space<vmem>>, vector<16xf32>,
          %parallel_loop3A_795 = arith.constant 0 : i32
          %parallel_loop3A_796 = arith.index_cast %parallel_loop3A_795 : i32 to index
          %parallel_loop3A_797 = arith.index_cast %parallel_loop3A_749 : i32 to index
          %parallel_loop3A_798 = arith.index_cast %parallel_loop3A_777 : i32 to index
          %parallel_loop3A_799 = tpu.vector_load %arg19[%parallel_loop3A_796, %parallel_loop3A_797, %parallel_loop3A_798] {strides = array<i32>} : memref<2x16x512xf32, #tpu.memory_space<vmem>>, vector<16xf32>,
          %parallel_loop3A_800 = arith.mulf %parallel_loop3A_794, %parallel_loop3A_799 : vector<16xf32>
          %parallel_loop3A_801 = arith.addf %scan3A_770, %parallel_loop3A_800 : vector<16xf32>
          %parallel_loop3A_802 = arith.constant 0 : i32
          %parallel_loop3A_803 = arith.index_cast %parallel_loop3A_802 : i32 to index
          %parallel_loop3A_804 = arith.index_cast %parallel_loop3A_749 : i32 to index
          %parallel_loop3A_805 = arith.index_cast %parallel_loop3A_777 : i32 to index
          %parallel_loop3A_806 = tpu.vector_load %arg18[%parallel_loop3A_803, %parallel_loop3A_804, %parallel_loop3A_805] {strides = array<i32>} : memref<2x16x512xf32, #tpu.memory_space<vmem>>, vector<16xf32>,
          %parallel_loop3A_807 = arith.constant 0 : i32
          %parallel_loop3A_808 = arith.index_cast %parallel_loop3A_807 : i32 to index
          %parallel_loop3A_809 = arith.index_cast %parallel_loop3A_749 : i32 to index
          %parallel_loop3A_810 = arith.index_cast %parallel_loop3A_777 : i32 to index
          %parallel_loop3A_811 = tpu.vector_load %arg20[%parallel_loop3A_808, %parallel_loop3A_809, %parallel_loop3A_810] {strides = array<i32>} : memref<2x16x512xf32, #tpu.memory_space<vmem>>, vector<16xf32>,
          %parallel_loop3A_812 = arith.mulf %parallel_loop3A_806, %parallel_loop3A_811 : vector<16xf32>
          %parallel_loop3A_813 = arith.addf %scan3A_772, %parallel_loop3A_812 : vector<16xf32>
          %parallel_loop3A_814 = arith.constant 64 : i32
          %parallel_loop3A_815 = arith.muli %scan3A_767, %parallel_loop3A_814 : i32
          %parallel_loop3A_816 = arith.constant 16 : i32
          %parallel_loop3A_817 = arith.addi %parallel_loop3A_815, %parallel_loop3A_816 : i32
          %parallel_loop3A_818 = arith.constant 0 : i32
          %parallel_loop3A_819 = arith.index_cast %parallel_loop3A_818 : i32 to index
          %parallel_loop3A_820 = arith.index_cast %parallel_loop3A_749 : i32 to index
          %parallel_loop3A_821 = arith.index_cast %parallel_loop3A_817 : i32 to index
          %parallel_loop3A_822 = tpu.vector_load %arg15[%parallel_loop3A_819, %parallel_loop3A_820, %parallel_loop3A_821] {strides = array<i32>} : memref<2x16x512xf32, #tpu.memory_space<vmem>>, vector<16xf32>,
          %parallel_loop3A_823 = arith.constant 0 : i32
          %parallel_loop3A_824 = arith.index_cast %parallel_loop3A_823 : i32 to index
          %parallel_loop3A_825 = arith.index_cast %parallel_loop3A_749 : i32 to index
          %parallel_loop3A_826 = arith.index_cast %parallel_loop3A_817 : i32 to index
          %parallel_loop3A_827 = tpu.vector_load %arg16[%parallel_loop3A_824, %parallel_loop3A_825, %parallel_loop3A_826] {strides = array<i32>} : memref<2x16x512xf32, #tpu.memory_space<vmem>>, vector<16xf32>,
          %parallel_loop3A_828 = arith.mulf %parallel_loop3A_822, %parallel_loop3A_827 : vector<16xf32>
          %parallel_loop3A_829 = arith.addf %scan3A_769, %parallel_loop3A_828 : vector<16xf32>
          %parallel_loop3A_830 = arith.constant 0 : i32
          %parallel_loop3A_831 = arith.index_cast %parallel_loop3A_830 : i32 to index
          %parallel_loop3A_832 = arith.index_cast %parallel_loop3A_749 : i32 to index
          %parallel_loop3A_833 = arith.index_cast %parallel_loop3A_817 : i32 to index
          %parallel_loop3A_834 = tpu.vector_load %arg17[%parallel_loop3A_831, %parallel_loop3A_832, %parallel_loop3A_833] {strides = array<i32>} : memref<2x16x512xf32, #tpu.memory_space<vmem>>, vector<16xf32>,
          %parallel_loop3A_835 = arith.constant 0 : i32
          %parallel_loop3A_836 = arith.index_cast %parallel_loop3A_835 : i32 to index
          %parallel_loop3A_837 = arith.index_cast %parallel_loop3A_749 : i32 to index
          %parallel_loop3A_838 = arith.index_cast %parallel_loop3A_817 : i32 to index
          %parallel_loop3A_839 = tpu.vector_load %arg19[%parallel_loop3A_836, %parallel_loop3A_837, %parallel_loop3A_838] {strides = array<i32>} : memref<2x16x512xf32, #tpu.memory_space<vmem>>, vector<16xf32>,
          %parallel_loop3A_840 = arith.mulf %parallel_loop3A_834, %parallel_loop3A_839 : vector<16xf32>
          %parallel_loop3A_841 = arith.addf %scan3A_771, %parallel_loop3A_840 : vector<16xf32>
          %parallel_loop3A_842 = arith.constant 0 : i32
          %parallel_loop3A_843 = arith.index_cast %parallel_loop3A_842 : i32 to index
          %parallel_loop3A_844 = arith.index_cast %parallel_loop3A_749 : i32 to index
          %parallel_loop3A_845 = arith.index_cast %parallel_loop3A_817 : i32 to index
          %parallel_loop3A_846 = tpu.vector_load %arg18[%parallel_loop3A_843, %parallel_loop3A_844, %parallel_loop3A_845] {strides = array<i32>} : memref<2x16x512xf32, #tpu.memory_space<vmem>>, vector<16xf32>,
          %parallel_loop3A_847 = arith.constant 0 : i32
          %parallel_loop3A_848 = arith.index_cast %parallel_loop3A_847 : i32 to index
          %parallel_loop3A_849 = arith.index_cast %parallel_loop3A_749 : i32 to index
          %parallel_loop3A_850 = arith.index_cast %parallel_loop3A_817 : i32 to index
          %parallel_loop3A_851 = tpu.vector_load %arg20[%parallel_loop3A_848, %parallel_loop3A_849, %parallel_loop3A_850] {strides = array<i32>} : memref<2x16x512xf32, #tpu.memory_space<vmem>>, vector<16xf32>,
          %parallel_loop3A_852 = arith.mulf %parallel_loop3A_846, %parallel_loop3A_851 : vector<16xf32>
          %parallel_loop3A_853 = arith.addf %scan3A_773, %parallel_loop3A_852 : vector<16xf32>
          %parallel_loop3A_854 = arith.constant 64 : i32
          %parallel_loop3A_855 = arith.muli %scan3A_767, %parallel_loop3A_854 : i32
          %parallel_loop3A_856 = arith.constant 32 : i32
          %parallel_loop3A_857 = arith.addi %parallel_loop3A_855, %parallel_loop3A_856 : i32
          %parallel_loop3A_858 = arith.constant 0 : i32
          %parallel_loop3A_859 = arith.index_cast %parallel_loop3A_858 : i32 to index
          %parallel_loop3A_860 = arith.index_cast %parallel_loop3A_749 : i32 to index
          %parallel_loop3A_861 = arith.index_cast %parallel_loop3A_857 : i32 to index
          %parallel_loop3A_862 = tpu.vector_load %arg15[%parallel_loop3A_859, %parallel_loop3A_860, %parallel_loop3A_861] {strides = array<i32>} : memref<2x16x512xf32, #tpu.memory_space<vmem>>, vector<16xf32>,
          %parallel_loop3A_863 = arith.constant 0 : i32
          %parallel_loop3A_864 = arith.index_cast %parallel_loop3A_863 : i32 to index
          %parallel_loop3A_865 = arith.index_cast %parallel_loop3A_749 : i32 to index
          %parallel_loop3A_866 = arith.index_cast %parallel_loop3A_857 : i32 to index
          %parallel_loop3A_867 = tpu.vector_load %arg16[%parallel_loop3A_864, %parallel_loop3A_865, %parallel_loop3A_866] {strides = array<i32>} : memref<2x16x512xf32, #tpu.memory_space<vmem>>, vector<16xf32>,
          %parallel_loop3A_868 = arith.mulf %parallel_loop3A_862, %parallel_loop3A_867 : vector<16xf32>
          %parallel_loop3A_869 = arith.addf %parallel_loop3A_789, %parallel_loop3A_868 : vector<16xf32>
          %parallel_loop3A_870 = arith.constant 0 : i32
          %parallel_loop3A_871 = arith.index_cast %parallel_loop3A_870 : i32 to index
          %parallel_loop3A_872 = arith.index_cast %parallel_loop3A_749 : i32 to index
          %parallel_loop3A_873 = arith.index_cast %parallel_loop3A_857 : i32 to index
          %parallel_loop3A_874 = tpu.vector_load %arg17[%parallel_loop3A_871, %parallel_loop3A_872, %parallel_loop3A_873] {strides = array<i32>} : memref<2x16x512xf32, #tpu.memory_space<vmem>>, vector<16xf32>,
          %parallel_loop3A_875 = arith.constant 0 : i32
          %parallel_loop3A_876 = arith.index_cast %parallel_loop3A_875 : i32 to index
          %parallel_loop3A_877 = arith.index_cast %parallel_loop3A_749 : i32 to index
          %parallel_loop3A_878 = arith.index_cast %parallel_loop3A_857 : i32 to index
          %parallel_loop3A_879 = tpu.vector_load %arg19[%parallel_loop3A_876, %parallel_loop3A_877, %parallel_loop3A_878] {strides = array<i32>} : memref<2x16x512xf32, #tpu.memory_space<vmem>>, vector<16xf32>,
          %parallel_loop3A_880 = arith.mulf %parallel_loop3A_874, %parallel_loop3A_879 : vector<16xf32>
          %parallel_loop3A_881 = arith.addf %parallel_loop3A_801, %parallel_loop3A_880 : vector<16xf32>
          %parallel_loop3A_882 = arith.constant 0 : i32
          %parallel_loop3A_883 = arith.index_cast %parallel_loop3A_882 : i32 to index
          %parallel_loop3A_884 = arith.index_cast %parallel_loop3A_749 : i32 to index
          %parallel_loop3A_885 = arith.index_cast %parallel_loop3A_857 : i32 to index
          %parallel_loop3A_886 = tpu.vector_load %arg18[%parallel_loop3A_883, %parallel_loop3A_884, %parallel_loop3A_885] {strides = array<i32>} : memref<2x16x512xf32, #tpu.memory_space<vmem>>, vector<16xf32>,
          %parallel_loop3A_887 = arith.constant 0 : i32
          %parallel_loop3A_888 = arith.index_cast %parallel_loop3A_887 : i32 to index
          %parallel_loop3A_889 = arith.index_cast %parallel_loop3A_749 : i32 to index
          %parallel_loop3A_890 = arith.index_cast %parallel_loop3A_857 : i32 to index
          %parallel_loop3A_891 = tpu.vector_load %arg20[%parallel_loop3A_888, %parallel_loop3A_889, %parallel_loop3A_890] {strides = array<i32>} : memref<2x16x512xf32, #tpu.memory_space<vmem>>, vector<16xf32>,
          %parallel_loop3A_892 = arith.mulf %parallel_loop3A_886, %parallel_loop3A_891 : vector<16xf32>
          %parallel_loop3A_893 = arith.addf %parallel_loop3A_813, %parallel_loop3A_892 : vector<16xf32>
          %parallel_loop3A_894 = arith.constant 64 : i32
          %parallel_loop3A_895 = arith.muli %scan3A_767, %parallel_loop3A_894 : i32
          %parallel_loop3A_896 = arith.constant 48 : i32
          %parallel_loop3A_897 = arith.addi %parallel_loop3A_895, %parallel_loop3A_896 : i32
          %parallel_loop3A_898 = arith.constant 0 : i32
          %parallel_loop3A_899 = arith.index_cast %parallel_loop3A_898 : i32 to index
          %parallel_loop3A_900 = arith.index_cast %parallel_loop3A_749 : i32 to index
          %parallel_loop3A_901 = arith.index_cast %parallel_loop3A_897 : i32 to index
          %parallel_loop3A_902 = tpu.vector_load %arg15[%parallel_loop3A_899, %parallel_loop3A_900, %parallel_loop3A_901] {strides = array<i32>} : memref<2x16x512xf32, #tpu.memory_space<vmem>>, vector<16xf32>,
          %parallel_loop3A_903 = arith.constant 0 : i32
          %parallel_loop3A_904 = arith.index_cast %parallel_loop3A_903 : i32 to index
          %parallel_loop3A_905 = arith.index_cast %parallel_loop3A_749 : i32 to index
          %parallel_loop3A_906 = arith.index_cast %parallel_loop3A_897 : i32 to index
          %parallel_loop3A_907 = tpu.vector_load %arg16[%parallel_loop3A_904, %parallel_loop3A_905, %parallel_loop3A_906] {strides = array<i32>} : memref<2x16x512xf32, #tpu.memory_space<vmem>>, vector<16xf32>,
          %parallel_loop3A_908 = arith.mulf %parallel_loop3A_902, %parallel_loop3A_907 : vector<16xf32>
          %parallel_loop3A_909 = arith.addf %parallel_loop3A_829, %parallel_loop3A_908 : vector<16xf32>
          %parallel_loop3A_910 = arith.constant 0 : i32
          %parallel_loop3A_911 = arith.index_cast %parallel_loop3A_910 : i32 to index
          %parallel_loop3A_912 = arith.index_cast %parallel_loop3A_749 : i32 to index
          %parallel_loop3A_913 = arith.index_cast %parallel_loop3A_897 : i32 to index
          %parallel_loop3A_914 = tpu.vector_load %arg17[%parallel_loop3A_911, %parallel_loop3A_912, %parallel_loop3A_913] {strides = array<i32>} : memref<2x16x512xf32, #tpu.memory_space<vmem>>, vector<16xf32>,
          %parallel_loop3A_915 = arith.constant 0 : i32
          %parallel_loop3A_916 = arith.index_cast %parallel_loop3A_915 : i32 to index
          %parallel_loop3A_917 = arith.index_cast %parallel_loop3A_749 : i32 to index
          %parallel_loop3A_918 = arith.index_cast %parallel_loop3A_897 : i32 to index
          %parallel_loop3A_919 = tpu.vector_load %arg19[%parallel_loop3A_916, %parallel_loop3A_917, %parallel_loop3A_918] {strides = array<i32>} : memref<2x16x512xf32, #tpu.memory_space<vmem>>, vector<16xf32>,
          %parallel_loop3A_920 = arith.mulf %parallel_loop3A_914, %parallel_loop3A_919 : vector<16xf32>
          %parallel_loop3A_921 = arith.addf %parallel_loop3A_841, %parallel_loop3A_920 : vector<16xf32>
          %parallel_loop3A_922 = arith.constant 0 : i32
          %parallel_loop3A_923 = arith.index_cast %parallel_loop3A_922 : i32 to index
          %parallel_loop3A_924 = arith.index_cast %parallel_loop3A_749 : i32 to index
          %parallel_loop3A_925 = arith.index_cast %parallel_loop3A_897 : i32 to index
          %parallel_loop3A_926 = tpu.vector_load %arg18[%parallel_loop3A_923, %parallel_loop3A_924, %parallel_loop3A_925] {strides = array<i32>} : memref<2x16x512xf32, #tpu.memory_space<vmem>>, vector<16xf32>,
          %parallel_loop3A_927 = arith.constant 0 : i32
          %parallel_loop3A_928 = arith.index_cast %parallel_loop3A_927 : i32 to index
          %parallel_loop3A_929 = arith.index_cast %parallel_loop3A_749 : i32 to index
          %parallel_loop3A_930 = arith.index_cast %parallel_loop3A_897 : i32 to index
          %parallel_loop3A_931 = tpu.vector_load %arg20[%parallel_loop3A_928, %parallel_loop3A_929, %parallel_loop3A_930] {strides = array<i32>} : memref<2x16x512xf32, #tpu.memory_space<vmem>>, vector<16xf32>,
          %parallel_loop3A_932 = arith.mulf %parallel_loop3A_926, %parallel_loop3A_931 : vector<16xf32>
          %parallel_loop3A_933 = arith.addf %parallel_loop3A_853, %parallel_loop3A_932 : vector<16xf32>
          scf.yield %parallel_loop3A_869, %parallel_loop3A_909, %parallel_loop3A_881, %parallel_loop3A_921, %parallel_loop3A_893, %parallel_loop3A_933 : vector<16xf32>, vector<16xf32>, vector<16xf32>, vector<16xf32>, vector<16xf32>, vector<16xf32>
        }
        %parallel_loop3A_757 = arith.constant 8 : i32
        %parallel_loop3A_758 = arith.addf %parallel_loop3A_756#0, %parallel_loop3A_756#1 : vector<16xf32>
        %parallel_loop3A_759 = arith.addf %parallel_loop3A_756#2, %parallel_loop3A_756#3 : vector<16xf32>
        %parallel_loop3A_760 = arith.addf %parallel_loop3A_758, %parallel_loop3A_759 : vector<16xf32>
        %parallel_loop3A_761 = arith.addf %parallel_loop3A_756#4, %parallel_loop3A_756#5 : vector<16xf32>
        %parallel_loop3A_762 = arith.addf %parallel_loop3A_760, %parallel_loop3A_761 : vector<16xf32>
        %parallel_loop3A_763 = arith.constant 0 : i32
        %parallel_loop3A_764 = vector.broadcast %parallel_loop3A_763 : i32 to vector<16xi32>
        %parallel_loop3A_765 = vector.broadcast %parallel_loop3A_749 : i32 to vector<16xi32>
        %parallel_loop3A_766 = arith.addi %parallel_loop3A_764, %parallel_loop3A_765 : vector<16xi32>
        tpu.vector_store_idx %arg24[%iota3A, %parallel_loop3A_766], %parallel_loop3A_762 : memref<16x16xf32, #tpu.memory_space<vmem>>[vector<16xi32>, vector<16xi32>], vector<16xf32>,
      } {sc.loop_unroll_factor = 1 : i64, sc.parallel_access}
      %mul3A_442 = arith.constant 16 : i32
      %mul3A_443 = arith.muli %add3A_330, %mul3A_442 : i32
      %get3A = arith.index_cast %mul3A_443 : i32 to index
      %get3A_444 = tpu.vector_load %arg21[%get3A] {strides = array<i32>} : memref<512xf32, #tpu.memory_space<vmem>>, vector<16xf32>,
      %get3A_445 = arith.index_cast %mul3A_443 : i32 to index
      %get3A_446 = tpu.vector_load %arg22[%get3A_445] {strides = array<i32>} : memref<512xf32, #tpu.memory_space<vmem>>, vector<16xf32>,
      %add3A_447 = arith.addf %get3A_444, %get3A_446 : vector<16xf32>
      %get3A_448 = arith.constant 0 : i32
      %get3A_449 = arith.index_cast %get3A_448 : i32 to index
      %get3A_450 = arith.constant 0 : index
      %get3A_451 = tpu.vector_load %arg24[%get3A_449, %get3A_450] {strides = array<i32>} : memref<16x16xf32, #tpu.memory_space<vmem>>, vector<16xf32>,
      %add3A_452 = arith.addf %add3A_447, %get3A_451 : vector<16xf32>
      %get3A_453 = arith.constant 1 : i32
      %get3A_454 = arith.index_cast %get3A_453 : i32 to index
      %get3A_455 = arith.constant 0 : index
      %get3A_456 = tpu.vector_load %arg24[%get3A_454, %get3A_455] {strides = array<i32>} : memref<16x16xf32, #tpu.memory_space<vmem>>, vector<16xf32>,
      %add3A_457 = arith.addf %add3A_452, %get3A_456 : vector<16xf32>
      %get3A_458 = arith.constant 2 : i32
      %get3A_459 = arith.index_cast %get3A_458 : i32 to index
      %get3A_460 = arith.constant 0 : index
      %get3A_461 = tpu.vector_load %arg24[%get3A_459, %get3A_460] {strides = array<i32>} : memref<16x16xf32, #tpu.memory_space<vmem>>, vector<16xf32>,
      %add3A_462 = arith.addf %add3A_457, %get3A_461 : vector<16xf32>
      %get3A_463 = arith.constant 3 : i32
      %get3A_464 = arith.index_cast %get3A_463 : i32 to index
      %get3A_465 = arith.constant 0 : index
      %get3A_466 = tpu.vector_load %arg24[%get3A_464, %get3A_465] {strides = array<i32>} : memref<16x16xf32, #tpu.memory_space<vmem>>, vector<16xf32>,
      %add3A_467 = arith.addf %add3A_462, %get3A_466 : vector<16xf32>
      %get3A_468 = arith.constant 4 : i32
      %get3A_469 = arith.index_cast %get3A_468 : i32 to index
      %get3A_470 = arith.constant 0 : index
      %get3A_471 = tpu.vector_load %arg24[%get3A_469, %get3A_470] {strides = array<i32>} : memref<16x16xf32, #tpu.memory_space<vmem>>, vector<16xf32>,
      %add3A_472 = arith.addf %add3A_467, %get3A_471 : vector<16xf32>
      %get3A_473 = arith.constant 5 : i32
      %get3A_474 = arith.index_cast %get3A_473 : i32 to index
      %get3A_475 = arith.constant 0 : index
      %get3A_476 = tpu.vector_load %arg24[%get3A_474, %get3A_475] {strides = array<i32>} : memref<16x16xf32, #tpu.memory_space<vmem>>, vector<16xf32>,
      %add3A_477 = arith.addf %add3A_472, %get3A_476 : vector<16xf32>
      %get3A_478 = arith.constant 6 : i32
      %get3A_479 = arith.index_cast %get3A_478 : i32 to index
      %get3A_480 = arith.constant 0 : index
      %get3A_481 = tpu.vector_load %arg24[%get3A_479, %get3A_480] {strides = array<i32>} : memref<16x16xf32, #tpu.memory_space<vmem>>, vector<16xf32>,
      %add3A_482 = arith.addf %add3A_477, %get3A_481 : vector<16xf32>
      %get3A_483 = arith.constant 7 : i32
      %get3A_484 = arith.index_cast %get3A_483 : i32 to index
      %get3A_485 = arith.constant 0 : index
      %get3A_486 = tpu.vector_load %arg24[%get3A_484, %get3A_485] {strides = array<i32>} : memref<16x16xf32, #tpu.memory_space<vmem>>, vector<16xf32>,
      %add3A_487 = arith.addf %add3A_482, %get3A_486 : vector<16xf32>
      %get3A_488 = arith.constant 8 : i32
      %get3A_489 = arith.index_cast %get3A_488 : i32 to index
      %get3A_490 = arith.constant 0 : index
      %get3A_491 = tpu.vector_load %arg24[%get3A_489, %get3A_490] {strides = array<i32>} : memref<16x16xf32, #tpu.memory_space<vmem>>, vector<16xf32>,
      %add3A_492 = arith.addf %add3A_487, %get3A_491 : vector<16xf32>
      %get3A_493 = arith.constant 9 : i32
      %get3A_494 = arith.index_cast %get3A_493 : i32 to index
      %get3A_495 = arith.constant 0 : index
      %get3A_496 = tpu.vector_load %arg24[%get3A_494, %get3A_495] {strides = array<i32>} : memref<16x16xf32, #tpu.memory_space<vmem>>, vector<16xf32>,
      %add3A_497 = arith.addf %add3A_492, %get3A_496 : vector<16xf32>
      %get3A_498 = arith.constant 10 : i32
      %get3A_499 = arith.index_cast %get3A_498 : i32 to index
      %get3A_500 = arith.constant 0 : index
      %get3A_501 = tpu.vector_load %arg24[%get3A_499, %get3A_500] {strides = array<i32>} : memref<16x16xf32, #tpu.memory_space<vmem>>, vector<16xf32>,
      %add3A_502 = arith.addf %add3A_497, %get3A_501 : vector<16xf32>
      %get3A_503 = arith.constant 11 : i32
      %get3A_504 = arith.index_cast %get3A_503 : i32 to index
      %get3A_505 = arith.constant 0 : index
      %get3A_506 = tpu.vector_load %arg24[%get3A_504, %get3A_505] {strides = array<i32>} : memref<16x16xf32, #tpu.memory_space<vmem>>, vector<16xf32>,
      %add3A_507 = arith.addf %add3A_502, %get3A_506 : vector<16xf32>
      %get3A_508 = arith.constant 12 : i32
      %get3A_509 = arith.index_cast %get3A_508 : i32 to index
      %get3A_510 = arith.constant 0 : index
      %get3A_511 = tpu.vector_load %arg24[%get3A_509, %get3A_510] {strides = array<i32>} : memref<16x16xf32, #tpu.memory_space<vmem>>, vector<16xf32>,
      %add3A_512 = arith.addf %add3A_507, %get3A_511 : vector<16xf32>
      %get3A_513 = arith.constant 13 : i32
      %get3A_514 = arith.index_cast %get3A_513 : i32 to index
      %get3A_515 = arith.constant 0 : index
      %get3A_516 = tpu.vector_load %arg24[%get3A_514, %get3A_515] {strides = array<i32>} : memref<16x16xf32, #tpu.memory_space<vmem>>, vector<16xf32>,
      %add3A_517 = arith.addf %add3A_512, %get3A_516 : vector<16xf32>
      %get3A_518 = arith.constant 14 : i32
      %get3A_519 = arith.index_cast %get3A_518 : i32 to index
      %get3A_520 = arith.constant 0 : index
      %get3A_521 = tpu.vector_load %arg24[%get3A_519, %get3A_520] {strides = array<i32>} : memref<16x16xf32, #tpu.memory_space<vmem>>, vector<16xf32>,
      %add3A_522 = arith.addf %add3A_517, %get3A_521 : vector<16xf32>
      %get3A_523 = arith.constant 15 : i32
      %get3A_524 = arith.index_cast %get3A_523 : i32 to index
      %get3A_525 = arith.constant 0 : index
      %get3A_526 = tpu.vector_load %arg24[%get3A_524, %get3A_525] {strides = array<i32>} : memref<16x16xf32, #tpu.memory_space<vmem>>, vector<16xf32>,
      %add3A_527 = arith.addf %add3A_522, %get3A_526 : vector<16xf32>
      %mul3A_528 = arith.constant 16 : i32
      %mul3A_529 = arith.muli %add3A_330, %mul3A_528 : i32
      %swap3A = arith.index_cast %mul3A_529 : i32 to index
      %swap3A_530 = tpu.vector_load %arg23[%swap3A] {strides = array<i32>} : memref<512xf32, #tpu.memory_space<vmem>>, vector<16xf32>,
      tpu.vector_store %arg23[%swap3A], %add3A_527 {strides = array<i32>} : memref<512xf32, #tpu.memory_space<vmem>>, vector<16xf32>,
      %add3A_531 = arith.constant 2 : i32
      %add3A_532 = arith.addi %add3A_330, %add3A_531 : i32
      %lt3A = arith.constant 32 : i32
      %lt3A_533 = arith.cmpi slt, %add3A_532, %lt3A : i32
      %convert_element_type3A = arith.extui %lt3A_533 : i1 to i32
      %cond3A = arith.constant 0 : i32
      %cond3A_534 = arith.cmpi ne, %convert_element_type3A, %cond3A : i32
      scf.if %cond3A_534 {
        %add3A_749 = arith.constant 2 : i32
        %add3A_750 = arith.addi %add3A_330, %add3A_749 : i32
        %mul3A_751 = arith.constant 16 : i32
        %mul3A_752 = arith.muli %add3A_750, %mul3A_751 : i32
        %add3A_753 = arith.constant 0 : i32
        %add3A_754 = arith.addi %mul3A_752, %add3A_753 : i32
        %mul3A_755 = arith.constant 16 : i32
        %mul3A_756 = arith.muli %add3A_750, %mul3A_755 : i32
        %add3A_757 = arith.constant 8 : i32
        %add3A_758 = arith.addi %mul3A_756, %add3A_757 : i32
        %mul3A_759 = arith.constant 16 : i32
        %mul3A_760 = arith.muli %add3A_750, %mul3A_759 : i32
        %add3A_761 = arith.addi %mul3A_2, %mul3A_760 : i32
        %dma_start3A_762 = arith.constant 0 : i32
        %dma_start3A_763 = arith.constant 0 : i32
        %dma_start3A_764 = arith.constant 0 : i32
        %dma_start3A_765 = tpu.memref_slice %arg15[%dma_start3A_762, %dma_start3A_763, %dma_start3A_764] : memref<2x16x512xf32, #tpu.memory_space<vmem>> -> memref<1x8x512xf32, #tpu.memory_space<vmem>>
        %dma_start3A_766 = tpu.memref_squeeze %dma_start3A_765 : memref<1x8x512xf32, #tpu.memory_space<vmem>> -> memref<8x512xf32, #tpu.memory_space<vmem>>
        %dma_start3A_767 = tpu.memref_slice %arg13[%add3A_754] : memref<512xi32, #tpu.memory_space<vmem>> -> memref<8xi32, #tpu.memory_space<vmem>>
        %dma_start3A_768 = arith.constant 0 : i32
        %dma_start3A_769 = arith.constant 0 : i32
        %dma_start3A_770 = tpu.memref_slice %arg6[%dma_start3A_768, %dma_start3A_769] : memref<100000x512xf32, #tpu.memory_space<hbm>> -> memref<100000x512xf32, #tpu.memory_space<hbm>>
        tpu.enqueue_indirect_dma source(%dma_start3A_770 : memref<100000x512xf32, #tpu.memory_space<hbm>>) target(%dma_start3A_766 : memref<8x512xf32, #tpu.memory_space<vmem>>) offsets(%dma_start3A_767 : memref<8xi32, #tpu.memory_space<vmem>>) semaphore(%arg25 : memref<!tpu.dma_semaphore, #tpu.memory_space<semaphore_mem>>)
        %dma_start3A_771 = arith.constant 0 : i32
        %dma_start3A_772 = arith.constant 0 : i32
        %dma_start3A_773 = arith.constant 0 : i32
        %dma_start3A_774 = tpu.memref_slice %arg16[%dma_start3A_771, %dma_start3A_772, %dma_start3A_773] : memref<2x16x512xf32, #tpu.memory_space<vmem>> -> memref<1x8x512xf32, #tpu.memory_space<vmem>>
        %dma_start3A_775 = tpu.memref_squeeze %dma_start3A_774 : memref<1x8x512xf32, #tpu.memory_space<vmem>> -> memref<8x512xf32, #tpu.memory_space<vmem>>
        %dma_start3A_776 = tpu.memref_slice %arg14[%add3A_754] : memref<512xi32, #tpu.memory_space<vmem>> -> memref<8xi32, #tpu.memory_space<vmem>>
        %dma_start3A_777 = arith.constant 0 : i32
        %dma_start3A_778 = arith.constant 0 : i32
        %dma_start3A_779 = tpu.memref_slice %arg7[%dma_start3A_777, %dma_start3A_778] : memref<100000x512xf32, #tpu.memory_space<hbm>> -> memref<100000x512xf32, #tpu.memory_space<hbm>>
        tpu.enqueue_indirect_dma source(%dma_start3A_779 : memref<100000x512xf32, #tpu.memory_space<hbm>>) target(%dma_start3A_775 : memref<8x512xf32, #tpu.memory_space<vmem>>) offsets(%dma_start3A_776 : memref<8xi32, #tpu.memory_space<vmem>>) semaphore(%arg25 : memref<!tpu.dma_semaphore, #tpu.memory_space<semaphore_mem>>)
        %dma_start3A_780 = arith.constant 0 : i32
        %dma_start3A_781 = arith.constant 0 : i32
        %dma_start3A_782 = arith.constant 0 : i32
        %dma_start3A_783 = tpu.memref_slice %arg17[%dma_start3A_780, %dma_start3A_781, %dma_start3A_782] : memref<2x16x512xf32, #tpu.memory_space<vmem>> -> memref<1x8x512xf32, #tpu.memory_space<vmem>>
        %dma_start3A_784 = tpu.memref_squeeze %dma_start3A_783 : memref<1x8x512xf32, #tpu.memory_space<vmem>> -> memref<8x512xf32, #tpu.memory_space<vmem>>
        %dma_start3A_785 = tpu.memref_slice %arg13[%add3A_754] : memref<512xi32, #tpu.memory_space<vmem>> -> memref<8xi32, #tpu.memory_space<vmem>>
        %dma_start3A_786 = arith.constant 0 : i32
        %dma_start3A_787 = arith.constant 0 : i32
        %dma_start3A_788 = tpu.memref_slice %arg10[%dma_start3A_786, %dma_start3A_787] : memref<100000x512xf32, #tpu.memory_space<hbm>> -> memref<100000x512xf32, #tpu.memory_space<hbm>>
        tpu.enqueue_indirect_dma source(%dma_start3A_788 : memref<100000x512xf32, #tpu.memory_space<hbm>>) target(%dma_start3A_784 : memref<8x512xf32, #tpu.memory_space<vmem>>) offsets(%dma_start3A_785 : memref<8xi32, #tpu.memory_space<vmem>>) semaphore(%arg25 : memref<!tpu.dma_semaphore, #tpu.memory_space<semaphore_mem>>)
        %dma_start3A_789 = arith.constant 0 : i32
        %dma_start3A_790 = arith.constant 0 : i32
        %dma_start3A_791 = arith.constant 0 : i32
        %dma_start3A_792 = tpu.memref_slice %arg18[%dma_start3A_789, %dma_start3A_790, %dma_start3A_791] : memref<2x16x512xf32, #tpu.memory_space<vmem>> -> memref<1x8x512xf32, #tpu.memory_space<vmem>>
        %dma_start3A_793 = tpu.memref_squeeze %dma_start3A_792 : memref<1x8x512xf32, #tpu.memory_space<vmem>> -> memref<8x512xf32, #tpu.memory_space<vmem>>
        %dma_start3A_794 = tpu.memref_slice %arg13[%add3A_754] : memref<512xi32, #tpu.memory_space<vmem>> -> memref<8xi32, #tpu.memory_space<vmem>>
        %dma_start3A_795 = arith.constant 0 : i32
        %dma_start3A_796 = arith.constant 0 : i32
        %dma_start3A_797 = tpu.memref_slice %arg11[%dma_start3A_795, %dma_start3A_796] : memref<100000x512xf32, #tpu.memory_space<hbm>> -> memref<100000x512xf32, #tpu.memory_space<hbm>>
        tpu.enqueue_indirect_dma source(%dma_start3A_797 : memref<100000x512xf32, #tpu.memory_space<hbm>>) target(%dma_start3A_793 : memref<8x512xf32, #tpu.memory_space<vmem>>) offsets(%dma_start3A_794 : memref<8xi32, #tpu.memory_space<vmem>>) semaphore(%arg25 : memref<!tpu.dma_semaphore, #tpu.memory_space<semaphore_mem>>)
        %dma_start3A_798 = arith.constant 0 : i32
        %dma_start3A_799 = arith.constant 8 : i32
        %dma_start3A_800 = arith.constant 0 : i32
        %dma_start3A_801 = tpu.memref_slice %arg15[%dma_start3A_798, %dma_start3A_799, %dma_start3A_800] : memref<2x16x512xf32, #tpu.memory_space<vmem>> -> memref<1x8x512xf32, #tpu.memory_space<vmem>>
        %dma_start3A_802 = tpu.memref_squeeze %dma_start3A_801 : memref<1x8x512xf32, #tpu.memory_space<vmem>> -> memref<8x512xf32, #tpu.memory_space<vmem>>
        %dma_start3A_803 = tpu.memref_slice %arg13[%add3A_758] : memref<512xi32, #tpu.memory_space<vmem>> -> memref<8xi32, #tpu.memory_space<vmem>>
        %dma_start3A_804 = arith.constant 0 : i32
        %dma_start3A_805 = arith.constant 0 : i32
        %dma_start3A_806 = tpu.memref_slice %arg6[%dma_start3A_804, %dma_start3A_805] : memref<100000x512xf32, #tpu.memory_space<hbm>> -> memref<100000x512xf32, #tpu.memory_space<hbm>>
        tpu.enqueue_indirect_dma source(%dma_start3A_806 : memref<100000x512xf32, #tpu.memory_space<hbm>>) target(%dma_start3A_802 : memref<8x512xf32, #tpu.memory_space<vmem>>) offsets(%dma_start3A_803 : memref<8xi32, #tpu.memory_space<vmem>>) semaphore(%arg25 : memref<!tpu.dma_semaphore, #tpu.memory_space<semaphore_mem>>)
        %dma_start3A_807 = arith.constant 0 : i32
        %dma_start3A_808 = arith.constant 8 : i32
        %dma_start3A_809 = arith.constant 0 : i32
        %dma_start3A_810 = tpu.memref_slice %arg16[%dma_start3A_807, %dma_start3A_808, %dma_start3A_809] : memref<2x16x512xf32, #tpu.memory_space<vmem>> -> memref<1x8x512xf32, #tpu.memory_space<vmem>>
        %dma_start3A_811 = tpu.memref_squeeze %dma_start3A_810 : memref<1x8x512xf32, #tpu.memory_space<vmem>> -> memref<8x512xf32, #tpu.memory_space<vmem>>
        %dma_start3A_812 = tpu.memref_slice %arg14[%add3A_758] : memref<512xi32, #tpu.memory_space<vmem>> -> memref<8xi32, #tpu.memory_space<vmem>>
        %dma_start3A_813 = arith.constant 0 : i32
        %dma_start3A_814 = arith.constant 0 : i32
        %dma_start3A_815 = tpu.memref_slice %arg7[%dma_start3A_813, %dma_start3A_814] : memref<100000x512xf32, #tpu.memory_space<hbm>> -> memref<100000x512xf32, #tpu.memory_space<hbm>>
        tpu.enqueue_indirect_dma source(%dma_start3A_815 : memref<100000x512xf32, #tpu.memory_space<hbm>>) target(%dma_start3A_811 : memref<8x512xf32, #tpu.memory_space<vmem>>) offsets(%dma_start3A_812 : memref<8xi32, #tpu.memory_space<vmem>>) semaphore(%arg25 : memref<!tpu.dma_semaphore, #tpu.memory_space<semaphore_mem>>)
        %dma_start3A_816 = arith.constant 0 : i32
        %dma_start3A_817 = arith.constant 8 : i32
        %dma_start3A_818 = arith.constant 0 : i32
        %dma_start3A_819 = tpu.memref_slice %arg17[%dma_start3A_816, %dma_start3A_817, %dma_start3A_818] : memref<2x16x512xf32, #tpu.memory_space<vmem>> -> memref<1x8x512xf32, #tpu.memory_space<vmem>>
        %dma_start3A_820 = tpu.memref_squeeze %dma_start3A_819 : memref<1x8x512xf32, #tpu.memory_space<vmem>> -> memref<8x512xf32, #tpu.memory_space<vmem>>
        %dma_start3A_821 = tpu.memref_slice %arg13[%add3A_758] : memref<512xi32, #tpu.memory_space<vmem>> -> memref<8xi32, #tpu.memory_space<vmem>>
        %dma_start3A_822 = arith.constant 0 : i32
        %dma_start3A_823 = arith.constant 0 : i32
        %dma_start3A_824 = tpu.memref_slice %arg10[%dma_start3A_822, %dma_start3A_823] : memref<100000x512xf32, #tpu.memory_space<hbm>> -> memref<100000x512xf32, #tpu.memory_space<hbm>>
        tpu.enqueue_indirect_dma source(%dma_start3A_824 : memref<100000x512xf32, #tpu.memory_space<hbm>>) target(%dma_start3A_820 : memref<8x512xf32, #tpu.memory_space<vmem>>) offsets(%dma_start3A_821 : memref<8xi32, #tpu.memory_space<vmem>>) semaphore(%arg25 : memref<!tpu.dma_semaphore, #tpu.memory_space<semaphore_mem>>)
        %dma_start3A_825 = arith.constant 0 : i32
        %dma_start3A_826 = arith.constant 8 : i32
        %dma_start3A_827 = arith.constant 0 : i32
        %dma_start3A_828 = tpu.memref_slice %arg18[%dma_start3A_825, %dma_start3A_826, %dma_start3A_827] : memref<2x16x512xf32, #tpu.memory_space<vmem>> -> memref<1x8x512xf32, #tpu.memory_space<vmem>>
        %dma_start3A_829 = tpu.memref_squeeze %dma_start3A_828 : memref<1x8x512xf32, #tpu.memory_space<vmem>> -> memref<8x512xf32, #tpu.memory_space<vmem>>
        %dma_start3A_830 = tpu.memref_slice %arg13[%add3A_758] : memref<512xi32, #tpu.memory_space<vmem>> -> memref<8xi32, #tpu.memory_space<vmem>>
        %dma_start3A_831 = arith.constant 0 : i32
        %dma_start3A_832 = arith.constant 0 : i32
        %dma_start3A_833 = tpu.memref_slice %arg11[%dma_start3A_831, %dma_start3A_832] : memref<100000x512xf32, #tpu.memory_space<hbm>> -> memref<100000x512xf32, #tpu.memory_space<hbm>>
        tpu.enqueue_indirect_dma source(%dma_start3A_833 : memref<100000x512xf32, #tpu.memory_space<hbm>>) target(%dma_start3A_829 : memref<8x512xf32, #tpu.memory_space<vmem>>) offsets(%dma_start3A_830 : memref<8xi32, #tpu.memory_space<vmem>>) semaphore(%arg25 : memref<!tpu.dma_semaphore, #tpu.memory_space<semaphore_mem>>)
        %dma_start3A_834 = arith.constant 0 : i32
        %dma_start3A_835 = arith.constant 0 : i32
        %dma_start3A_836 = arith.constant 0 : i32
        %dma_start3A_837 = tpu.memref_slice %arg19[%dma_start3A_834, %dma_start3A_835, %dma_start3A_836] : memref<2x16x512xf32, #tpu.memory_space<vmem>> -> memref<1x16x512xf32, #tpu.memory_space<vmem>>
        %dma_start3A_838 = tpu.memref_squeeze %dma_start3A_837 : memref<1x16x512xf32, #tpu.memory_space<vmem>> -> memref<16x512xf32, #tpu.memory_space<vmem>>
        %dma_start3A_839 = arith.constant 0 : i32
        %dma_start3A_840 = tpu.memref_slice %arg4[%add3A_761, %dma_start3A_839] : memref<16384x512xf32, #tpu.memory_space<hbm>> -> memref<16x512xf32, #tpu.memory_space<hbm>>
        %dma_start3A_841 = arith.constant 0 : i32
        %dma_start3A_842 = arith.constant 0 : i32
        %dma_start3A_843 = tpu.memref_slice %arg19[%dma_start3A_834, %dma_start3A_841, %dma_start3A_842] : memref<2x16x512xf32, #tpu.memory_space<vmem>> -> memref<1x16x512xf32, #tpu.memory_space<vmem>>
        %dma_start3A_844 = tpu.memref_squeeze %dma_start3A_843 : memref<1x16x512xf32, #tpu.memory_space<vmem>> -> memref<16x512xf32, #tpu.memory_space<vmem>>
        %dma_start3A_845 = arith.constant 0 : i32
        %dma_start3A_846 = tpu.memref_slice %arg4[%add3A_761, %dma_start3A_845] : memref<16384x512xf32, #tpu.memory_space<hbm>> -> memref<16x512xf32, #tpu.memory_space<hbm>>
        tpu.enqueue_dma source(%dma_start3A_846 : memref<16x512xf32, #tpu.memory_space<hbm>>) target(%dma_start3A_844 : memref<16x512xf32, #tpu.memory_space<vmem>>) target_semaphore(%arg25 : memref<!tpu.dma_semaphore, #tpu.memory_space<semaphore_mem>>)
        %dma_start3A_847 = arith.constant 0 : i32
        %dma_start3A_848 = arith.constant 0 : i32
        %dma_start3A_849 = arith.constant 0 : i32
        %dma_start3A_850 = tpu.memref_slice %arg20[%dma_start3A_847, %dma_start3A_848, %dma_start3A_849] : memref<2x16x512xf32, #tpu.memory_space<vmem>> -> memref<1x16x512xf32, #tpu.memory_space<vmem>>
        %dma_start3A_851 = tpu.memref_squeeze %dma_start3A_850 : memref<1x16x512xf32, #tpu.memory_space<vmem>> -> memref<16x512xf32, #tpu.memory_space<vmem>>
        %dma_start3A_852 = arith.constant 0 : i32
        %dma_start3A_853 = tpu.memref_slice %arg5[%add3A_761, %dma_start3A_852] : memref<16384x512xf32, #tpu.memory_space<hbm>> -> memref<16x512xf32, #tpu.memory_space<hbm>>
        %dma_start3A_854 = arith.constant 0 : i32
        %dma_start3A_855 = arith.constant 0 : i32
        %dma_start3A_856 = tpu.memref_slice %arg20[%dma_start3A_847, %dma_start3A_854, %dma_start3A_855] : memref<2x16x512xf32, #tpu.memory_space<vmem>> -> memref<1x16x512xf32, #tpu.memory_space<vmem>>
        %dma_start3A_857 = tpu.memref_squeeze %dma_start3A_856 : memref<1x16x512xf32, #tpu.memory_space<vmem>> -> memref<16x512xf32, #tpu.memory_space<vmem>>
        %dma_start3A_858 = arith.constant 0 : i32
        %dma_start3A_859 = tpu.memref_slice %arg5[%add3A_761, %dma_start3A_858] : memref<16384x512xf32, #tpu.memory_space<hbm>> -> memref<16x512xf32, #tpu.memory_space<hbm>>
        tpu.enqueue_dma source(%dma_start3A_859 : memref<16x512xf32, #tpu.memory_space<hbm>>) target(%dma_start3A_857 : memref<16x512xf32, #tpu.memory_space<vmem>>) target_semaphore(%arg25 : memref<!tpu.dma_semaphore, #tpu.memory_space<semaphore_mem>>)
      } else {
      }
      %mul3A_535 = arith.constant 2 : i32
      %mul3A_536 = arith.muli %mul3A_535, %scan3A_326 : i32
      %add3A_537 = arith.constant 1 : i32
      %add3A_538 = arith.addi %mul3A_536, %add3A_537 : i32
      %mul3A_539 = arith.constant 16 : i32
      %mul3A_540 = arith.muli %add3A_538, %mul3A_539 : i32
      %add3A_541 = arith.constant 0 : i32
      %add3A_542 = arith.addi %mul3A_540, %add3A_541 : i32
      %mul3A_543 = arith.constant 16 : i32
      %mul3A_544 = arith.muli %add3A_538, %mul3A_543 : i32
      %add3A_545 = arith.constant 8 : i32
      %add3A_546 = arith.addi %mul3A_544, %add3A_545 : i32
      %mul3A_547 = arith.constant 16 : i32
      %mul3A_548 = arith.muli %add3A_538, %mul3A_547 : i32
      %add3A_549 = arith.addi %mul3A_2, %mul3A_548 : i32
      %dma_wait3A_550 = arith.constant 1 : i32
      %dma_wait3A_551 = arith.constant 0 : i32
      %dma_wait3A_552 = arith.constant 0 : i32
      %dma_wait3A_553 = tpu.memref_slice %arg15[%dma_wait3A_550, %dma_wait3A_551, %dma_wait3A_552] : memref<2x16x512xf32, #tpu.memory_space<vmem>> -> memref<1x8x512xf32, #tpu.memory_space<vmem>>
      %dma_wait3A_554 = tpu.memref_squeeze %dma_wait3A_553 : memref<1x8x512xf32, #tpu.memory_space<vmem>> -> memref<8x512xf32, #tpu.memory_space<vmem>>
      %dma_wait3A_555 = tpu.memref_slice %arg13[%add3A_542] : memref<512xi32, #tpu.memory_space<vmem>> -> memref<8xi32, #tpu.memory_space<vmem>>
      %dma_wait3A_556 = arith.constant 0 : i32
      %dma_wait3A_557 = arith.constant 0 : i32
      %dma_wait3A_558 = tpu.memref_slice %arg6[%dma_wait3A_556, %dma_wait3A_557] : memref<100000x512xf32, #tpu.memory_space<hbm>> -> memref<100000x512xf32, #tpu.memory_space<hbm>>
      tpu.wait_indirect_dma semaphore(%arg26 : memref<!tpu.dma_semaphore, #tpu.memory_space<semaphore_mem>>) src(%dma_wait3A_558 : memref<100000x512xf32, #tpu.memory_space<hbm>>) dst(%dma_wait3A_554 : memref<8x512xf32, #tpu.memory_space<vmem>>)
      %dma_wait3A_559 = arith.constant 1 : i32
      %dma_wait3A_560 = arith.constant 0 : i32
      %dma_wait3A_561 = arith.constant 0 : i32
      %dma_wait3A_562 = tpu.memref_slice %arg16[%dma_wait3A_559, %dma_wait3A_560, %dma_wait3A_561] : memref<2x16x512xf32, #tpu.memory_space<vmem>> -> memref<1x8x512xf32, #tpu.memory_space<vmem>>
      %dma_wait3A_563 = tpu.memref_squeeze %dma_wait3A_562 : memref<1x8x512xf32, #tpu.memory_space<vmem>> -> memref<8x512xf32, #tpu.memory_space<vmem>>
      %dma_wait3A_564 = tpu.memref_slice %arg14[%add3A_542] : memref<512xi32, #tpu.memory_space<vmem>> -> memref<8xi32, #tpu.memory_space<vmem>>
      %dma_wait3A_565 = arith.constant 0 : i32
      %dma_wait3A_566 = arith.constant 0 : i32
      %dma_wait3A_567 = tpu.memref_slice %arg7[%dma_wait3A_565, %dma_wait3A_566] : memref<100000x512xf32, #tpu.memory_space<hbm>> -> memref<100000x512xf32, #tpu.memory_space<hbm>>
      tpu.wait_indirect_dma semaphore(%arg26 : memref<!tpu.dma_semaphore, #tpu.memory_space<semaphore_mem>>) src(%dma_wait3A_567 : memref<100000x512xf32, #tpu.memory_space<hbm>>) dst(%dma_wait3A_563 : memref<8x512xf32, #tpu.memory_space<vmem>>)
      %dma_wait3A_568 = arith.constant 1 : i32
      %dma_wait3A_569 = arith.constant 0 : i32
      %dma_wait3A_570 = arith.constant 0 : i32
      %dma_wait3A_571 = tpu.memref_slice %arg17[%dma_wait3A_568, %dma_wait3A_569, %dma_wait3A_570] : memref<2x16x512xf32, #tpu.memory_space<vmem>> -> memref<1x8x512xf32, #tpu.memory_space<vmem>>
      %dma_wait3A_572 = tpu.memref_squeeze %dma_wait3A_571 : memref<1x8x512xf32, #tpu.memory_space<vmem>> -> memref<8x512xf32, #tpu.memory_space<vmem>>
      %dma_wait3A_573 = tpu.memref_slice %arg13[%add3A_542] : memref<512xi32, #tpu.memory_space<vmem>> -> memref<8xi32, #tpu.memory_space<vmem>>
      %dma_wait3A_574 = arith.constant 0 : i32
      %dma_wait3A_575 = arith.constant 0 : i32
      %dma_wait3A_576 = tpu.memref_slice %arg10[%dma_wait3A_574, %dma_wait3A_575] : memref<100000x512xf32, #tpu.memory_space<hbm>> -> memref<100000x512xf32, #tpu.memory_space<hbm>>
      tpu.wait_indirect_dma semaphore(%arg26 : memref<!tpu.dma_semaphore, #tpu.memory_space<semaphore_mem>>) src(%dma_wait3A_576 : memref<100000x512xf32, #tpu.memory_space<hbm>>) dst(%dma_wait3A_572 : memref<8x512xf32, #tpu.memory_space<vmem>>)
      %dma_wait3A_577 = arith.constant 1 : i32
      %dma_wait3A_578 = arith.constant 0 : i32
      %dma_wait3A_579 = arith.constant 0 : i32
      %dma_wait3A_580 = tpu.memref_slice %arg18[%dma_wait3A_577, %dma_wait3A_578, %dma_wait3A_579] : memref<2x16x512xf32, #tpu.memory_space<vmem>> -> memref<1x8x512xf32, #tpu.memory_space<vmem>>
      %dma_wait3A_581 = tpu.memref_squeeze %dma_wait3A_580 : memref<1x8x512xf32, #tpu.memory_space<vmem>> -> memref<8x512xf32, #tpu.memory_space<vmem>>
      %dma_wait3A_582 = tpu.memref_slice %arg13[%add3A_542] : memref<512xi32, #tpu.memory_space<vmem>> -> memref<8xi32, #tpu.memory_space<vmem>>
      %dma_wait3A_583 = arith.constant 0 : i32
      %dma_wait3A_584 = arith.constant 0 : i32
      %dma_wait3A_585 = tpu.memref_slice %arg11[%dma_wait3A_583, %dma_wait3A_584] : memref<100000x512xf32, #tpu.memory_space<hbm>> -> memref<100000x512xf32, #tpu.memory_space<hbm>>
      tpu.wait_indirect_dma semaphore(%arg26 : memref<!tpu.dma_semaphore, #tpu.memory_space<semaphore_mem>>) src(%dma_wait3A_585 : memref<100000x512xf32, #tpu.memory_space<hbm>>) dst(%dma_wait3A_581 : memref<8x512xf32, #tpu.memory_space<vmem>>)
      %dma_wait3A_586 = arith.constant 1 : i32
      %dma_wait3A_587 = arith.constant 8 : i32
      %dma_wait3A_588 = arith.constant 0 : i32
      %dma_wait3A_589 = tpu.memref_slice %arg15[%dma_wait3A_586, %dma_wait3A_587, %dma_wait3A_588] : memref<2x16x512xf32, #tpu.memory_space<vmem>> -> memref<1x8x512xf32, #tpu.memory_space<vmem>>
      %dma_wait3A_590 = tpu.memref_squeeze %dma_wait3A_589 : memref<1x8x512xf32, #tpu.memory_space<vmem>> -> memref<8x512xf32, #tpu.memory_space<vmem>>
      %dma_wait3A_591 = tpu.memref_slice %arg13[%add3A_546] : memref<512xi32, #tpu.memory_space<vmem>> -> memref<8xi32, #tpu.memory_space<vmem>>
      %dma_wait3A_592 = arith.constant 0 : i32
      %dma_wait3A_593 = arith.constant 0 : i32
      %dma_wait3A_594 = tpu.memref_slice %arg6[%dma_wait3A_592, %dma_wait3A_593] : memref<100000x512xf32, #tpu.memory_space<hbm>> -> memref<100000x512xf32, #tpu.memory_space<hbm>>
      tpu.wait_indirect_dma semaphore(%arg26 : memref<!tpu.dma_semaphore, #tpu.memory_space<semaphore_mem>>) src(%dma_wait3A_594 : memref<100000x512xf32, #tpu.memory_space<hbm>>) dst(%dma_wait3A_590 : memref<8x512xf32, #tpu.memory_space<vmem>>)
      %dma_wait3A_595 = arith.constant 1 : i32
      %dma_wait3A_596 = arith.constant 8 : i32
      %dma_wait3A_597 = arith.constant 0 : i32
      %dma_wait3A_598 = tpu.memref_slice %arg16[%dma_wait3A_595, %dma_wait3A_596, %dma_wait3A_597] : memref<2x16x512xf32, #tpu.memory_space<vmem>> -> memref<1x8x512xf32, #tpu.memory_space<vmem>>
      %dma_wait3A_599 = tpu.memref_squeeze %dma_wait3A_598 : memref<1x8x512xf32, #tpu.memory_space<vmem>> -> memref<8x512xf32, #tpu.memory_space<vmem>>
      %dma_wait3A_600 = tpu.memref_slice %arg14[%add3A_546] : memref<512xi32, #tpu.memory_space<vmem>> -> memref<8xi32, #tpu.memory_space<vmem>>
      %dma_wait3A_601 = arith.constant 0 : i32
      %dma_wait3A_602 = arith.constant 0 : i32
      %dma_wait3A_603 = tpu.memref_slice %arg7[%dma_wait3A_601, %dma_wait3A_602] : memref<100000x512xf32, #tpu.memory_space<hbm>> -> memref<100000x512xf32, #tpu.memory_space<hbm>>
      tpu.wait_indirect_dma semaphore(%arg26 : memref<!tpu.dma_semaphore, #tpu.memory_space<semaphore_mem>>) src(%dma_wait3A_603 : memref<100000x512xf32, #tpu.memory_space<hbm>>) dst(%dma_wait3A_599 : memref<8x512xf32, #tpu.memory_space<vmem>>)
      %dma_wait3A_604 = arith.constant 1 : i32
      %dma_wait3A_605 = arith.constant 8 : i32
      %dma_wait3A_606 = arith.constant 0 : i32
      %dma_wait3A_607 = tpu.memref_slice %arg17[%dma_wait3A_604, %dma_wait3A_605, %dma_wait3A_606] : memref<2x16x512xf32, #tpu.memory_space<vmem>> -> memref<1x8x512xf32, #tpu.memory_space<vmem>>
      %dma_wait3A_608 = tpu.memref_squeeze %dma_wait3A_607 : memref<1x8x512xf32, #tpu.memory_space<vmem>> -> memref<8x512xf32, #tpu.memory_space<vmem>>
      %dma_wait3A_609 = tpu.memref_slice %arg13[%add3A_546] : memref<512xi32, #tpu.memory_space<vmem>> -> memref<8xi32, #tpu.memory_space<vmem>>
      %dma_wait3A_610 = arith.constant 0 : i32
      %dma_wait3A_611 = arith.constant 0 : i32
      %dma_wait3A_612 = tpu.memref_slice %arg10[%dma_wait3A_610, %dma_wait3A_611] : memref<100000x512xf32, #tpu.memory_space<hbm>> -> memref<100000x512xf32, #tpu.memory_space<hbm>>
      tpu.wait_indirect_dma semaphore(%arg26 : memref<!tpu.dma_semaphore, #tpu.memory_space<semaphore_mem>>) src(%dma_wait3A_612 : memref<100000x512xf32, #tpu.memory_space<hbm>>) dst(%dma_wait3A_608 : memref<8x512xf32, #tpu.memory_space<vmem>>)
      %dma_wait3A_613 = arith.constant 1 : i32
      %dma_wait3A_614 = arith.constant 8 : i32
      %dma_wait3A_615 = arith.constant 0 : i32
      %dma_wait3A_616 = tpu.memref_slice %arg18[%dma_wait3A_613, %dma_wait3A_614, %dma_wait3A_615] : memref<2x16x512xf32, #tpu.memory_space<vmem>> -> memref<1x8x512xf32, #tpu.memory_space<vmem>>
      %dma_wait3A_617 = tpu.memref_squeeze %dma_wait3A_616 : memref<1x8x512xf32, #tpu.memory_space<vmem>> -> memref<8x512xf32, #tpu.memory_space<vmem>>
      %dma_wait3A_618 = tpu.memref_slice %arg13[%add3A_546] : memref<512xi32, #tpu.memory_space<vmem>> -> memref<8xi32, #tpu.memory_space<vmem>>
      %dma_wait3A_619 = arith.constant 0 : i32
      %dma_wait3A_620 = arith.constant 0 : i32
      %dma_wait3A_621 = tpu.memref_slice %arg11[%dma_wait3A_619, %dma_wait3A_620] : memref<100000x512xf32, #tpu.memory_space<hbm>> -> memref<100000x512xf32, #tpu.memory_space<hbm>>
      tpu.wait_indirect_dma semaphore(%arg26 : memref<!tpu.dma_semaphore, #tpu.memory_space<semaphore_mem>>) src(%dma_wait3A_621 : memref<100000x512xf32, #tpu.memory_space<hbm>>) dst(%dma_wait3A_617 : memref<8x512xf32, #tpu.memory_space<vmem>>)
      %dma_wait3A_622 = arith.constant 1 : i32
      %dma_wait3A_623 = arith.constant 0 : i32
      %dma_wait3A_624 = arith.constant 0 : i32
      %dma_wait3A_625 = tpu.memref_slice %arg19[%dma_wait3A_622, %dma_wait3A_623, %dma_wait3A_624] : memref<2x16x512xf32, #tpu.memory_space<vmem>> -> memref<1x16x512xf32, #tpu.memory_space<vmem>>
      %dma_wait3A_626 = tpu.memref_squeeze %dma_wait3A_625 : memref<1x16x512xf32, #tpu.memory_space<vmem>> -> memref<16x512xf32, #tpu.memory_space<vmem>>
      %dma_wait3A_627 = arith.constant 0 : i32
      %dma_wait3A_628 = tpu.memref_slice %arg4[%add3A_549, %dma_wait3A_627] : memref<16384x512xf32, #tpu.memory_space<hbm>> -> memref<16x512xf32, #tpu.memory_space<hbm>>
      %dma_wait3A_629 = arith.constant 0 : i32
      %dma_wait3A_630 = arith.constant 0 : i32
      %dma_wait3A_631 = tpu.memref_slice %arg19[%dma_wait3A_622, %dma_wait3A_629, %dma_wait3A_630] : memref<2x16x512xf32, #tpu.memory_space<vmem>> -> memref<1x16x512xf32, #tpu.memory_space<vmem>>
      %dma_wait3A_632 = tpu.memref_squeeze %dma_wait3A_631 : memref<1x16x512xf32, #tpu.memory_space<vmem>> -> memref<16x512xf32, #tpu.memory_space<vmem>>
      %dma_wait3A_633 = arith.constant 0 : i32
      %dma_wait3A_634 = tpu.memref_slice %arg4[%add3A_549, %dma_wait3A_633] : memref<16384x512xf32, #tpu.memory_space<hbm>> -> memref<16x512xf32, #tpu.memory_space<hbm>>
      tpu.wait_dma2 semaphore(%arg26 : memref<!tpu.dma_semaphore, #tpu.memory_space<semaphore_mem>>) src(%dma_wait3A_634 : memref<16x512xf32, #tpu.memory_space<hbm>>) dst(%dma_wait3A_632 : memref<16x512xf32, #tpu.memory_space<vmem>>)
      %dma_wait3A_635 = arith.constant 1 : i32
      %dma_wait3A_636 = arith.constant 0 : i32
      %dma_wait3A_637 = arith.constant 0 : i32
      %dma_wait3A_638 = tpu.memref_slice %arg20[%dma_wait3A_635, %dma_wait3A_636, %dma_wait3A_637] : memref<2x16x512xf32, #tpu.memory_space<vmem>> -> memref<1x16x512xf32, #tpu.memory_space<vmem>>
      %dma_wait3A_639 = tpu.memref_squeeze %dma_wait3A_638 : memref<1x16x512xf32, #tpu.memory_space<vmem>> -> memref<16x512xf32, #tpu.memory_space<vmem>>
      %dma_wait3A_640 = arith.constant 0 : i32
      %dma_wait3A_641 = tpu.memref_slice %arg5[%add3A_549, %dma_wait3A_640] : memref<16384x512xf32, #tpu.memory_space<hbm>> -> memref<16x512xf32, #tpu.memory_space<hbm>>
      %dma_wait3A_642 = arith.constant 0 : i32
      %dma_wait3A_643 = arith.constant 0 : i32
      %dma_wait3A_644 = tpu.memref_slice %arg20[%dma_wait3A_635, %dma_wait3A_642, %dma_wait3A_643] : memref<2x16x512xf32, #tpu.memory_space<vmem>> -> memref<1x16x512xf32, #tpu.memory_space<vmem>>
      %dma_wait3A_645 = tpu.memref_squeeze %dma_wait3A_644 : memref<1x16x512xf32, #tpu.memory_space<vmem>> -> memref<16x512xf32, #tpu.memory_space<vmem>>
      %dma_wait3A_646 = arith.constant 0 : i32
      %dma_wait3A_647 = tpu.memref_slice %arg5[%add3A_549, %dma_wait3A_646] : memref<16384x512xf32, #tpu.memory_space<hbm>> -> memref<16x512xf32, #tpu.memory_space<hbm>>
      tpu.wait_dma2 semaphore(%arg26 : memref<!tpu.dma_semaphore, #tpu.memory_space<semaphore_mem>>) src(%dma_wait3A_647 : memref<16x512xf32, #tpu.memory_space<hbm>>) dst(%dma_wait3A_645 : memref<16x512xf32, #tpu.memory_space<vmem>>)
      %parallel_loop3A_648 = arith.constant 0 : i32
      %parallel_loop3A_649 = arith.constant 16 : i32
      %parallel_loop3A_650 = arith.constant 1 : i32
      scf.for %parallel_loop3A_749 = %parallel_loop3A_648 to %parallel_loop3A_649 step %parallel_loop3A_650  : i32 {
        %parallel_loop3A_750 = arith.constant 0.000000e+00 : f32
        %parallel_loop3A_751 = vector.broadcast %parallel_loop3A_750 : f32 to vector<16xf32>
        %parallel_loop3A_752 = arith.constant 0 : i32
        %parallel_loop3A_753 = arith.constant 8 : i32
        %parallel_loop3A_754 = arith.addi %parallel_loop3A_752, %parallel_loop3A_753 : i32
        %parallel_loop3A_755 = arith.constant 1 : i32
        %parallel_loop3A_756:6 = scf.for %scan3A_767 = %parallel_loop3A_752 to %parallel_loop3A_754 step %parallel_loop3A_755 iter_args(%scan3A_768 = %parallel_loop3A_751, %scan3A_769 = %parallel_loop3A_751, %scan3A_770 = %parallel_loop3A_751, %scan3A_771 = %parallel_loop3A_751, %scan3A_772 = %parallel_loop3A_751, %scan3A_773 = %parallel_loop3A_751) -> (vector<16xf32>, vector<16xf32>, vector<16xf32>, vector<16xf32>, vector<16xf32>, vector<16xf32>)  : i32 {
          %parallel_loop3A_774 = arith.constant 64 : i32
          %parallel_loop3A_775 = arith.muli %scan3A_767, %parallel_loop3A_774 : i32
          %parallel_loop3A_776 = arith.constant 0 : i32
          %parallel_loop3A_777 = arith.addi %parallel_loop3A_775, %parallel_loop3A_776 : i32
          %parallel_loop3A_778 = arith.constant 1 : i32
          %parallel_loop3A_779 = arith.index_cast %parallel_loop3A_778 : i32 to index
          %parallel_loop3A_780 = arith.index_cast %parallel_loop3A_749 : i32 to index
          %parallel_loop3A_781 = arith.index_cast %parallel_loop3A_777 : i32 to index
          %parallel_loop3A_782 = tpu.vector_load %arg15[%parallel_loop3A_779, %parallel_loop3A_780, %parallel_loop3A_781] {strides = array<i32>} : memref<2x16x512xf32, #tpu.memory_space<vmem>>, vector<16xf32>,
          %parallel_loop3A_783 = arith.constant 1 : i32
          %parallel_loop3A_784 = arith.index_cast %parallel_loop3A_783 : i32 to index
          %parallel_loop3A_785 = arith.index_cast %parallel_loop3A_749 : i32 to index
          %parallel_loop3A_786 = arith.index_cast %parallel_loop3A_777 : i32 to index
          %parallel_loop3A_787 = tpu.vector_load %arg16[%parallel_loop3A_784, %parallel_loop3A_785, %parallel_loop3A_786] {strides = array<i32>} : memref<2x16x512xf32, #tpu.memory_space<vmem>>, vector<16xf32>,
          %parallel_loop3A_788 = arith.mulf %parallel_loop3A_782, %parallel_loop3A_787 : vector<16xf32>
          %parallel_loop3A_789 = arith.addf %scan3A_768, %parallel_loop3A_788 : vector<16xf32>
          %parallel_loop3A_790 = arith.constant 1 : i32
          %parallel_loop3A_791 = arith.index_cast %parallel_loop3A_790 : i32 to index
          %parallel_loop3A_792 = arith.index_cast %parallel_loop3A_749 : i32 to index
          %parallel_loop3A_793 = arith.index_cast %parallel_loop3A_777 : i32 to index
          %parallel_loop3A_794 = tpu.vector_load %arg17[%parallel_loop3A_791, %parallel_loop3A_792, %parallel_loop3A_793] {strides = array<i32>} : memref<2x16x512xf32, #tpu.memory_space<vmem>>, vector<16xf32>,
          %parallel_loop3A_795 = arith.constant 1 : i32
          %parallel_loop3A_796 = arith.index_cast %parallel_loop3A_795 : i32 to index
          %parallel_loop3A_797 = arith.index_cast %parallel_loop3A_749 : i32 to index
          %parallel_loop3A_798 = arith.index_cast %parallel_loop3A_777 : i32 to index
          %parallel_loop3A_799 = tpu.vector_load %arg19[%parallel_loop3A_796, %parallel_loop3A_797, %parallel_loop3A_798] {strides = array<i32>} : memref<2x16x512xf32, #tpu.memory_space<vmem>>, vector<16xf32>,
          %parallel_loop3A_800 = arith.mulf %parallel_loop3A_794, %parallel_loop3A_799 : vector<16xf32>
          %parallel_loop3A_801 = arith.addf %scan3A_770, %parallel_loop3A_800 : vector<16xf32>
          %parallel_loop3A_802 = arith.constant 1 : i32
          %parallel_loop3A_803 = arith.index_cast %parallel_loop3A_802 : i32 to index
          %parallel_loop3A_804 = arith.index_cast %parallel_loop3A_749 : i32 to index
          %parallel_loop3A_805 = arith.index_cast %parallel_loop3A_777 : i32 to index
          %parallel_loop3A_806 = tpu.vector_load %arg18[%parallel_loop3A_803, %parallel_loop3A_804, %parallel_loop3A_805] {strides = array<i32>} : memref<2x16x512xf32, #tpu.memory_space<vmem>>, vector<16xf32>,
          %parallel_loop3A_807 = arith.constant 1 : i32
          %parallel_loop3A_808 = arith.index_cast %parallel_loop3A_807 : i32 to index
          %parallel_loop3A_809 = arith.index_cast %parallel_loop3A_749 : i32 to index
          %parallel_loop3A_810 = arith.index_cast %parallel_loop3A_777 : i32 to index
          %parallel_loop3A_811 = tpu.vector_load %arg20[%parallel_loop3A_808, %parallel_loop3A_809, %parallel_loop3A_810] {strides = array<i32>} : memref<2x16x512xf32, #tpu.memory_space<vmem>>, vector<16xf32>,
          %parallel_loop3A_812 = arith.mulf %parallel_loop3A_806, %parallel_loop3A_811 : vector<16xf32>
          %parallel_loop3A_813 = arith.addf %scan3A_772, %parallel_loop3A_812 : vector<16xf32>
          %parallel_loop3A_814 = arith.constant 64 : i32
          %parallel_loop3A_815 = arith.muli %scan3A_767, %parallel_loop3A_814 : i32
          %parallel_loop3A_816 = arith.constant 16 : i32
          %parallel_loop3A_817 = arith.addi %parallel_loop3A_815, %parallel_loop3A_816 : i32
          %parallel_loop3A_818 = arith.constant 1 : i32
          %parallel_loop3A_819 = arith.index_cast %parallel_loop3A_818 : i32 to index
          %parallel_loop3A_820 = arith.index_cast %parallel_loop3A_749 : i32 to index
          %parallel_loop3A_821 = arith.index_cast %parallel_loop3A_817 : i32 to index
          %parallel_loop3A_822 = tpu.vector_load %arg15[%parallel_loop3A_819, %parallel_loop3A_820, %parallel_loop3A_821] {strides = array<i32>} : memref<2x16x512xf32, #tpu.memory_space<vmem>>, vector<16xf32>,
          %parallel_loop3A_823 = arith.constant 1 : i32
          %parallel_loop3A_824 = arith.index_cast %parallel_loop3A_823 : i32 to index
          %parallel_loop3A_825 = arith.index_cast %parallel_loop3A_749 : i32 to index
          %parallel_loop3A_826 = arith.index_cast %parallel_loop3A_817 : i32 to index
          %parallel_loop3A_827 = tpu.vector_load %arg16[%parallel_loop3A_824, %parallel_loop3A_825, %parallel_loop3A_826] {strides = array<i32>} : memref<2x16x512xf32, #tpu.memory_space<vmem>>, vector<16xf32>,
          %parallel_loop3A_828 = arith.mulf %parallel_loop3A_822, %parallel_loop3A_827 : vector<16xf32>
          %parallel_loop3A_829 = arith.addf %scan3A_769, %parallel_loop3A_828 : vector<16xf32>
          %parallel_loop3A_830 = arith.constant 1 : i32
          %parallel_loop3A_831 = arith.index_cast %parallel_loop3A_830 : i32 to index
          %parallel_loop3A_832 = arith.index_cast %parallel_loop3A_749 : i32 to index
          %parallel_loop3A_833 = arith.index_cast %parallel_loop3A_817 : i32 to index
          %parallel_loop3A_834 = tpu.vector_load %arg17[%parallel_loop3A_831, %parallel_loop3A_832, %parallel_loop3A_833] {strides = array<i32>} : memref<2x16x512xf32, #tpu.memory_space<vmem>>, vector<16xf32>,
          %parallel_loop3A_835 = arith.constant 1 : i32
          %parallel_loop3A_836 = arith.index_cast %parallel_loop3A_835 : i32 to index
          %parallel_loop3A_837 = arith.index_cast %parallel_loop3A_749 : i32 to index
          %parallel_loop3A_838 = arith.index_cast %parallel_loop3A_817 : i32 to index
          %parallel_loop3A_839 = tpu.vector_load %arg19[%parallel_loop3A_836, %parallel_loop3A_837, %parallel_loop3A_838] {strides = array<i32>} : memref<2x16x512xf32, #tpu.memory_space<vmem>>, vector<16xf32>,
          %parallel_loop3A_840 = arith.mulf %parallel_loop3A_834, %parallel_loop3A_839 : vector<16xf32>
          %parallel_loop3A_841 = arith.addf %scan3A_771, %parallel_loop3A_840 : vector<16xf32>
          %parallel_loop3A_842 = arith.constant 1 : i32
          %parallel_loop3A_843 = arith.index_cast %parallel_loop3A_842 : i32 to index
          %parallel_loop3A_844 = arith.index_cast %parallel_loop3A_749 : i32 to index
          %parallel_loop3A_845 = arith.index_cast %parallel_loop3A_817 : i32 to index
          %parallel_loop3A_846 = tpu.vector_load %arg18[%parallel_loop3A_843, %parallel_loop3A_844, %parallel_loop3A_845] {strides = array<i32>} : memref<2x16x512xf32, #tpu.memory_space<vmem>>, vector<16xf32>,
          %parallel_loop3A_847 = arith.constant 1 : i32
          %parallel_loop3A_848 = arith.index_cast %parallel_loop3A_847 : i32 to index
          %parallel_loop3A_849 = arith.index_cast %parallel_loop3A_749 : i32 to index
          %parallel_loop3A_850 = arith.index_cast %parallel_loop3A_817 : i32 to index
          %parallel_loop3A_851 = tpu.vector_load %arg20[%parallel_loop3A_848, %parallel_loop3A_849, %parallel_loop3A_850] {strides = array<i32>} : memref<2x16x512xf32, #tpu.memory_space<vmem>>, vector<16xf32>,
          %parallel_loop3A_852 = arith.mulf %parallel_loop3A_846, %parallel_loop3A_851 : vector<16xf32>
          %parallel_loop3A_853 = arith.addf %scan3A_773, %parallel_loop3A_852 : vector<16xf32>
          %parallel_loop3A_854 = arith.constant 64 : i32
          %parallel_loop3A_855 = arith.muli %scan3A_767, %parallel_loop3A_854 : i32
          %parallel_loop3A_856 = arith.constant 32 : i32
          %parallel_loop3A_857 = arith.addi %parallel_loop3A_855, %parallel_loop3A_856 : i32
          %parallel_loop3A_858 = arith.constant 1 : i32
          %parallel_loop3A_859 = arith.index_cast %parallel_loop3A_858 : i32 to index
          %parallel_loop3A_860 = arith.index_cast %parallel_loop3A_749 : i32 to index
          %parallel_loop3A_861 = arith.index_cast %parallel_loop3A_857 : i32 to index
          %parallel_loop3A_862 = tpu.vector_load %arg15[%parallel_loop3A_859, %parallel_loop3A_860, %parallel_loop3A_861] {strides = array<i32>} : memref<2x16x512xf32, #tpu.memory_space<vmem>>, vector<16xf32>,
          %parallel_loop3A_863 = arith.constant 1 : i32
          %parallel_loop3A_864 = arith.index_cast %parallel_loop3A_863 : i32 to index
          %parallel_loop3A_865 = arith.index_cast %parallel_loop3A_749 : i32 to index
          %parallel_loop3A_866 = arith.index_cast %parallel_loop3A_857 : i32 to index
          %parallel_loop3A_867 = tpu.vector_load %arg16[%parallel_loop3A_864, %parallel_loop3A_865, %parallel_loop3A_866] {strides = array<i32>} : memref<2x16x512xf32, #tpu.memory_space<vmem>>, vector<16xf32>,
          %parallel_loop3A_868 = arith.mulf %parallel_loop3A_862, %parallel_loop3A_867 : vector<16xf32>
          %parallel_loop3A_869 = arith.addf %parallel_loop3A_789, %parallel_loop3A_868 : vector<16xf32>
          %parallel_loop3A_870 = arith.constant 1 : i32
          %parallel_loop3A_871 = arith.index_cast %parallel_loop3A_870 : i32 to index
          %parallel_loop3A_872 = arith.index_cast %parallel_loop3A_749 : i32 to index
          %parallel_loop3A_873 = arith.index_cast %parallel_loop3A_857 : i32 to index
          %parallel_loop3A_874 = tpu.vector_load %arg17[%parallel_loop3A_871, %parallel_loop3A_872, %parallel_loop3A_873] {strides = array<i32>} : memref<2x16x512xf32, #tpu.memory_space<vmem>>, vector<16xf32>,
          %parallel_loop3A_875 = arith.constant 1 : i32
          %parallel_loop3A_876 = arith.index_cast %parallel_loop3A_875 : i32 to index
          %parallel_loop3A_877 = arith.index_cast %parallel_loop3A_749 : i32 to index
          %parallel_loop3A_878 = arith.index_cast %parallel_loop3A_857 : i32 to index
          %parallel_loop3A_879 = tpu.vector_load %arg19[%parallel_loop3A_876, %parallel_loop3A_877, %parallel_loop3A_878] {strides = array<i32>} : memref<2x16x512xf32, #tpu.memory_space<vmem>>, vector<16xf32>,
          %parallel_loop3A_880 = arith.mulf %parallel_loop3A_874, %parallel_loop3A_879 : vector<16xf32>
          %parallel_loop3A_881 = arith.addf %parallel_loop3A_801, %parallel_loop3A_880 : vector<16xf32>
          %parallel_loop3A_882 = arith.constant 1 : i32
          %parallel_loop3A_883 = arith.index_cast %parallel_loop3A_882 : i32 to index
          %parallel_loop3A_884 = arith.index_cast %parallel_loop3A_749 : i32 to index
          %parallel_loop3A_885 = arith.index_cast %parallel_loop3A_857 : i32 to index
          %parallel_loop3A_886 = tpu.vector_load %arg18[%parallel_loop3A_883, %parallel_loop3A_884, %parallel_loop3A_885] {strides = array<i32>} : memref<2x16x512xf32, #tpu.memory_space<vmem>>, vector<16xf32>,
          %parallel_loop3A_887 = arith.constant 1 : i32
          %parallel_loop3A_888 = arith.index_cast %parallel_loop3A_887 : i32 to index
          %parallel_loop3A_889 = arith.index_cast %parallel_loop3A_749 : i32 to index
          %parallel_loop3A_890 = arith.index_cast %parallel_loop3A_857 : i32 to index
          %parallel_loop3A_891 = tpu.vector_load %arg20[%parallel_loop3A_888, %parallel_loop3A_889, %parallel_loop3A_890] {strides = array<i32>} : memref<2x16x512xf32, #tpu.memory_space<vmem>>, vector<16xf32>,
          %parallel_loop3A_892 = arith.mulf %parallel_loop3A_886, %parallel_loop3A_891 : vector<16xf32>
          %parallel_loop3A_893 = arith.addf %parallel_loop3A_813, %parallel_loop3A_892 : vector<16xf32>
          %parallel_loop3A_894 = arith.constant 64 : i32
          %parallel_loop3A_895 = arith.muli %scan3A_767, %parallel_loop3A_894 : i32
          %parallel_loop3A_896 = arith.constant 48 : i32
          %parallel_loop3A_897 = arith.addi %parallel_loop3A_895, %parallel_loop3A_896 : i32
          %parallel_loop3A_898 = arith.constant 1 : i32
          %parallel_loop3A_899 = arith.index_cast %parallel_loop3A_898 : i32 to index
          %parallel_loop3A_900 = arith.index_cast %parallel_loop3A_749 : i32 to index
          %parallel_loop3A_901 = arith.index_cast %parallel_loop3A_897 : i32 to index
          %parallel_loop3A_902 = tpu.vector_load %arg15[%parallel_loop3A_899, %parallel_loop3A_900, %parallel_loop3A_901] {strides = array<i32>} : memref<2x16x512xf32, #tpu.memory_space<vmem>>, vector<16xf32>,
          %parallel_loop3A_903 = arith.constant 1 : i32
          %parallel_loop3A_904 = arith.index_cast %parallel_loop3A_903 : i32 to index
          %parallel_loop3A_905 = arith.index_cast %parallel_loop3A_749 : i32 to index
          %parallel_loop3A_906 = arith.index_cast %parallel_loop3A_897 : i32 to index
          %parallel_loop3A_907 = tpu.vector_load %arg16[%parallel_loop3A_904, %parallel_loop3A_905, %parallel_loop3A_906] {strides = array<i32>} : memref<2x16x512xf32, #tpu.memory_space<vmem>>, vector<16xf32>,
          %parallel_loop3A_908 = arith.mulf %parallel_loop3A_902, %parallel_loop3A_907 : vector<16xf32>
          %parallel_loop3A_909 = arith.addf %parallel_loop3A_829, %parallel_loop3A_908 : vector<16xf32>
          %parallel_loop3A_910 = arith.constant 1 : i32
          %parallel_loop3A_911 = arith.index_cast %parallel_loop3A_910 : i32 to index
          %parallel_loop3A_912 = arith.index_cast %parallel_loop3A_749 : i32 to index
          %parallel_loop3A_913 = arith.index_cast %parallel_loop3A_897 : i32 to index
          %parallel_loop3A_914 = tpu.vector_load %arg17[%parallel_loop3A_911, %parallel_loop3A_912, %parallel_loop3A_913] {strides = array<i32>} : memref<2x16x512xf32, #tpu.memory_space<vmem>>, vector<16xf32>,
          %parallel_loop3A_915 = arith.constant 1 : i32
          %parallel_loop3A_916 = arith.index_cast %parallel_loop3A_915 : i32 to index
          %parallel_loop3A_917 = arith.index_cast %parallel_loop3A_749 : i32 to index
          %parallel_loop3A_918 = arith.index_cast %parallel_loop3A_897 : i32 to index
          %parallel_loop3A_919 = tpu.vector_load %arg19[%parallel_loop3A_916, %parallel_loop3A_917, %parallel_loop3A_918] {strides = array<i32>} : memref<2x16x512xf32, #tpu.memory_space<vmem>>, vector<16xf32>,
          %parallel_loop3A_920 = arith.mulf %parallel_loop3A_914, %parallel_loop3A_919 : vector<16xf32>
          %parallel_loop3A_921 = arith.addf %parallel_loop3A_841, %parallel_loop3A_920 : vector<16xf32>
          %parallel_loop3A_922 = arith.constant 1 : i32
          %parallel_loop3A_923 = arith.index_cast %parallel_loop3A_922 : i32 to index
          %parallel_loop3A_924 = arith.index_cast %parallel_loop3A_749 : i32 to index
          %parallel_loop3A_925 = arith.index_cast %parallel_loop3A_897 : i32 to index
          %parallel_loop3A_926 = tpu.vector_load %arg18[%parallel_loop3A_923, %parallel_loop3A_924, %parallel_loop3A_925] {strides = array<i32>} : memref<2x16x512xf32, #tpu.memory_space<vmem>>, vector<16xf32>,
          %parallel_loop3A_927 = arith.constant 1 : i32
          %parallel_loop3A_928 = arith.index_cast %parallel_loop3A_927 : i32 to index
          %parallel_loop3A_929 = arith.index_cast %parallel_loop3A_749 : i32 to index
          %parallel_loop3A_930 = arith.index_cast %parallel_loop3A_897 : i32 to index
          %parallel_loop3A_931 = tpu.vector_load %arg20[%parallel_loop3A_928, %parallel_loop3A_929, %parallel_loop3A_930] {strides = array<i32>} : memref<2x16x512xf32, #tpu.memory_space<vmem>>, vector<16xf32>,
          %parallel_loop3A_932 = arith.mulf %parallel_loop3A_926, %parallel_loop3A_931 : vector<16xf32>
          %parallel_loop3A_933 = arith.addf %parallel_loop3A_853, %parallel_loop3A_932 : vector<16xf32>
          scf.yield %parallel_loop3A_869, %parallel_loop3A_909, %parallel_loop3A_881, %parallel_loop3A_921, %parallel_loop3A_893, %parallel_loop3A_933 : vector<16xf32>, vector<16xf32>, vector<16xf32>, vector<16xf32>, vector<16xf32>, vector<16xf32>
        }
        %parallel_loop3A_757 = arith.constant 8 : i32
        %parallel_loop3A_758 = arith.addf %parallel_loop3A_756#0, %parallel_loop3A_756#1 : vector<16xf32>
        %parallel_loop3A_759 = arith.addf %parallel_loop3A_756#2, %parallel_loop3A_756#3 : vector<16xf32>
        %parallel_loop3A_760 = arith.addf %parallel_loop3A_758, %parallel_loop3A_759 : vector<16xf32>
        %parallel_loop3A_761 = arith.addf %parallel_loop3A_756#4, %parallel_loop3A_756#5 : vector<16xf32>
        %parallel_loop3A_762 = arith.addf %parallel_loop3A_760, %parallel_loop3A_761 : vector<16xf32>
        %parallel_loop3A_763 = arith.constant 0 : i32
        %parallel_loop3A_764 = vector.broadcast %parallel_loop3A_763 : i32 to vector<16xi32>
        %parallel_loop3A_765 = vector.broadcast %parallel_loop3A_749 : i32 to vector<16xi32>
        %parallel_loop3A_766 = arith.addi %parallel_loop3A_764, %parallel_loop3A_765 : vector<16xi32>
        tpu.vector_store_idx %arg24[%iota3A, %parallel_loop3A_766], %parallel_loop3A_762 : memref<16x16xf32, #tpu.memory_space<vmem>>[vector<16xi32>, vector<16xi32>], vector<16xf32>,
      } {sc.loop_unroll_factor = 1 : i64, sc.parallel_access}
      %mul3A_651 = arith.constant 16 : i32
      %mul3A_652 = arith.muli %add3A_538, %mul3A_651 : i32
      %get3A_653 = arith.index_cast %mul3A_652 : i32 to index
      %get3A_654 = tpu.vector_load %arg21[%get3A_653] {strides = array<i32>} : memref<512xf32, #tpu.memory_space<vmem>>, vector<16xf32>,
      %get3A_655 = arith.index_cast %mul3A_652 : i32 to index
      %get3A_656 = tpu.vector_load %arg22[%get3A_655] {strides = array<i32>} : memref<512xf32, #tpu.memory_space<vmem>>, vector<16xf32>,
      %add3A_657 = arith.addf %get3A_654, %get3A_656 : vector<16xf32>
      %get3A_658 = arith.constant 0 : i32
      %get3A_659 = arith.index_cast %get3A_658 : i32 to index
      %get3A_660 = arith.constant 0 : index
      %get3A_661 = tpu.vector_load %arg24[%get3A_659, %get3A_660] {strides = array<i32>} : memref<16x16xf32, #tpu.memory_space<vmem>>, vector<16xf32>,
      %add3A_662 = arith.addf %add3A_657, %get3A_661 : vector<16xf32>
      %get3A_663 = arith.constant 1 : i32
      %get3A_664 = arith.index_cast %get3A_663 : i32 to index
      %get3A_665 = arith.constant 0 : index
      %get3A_666 = tpu.vector_load %arg24[%get3A_664, %get3A_665] {strides = array<i32>} : memref<16x16xf32, #tpu.memory_space<vmem>>, vector<16xf32>,
      %add3A_667 = arith.addf %add3A_662, %get3A_666 : vector<16xf32>
      %get3A_668 = arith.constant 2 : i32
      %get3A_669 = arith.index_cast %get3A_668 : i32 to index
      %get3A_670 = arith.constant 0 : index
      %get3A_671 = tpu.vector_load %arg24[%get3A_669, %get3A_670] {strides = array<i32>} : memref<16x16xf32, #tpu.memory_space<vmem>>, vector<16xf32>,
      %add3A_672 = arith.addf %add3A_667, %get3A_671 : vector<16xf32>
      %get3A_673 = arith.constant 3 : i32
      %get3A_674 = arith.index_cast %get3A_673 : i32 to index
      %get3A_675 = arith.constant 0 : index
      %get3A_676 = tpu.vector_load %arg24[%get3A_674, %get3A_675] {strides = array<i32>} : memref<16x16xf32, #tpu.memory_space<vmem>>, vector<16xf32>,
      %add3A_677 = arith.addf %add3A_672, %get3A_676 : vector<16xf32>
      %get3A_678 = arith.constant 4 : i32
      %get3A_679 = arith.index_cast %get3A_678 : i32 to index
      %get3A_680 = arith.constant 0 : index
      %get3A_681 = tpu.vector_load %arg24[%get3A_679, %get3A_680] {strides = array<i32>} : memref<16x16xf32, #tpu.memory_space<vmem>>, vector<16xf32>,
      %add3A_682 = arith.addf %add3A_677, %get3A_681 : vector<16xf32>
      %get3A_683 = arith.constant 5 : i32
      %get3A_684 = arith.index_cast %get3A_683 : i32 to index
      %get3A_685 = arith.constant 0 : index
      %get3A_686 = tpu.vector_load %arg24[%get3A_684, %get3A_685] {strides = array<i32>} : memref<16x16xf32, #tpu.memory_space<vmem>>, vector<16xf32>,
      %add3A_687 = arith.addf %add3A_682, %get3A_686 : vector<16xf32>
      %get3A_688 = arith.constant 6 : i32
      %get3A_689 = arith.index_cast %get3A_688 : i32 to index
      %get3A_690 = arith.constant 0 : index
      %get3A_691 = tpu.vector_load %arg24[%get3A_689, %get3A_690] {strides = array<i32>} : memref<16x16xf32, #tpu.memory_space<vmem>>, vector<16xf32>,
      %add3A_692 = arith.addf %add3A_687, %get3A_691 : vector<16xf32>
      %get3A_693 = arith.constant 7 : i32
      %get3A_694 = arith.index_cast %get3A_693 : i32 to index
      %get3A_695 = arith.constant 0 : index
      %get3A_696 = tpu.vector_load %arg24[%get3A_694, %get3A_695] {strides = array<i32>} : memref<16x16xf32, #tpu.memory_space<vmem>>, vector<16xf32>,
      %add3A_697 = arith.addf %add3A_692, %get3A_696 : vector<16xf32>
      %get3A_698 = arith.constant 8 : i32
      %get3A_699 = arith.index_cast %get3A_698 : i32 to index
      %get3A_700 = arith.constant 0 : index
      %get3A_701 = tpu.vector_load %arg24[%get3A_699, %get3A_700] {strides = array<i32>} : memref<16x16xf32, #tpu.memory_space<vmem>>, vector<16xf32>,
      %add3A_702 = arith.addf %add3A_697, %get3A_701 : vector<16xf32>
      %get3A_703 = arith.constant 9 : i32
      %get3A_704 = arith.index_cast %get3A_703 : i32 to index
      %get3A_705 = arith.constant 0 : index
      %get3A_706 = tpu.vector_load %arg24[%get3A_704, %get3A_705] {strides = array<i32>} : memref<16x16xf32, #tpu.memory_space<vmem>>, vector<16xf32>,
      %add3A_707 = arith.addf %add3A_702, %get3A_706 : vector<16xf32>
      %get3A_708 = arith.constant 10 : i32
      %get3A_709 = arith.index_cast %get3A_708 : i32 to index
      %get3A_710 = arith.constant 0 : index
      %get3A_711 = tpu.vector_load %arg24[%get3A_709, %get3A_710] {strides = array<i32>} : memref<16x16xf32, #tpu.memory_space<vmem>>, vector<16xf32>,
      %add3A_712 = arith.addf %add3A_707, %get3A_711 : vector<16xf32>
      %get3A_713 = arith.constant 11 : i32
      %get3A_714 = arith.index_cast %get3A_713 : i32 to index
      %get3A_715 = arith.constant 0 : index
      %get3A_716 = tpu.vector_load %arg24[%get3A_714, %get3A_715] {strides = array<i32>} : memref<16x16xf32, #tpu.memory_space<vmem>>, vector<16xf32>,
      %add3A_717 = arith.addf %add3A_712, %get3A_716 : vector<16xf32>
      %get3A_718 = arith.constant 12 : i32
      %get3A_719 = arith.index_cast %get3A_718 : i32 to index
      %get3A_720 = arith.constant 0 : index
      %get3A_721 = tpu.vector_load %arg24[%get3A_719, %get3A_720] {strides = array<i32>} : memref<16x16xf32, #tpu.memory_space<vmem>>, vector<16xf32>,
      %add3A_722 = arith.addf %add3A_717, %get3A_721 : vector<16xf32>
      %get3A_723 = arith.constant 13 : i32
      %get3A_724 = arith.index_cast %get3A_723 : i32 to index
      %get3A_725 = arith.constant 0 : index
      %get3A_726 = tpu.vector_load %arg24[%get3A_724, %get3A_725] {strides = array<i32>} : memref<16x16xf32, #tpu.memory_space<vmem>>, vector<16xf32>,
      %add3A_727 = arith.addf %add3A_722, %get3A_726 : vector<16xf32>
      %get3A_728 = arith.constant 14 : i32
      %get3A_729 = arith.index_cast %get3A_728 : i32 to index
      %get3A_730 = arith.constant 0 : index
      %get3A_731 = tpu.vector_load %arg24[%get3A_729, %get3A_730] {strides = array<i32>} : memref<16x16xf32, #tpu.memory_space<vmem>>, vector<16xf32>,
      %add3A_732 = arith.addf %add3A_727, %get3A_731 : vector<16xf32>
      %get3A_733 = arith.constant 15 : i32
      %get3A_734 = arith.index_cast %get3A_733 : i32 to index
      %get3A_735 = arith.constant 0 : index
      %get3A_736 = tpu.vector_load %arg24[%get3A_734, %get3A_735] {strides = array<i32>} : memref<16x16xf32, #tpu.memory_space<vmem>>, vector<16xf32>,
      %add3A_737 = arith.addf %add3A_732, %get3A_736 : vector<16xf32>
      %mul3A_738 = arith.constant 16 : i32
      %mul3A_739 = arith.muli %add3A_538, %mul3A_738 : i32
      %swap3A_740 = arith.index_cast %mul3A_739 : i32 to index
      %swap3A_741 = tpu.vector_load %arg23[%swap3A_740] {strides = array<i32>} : memref<512xf32, #tpu.memory_space<vmem>>, vector<16xf32>,
      tpu.vector_store %arg23[%swap3A_740], %add3A_737 {strides = array<i32>} : memref<512xf32, #tpu.memory_space<vmem>>, vector<16xf32>,
      %add3A_742 = arith.constant 2 : i32
      %add3A_743 = arith.addi %add3A_538, %add3A_742 : i32
      %lt3A_744 = arith.constant 32 : i32
      %lt3A_745 = arith.cmpi slt, %add3A_743, %lt3A_744 : i32
      %convert_element_type3A_746 = arith.extui %lt3A_745 : i1 to i32
      %cond3A_747 = arith.constant 0 : i32
      %cond3A_748 = arith.cmpi ne, %convert_element_type3A_746, %cond3A_747 : i32
      scf.if %cond3A_748 {
        %add3A_749 = arith.constant 2 : i32
        %add3A_750 = arith.addi %add3A_538, %add3A_749 : i32
        %mul3A_751 = arith.constant 16 : i32
        %mul3A_752 = arith.muli %add3A_750, %mul3A_751 : i32
        %add3A_753 = arith.constant 0 : i32
        %add3A_754 = arith.addi %mul3A_752, %add3A_753 : i32
        %mul3A_755 = arith.constant 16 : i32
        %mul3A_756 = arith.muli %add3A_750, %mul3A_755 : i32
        %add3A_757 = arith.constant 8 : i32
        %add3A_758 = arith.addi %mul3A_756, %add3A_757 : i32
        %mul3A_759 = arith.constant 16 : i32
        %mul3A_760 = arith.muli %add3A_750, %mul3A_759 : i32
        %add3A_761 = arith.addi %mul3A_2, %mul3A_760 : i32
        %dma_start3A_762 = arith.constant 1 : i32
        %dma_start3A_763 = arith.constant 0 : i32
        %dma_start3A_764 = arith.constant 0 : i32
        %dma_start3A_765 = tpu.memref_slice %arg15[%dma_start3A_762, %dma_start3A_763, %dma_start3A_764] : memref<2x16x512xf32, #tpu.memory_space<vmem>> -> memref<1x8x512xf32, #tpu.memory_space<vmem>>
        %dma_start3A_766 = tpu.memref_squeeze %dma_start3A_765 : memref<1x8x512xf32, #tpu.memory_space<vmem>> -> memref<8x512xf32, #tpu.memory_space<vmem>>
        %dma_start3A_767 = tpu.memref_slice %arg13[%add3A_754] : memref<512xi32, #tpu.memory_space<vmem>> -> memref<8xi32, #tpu.memory_space<vmem>>
        %dma_start3A_768 = arith.constant 0 : i32
        %dma_start3A_769 = arith.constant 0 : i32
        %dma_start3A_770 = tpu.memref_slice %arg6[%dma_start3A_768, %dma_start3A_769] : memref<100000x512xf32, #tpu.memory_space<hbm>> -> memref<100000x512xf32, #tpu.memory_space<hbm>>
        tpu.enqueue_indirect_dma source(%dma_start3A_770 : memref<100000x512xf32, #tpu.memory_space<hbm>>) target(%dma_start3A_766 : memref<8x512xf32, #tpu.memory_space<vmem>>) offsets(%dma_start3A_767 : memref<8xi32, #tpu.memory_space<vmem>>) semaphore(%arg26 : memref<!tpu.dma_semaphore, #tpu.memory_space<semaphore_mem>>)
        %dma_start3A_771 = arith.constant 1 : i32
        %dma_start3A_772 = arith.constant 0 : i32
        %dma_start3A_773 = arith.constant 0 : i32
        %dma_start3A_774 = tpu.memref_slice %arg16[%dma_start3A_771, %dma_start3A_772, %dma_start3A_773] : memref<2x16x512xf32, #tpu.memory_space<vmem>> -> memref<1x8x512xf32, #tpu.memory_space<vmem>>
        %dma_start3A_775 = tpu.memref_squeeze %dma_start3A_774 : memref<1x8x512xf32, #tpu.memory_space<vmem>> -> memref<8x512xf32, #tpu.memory_space<vmem>>
        %dma_start3A_776 = tpu.memref_slice %arg14[%add3A_754] : memref<512xi32, #tpu.memory_space<vmem>> -> memref<8xi32, #tpu.memory_space<vmem>>
        %dma_start3A_777 = arith.constant 0 : i32
        %dma_start3A_778 = arith.constant 0 : i32
        %dma_start3A_779 = tpu.memref_slice %arg7[%dma_start3A_777, %dma_start3A_778] : memref<100000x512xf32, #tpu.memory_space<hbm>> -> memref<100000x512xf32, #tpu.memory_space<hbm>>
        tpu.enqueue_indirect_dma source(%dma_start3A_779 : memref<100000x512xf32, #tpu.memory_space<hbm>>) target(%dma_start3A_775 : memref<8x512xf32, #tpu.memory_space<vmem>>) offsets(%dma_start3A_776 : memref<8xi32, #tpu.memory_space<vmem>>) semaphore(%arg26 : memref<!tpu.dma_semaphore, #tpu.memory_space<semaphore_mem>>)
        %dma_start3A_780 = arith.constant 1 : i32
        %dma_start3A_781 = arith.constant 0 : i32
        %dma_start3A_782 = arith.constant 0 : i32
        %dma_start3A_783 = tpu.memref_slice %arg17[%dma_start3A_780, %dma_start3A_781, %dma_start3A_782] : memref<2x16x512xf32, #tpu.memory_space<vmem>> -> memref<1x8x512xf32, #tpu.memory_space<vmem>>
        %dma_start3A_784 = tpu.memref_squeeze %dma_start3A_783 : memref<1x8x512xf32, #tpu.memory_space<vmem>> -> memref<8x512xf32, #tpu.memory_space<vmem>>
        %dma_start3A_785 = tpu.memref_slice %arg13[%add3A_754] : memref<512xi32, #tpu.memory_space<vmem>> -> memref<8xi32, #tpu.memory_space<vmem>>
        %dma_start3A_786 = arith.constant 0 : i32
        %dma_start3A_787 = arith.constant 0 : i32
        %dma_start3A_788 = tpu.memref_slice %arg10[%dma_start3A_786, %dma_start3A_787] : memref<100000x512xf32, #tpu.memory_space<hbm>> -> memref<100000x512xf32, #tpu.memory_space<hbm>>
        tpu.enqueue_indirect_dma source(%dma_start3A_788 : memref<100000x512xf32, #tpu.memory_space<hbm>>) target(%dma_start3A_784 : memref<8x512xf32, #tpu.memory_space<vmem>>) offsets(%dma_start3A_785 : memref<8xi32, #tpu.memory_space<vmem>>) semaphore(%arg26 : memref<!tpu.dma_semaphore, #tpu.memory_space<semaphore_mem>>)
        %dma_start3A_789 = arith.constant 1 : i32
        %dma_start3A_790 = arith.constant 0 : i32
        %dma_start3A_791 = arith.constant 0 : i32
        %dma_start3A_792 = tpu.memref_slice %arg18[%dma_start3A_789, %dma_start3A_790, %dma_start3A_791] : memref<2x16x512xf32, #tpu.memory_space<vmem>> -> memref<1x8x512xf32, #tpu.memory_space<vmem>>
        %dma_start3A_793 = tpu.memref_squeeze %dma_start3A_792 : memref<1x8x512xf32, #tpu.memory_space<vmem>> -> memref<8x512xf32, #tpu.memory_space<vmem>>
        %dma_start3A_794 = tpu.memref_slice %arg13[%add3A_754] : memref<512xi32, #tpu.memory_space<vmem>> -> memref<8xi32, #tpu.memory_space<vmem>>
        %dma_start3A_795 = arith.constant 0 : i32
        %dma_start3A_796 = arith.constant 0 : i32
        %dma_start3A_797 = tpu.memref_slice %arg11[%dma_start3A_795, %dma_start3A_796] : memref<100000x512xf32, #tpu.memory_space<hbm>> -> memref<100000x512xf32, #tpu.memory_space<hbm>>
        tpu.enqueue_indirect_dma source(%dma_start3A_797 : memref<100000x512xf32, #tpu.memory_space<hbm>>) target(%dma_start3A_793 : memref<8x512xf32, #tpu.memory_space<vmem>>) offsets(%dma_start3A_794 : memref<8xi32, #tpu.memory_space<vmem>>) semaphore(%arg26 : memref<!tpu.dma_semaphore, #tpu.memory_space<semaphore_mem>>)
        %dma_start3A_798 = arith.constant 1 : i32
        %dma_start3A_799 = arith.constant 8 : i32
        %dma_start3A_800 = arith.constant 0 : i32
        %dma_start3A_801 = tpu.memref_slice %arg15[%dma_start3A_798, %dma_start3A_799, %dma_start3A_800] : memref<2x16x512xf32, #tpu.memory_space<vmem>> -> memref<1x8x512xf32, #tpu.memory_space<vmem>>
        %dma_start3A_802 = tpu.memref_squeeze %dma_start3A_801 : memref<1x8x512xf32, #tpu.memory_space<vmem>> -> memref<8x512xf32, #tpu.memory_space<vmem>>
        %dma_start3A_803 = tpu.memref_slice %arg13[%add3A_758] : memref<512xi32, #tpu.memory_space<vmem>> -> memref<8xi32, #tpu.memory_space<vmem>>
        %dma_start3A_804 = arith.constant 0 : i32
        %dma_start3A_805 = arith.constant 0 : i32
        %dma_start3A_806 = tpu.memref_slice %arg6[%dma_start3A_804, %dma_start3A_805] : memref<100000x512xf32, #tpu.memory_space<hbm>> -> memref<100000x512xf32, #tpu.memory_space<hbm>>
        tpu.enqueue_indirect_dma source(%dma_start3A_806 : memref<100000x512xf32, #tpu.memory_space<hbm>>) target(%dma_start3A_802 : memref<8x512xf32, #tpu.memory_space<vmem>>) offsets(%dma_start3A_803 : memref<8xi32, #tpu.memory_space<vmem>>) semaphore(%arg26 : memref<!tpu.dma_semaphore, #tpu.memory_space<semaphore_mem>>)
        %dma_start3A_807 = arith.constant 1 : i32
        %dma_start3A_808 = arith.constant 8 : i32
        %dma_start3A_809 = arith.constant 0 : i32
        %dma_start3A_810 = tpu.memref_slice %arg16[%dma_start3A_807, %dma_start3A_808, %dma_start3A_809] : memref<2x16x512xf32, #tpu.memory_space<vmem>> -> memref<1x8x512xf32, #tpu.memory_space<vmem>>
        %dma_start3A_811 = tpu.memref_squeeze %dma_start3A_810 : memref<1x8x512xf32, #tpu.memory_space<vmem>> -> memref<8x512xf32, #tpu.memory_space<vmem>>
        %dma_start3A_812 = tpu.memref_slice %arg14[%add3A_758] : memref<512xi32, #tpu.memory_space<vmem>> -> memref<8xi32, #tpu.memory_space<vmem>>
        %dma_start3A_813 = arith.constant 0 : i32
        %dma_start3A_814 = arith.constant 0 : i32
        %dma_start3A_815 = tpu.memref_slice %arg7[%dma_start3A_813, %dma_start3A_814] : memref<100000x512xf32, #tpu.memory_space<hbm>> -> memref<100000x512xf32, #tpu.memory_space<hbm>>
        tpu.enqueue_indirect_dma source(%dma_start3A_815 : memref<100000x512xf32, #tpu.memory_space<hbm>>) target(%dma_start3A_811 : memref<8x512xf32, #tpu.memory_space<vmem>>) offsets(%dma_start3A_812 : memref<8xi32, #tpu.memory_space<vmem>>) semaphore(%arg26 : memref<!tpu.dma_semaphore, #tpu.memory_space<semaphore_mem>>)
        %dma_start3A_816 = arith.constant 1 : i32
        %dma_start3A_817 = arith.constant 8 : i32
        %dma_start3A_818 = arith.constant 0 : i32
        %dma_start3A_819 = tpu.memref_slice %arg17[%dma_start3A_816, %dma_start3A_817, %dma_start3A_818] : memref<2x16x512xf32, #tpu.memory_space<vmem>> -> memref<1x8x512xf32, #tpu.memory_space<vmem>>
        %dma_start3A_820 = tpu.memref_squeeze %dma_start3A_819 : memref<1x8x512xf32, #tpu.memory_space<vmem>> -> memref<8x512xf32, #tpu.memory_space<vmem>>
        %dma_start3A_821 = tpu.memref_slice %arg13[%add3A_758] : memref<512xi32, #tpu.memory_space<vmem>> -> memref<8xi32, #tpu.memory_space<vmem>>
        %dma_start3A_822 = arith.constant 0 : i32
        %dma_start3A_823 = arith.constant 0 : i32
        %dma_start3A_824 = tpu.memref_slice %arg10[%dma_start3A_822, %dma_start3A_823] : memref<100000x512xf32, #tpu.memory_space<hbm>> -> memref<100000x512xf32, #tpu.memory_space<hbm>>
        tpu.enqueue_indirect_dma source(%dma_start3A_824 : memref<100000x512xf32, #tpu.memory_space<hbm>>) target(%dma_start3A_820 : memref<8x512xf32, #tpu.memory_space<vmem>>) offsets(%dma_start3A_821 : memref<8xi32, #tpu.memory_space<vmem>>) semaphore(%arg26 : memref<!tpu.dma_semaphore, #tpu.memory_space<semaphore_mem>>)
        %dma_start3A_825 = arith.constant 1 : i32
        %dma_start3A_826 = arith.constant 8 : i32
        %dma_start3A_827 = arith.constant 0 : i32
        %dma_start3A_828 = tpu.memref_slice %arg18[%dma_start3A_825, %dma_start3A_826, %dma_start3A_827] : memref<2x16x512xf32, #tpu.memory_space<vmem>> -> memref<1x8x512xf32, #tpu.memory_space<vmem>>
        %dma_start3A_829 = tpu.memref_squeeze %dma_start3A_828 : memref<1x8x512xf32, #tpu.memory_space<vmem>> -> memref<8x512xf32, #tpu.memory_space<vmem>>
        %dma_start3A_830 = tpu.memref_slice %arg13[%add3A_758] : memref<512xi32, #tpu.memory_space<vmem>> -> memref<8xi32, #tpu.memory_space<vmem>>
        %dma_start3A_831 = arith.constant 0 : i32
        %dma_start3A_832 = arith.constant 0 : i32
        %dma_start3A_833 = tpu.memref_slice %arg11[%dma_start3A_831, %dma_start3A_832] : memref<100000x512xf32, #tpu.memory_space<hbm>> -> memref<100000x512xf32, #tpu.memory_space<hbm>>
        tpu.enqueue_indirect_dma source(%dma_start3A_833 : memref<100000x512xf32, #tpu.memory_space<hbm>>) target(%dma_start3A_829 : memref<8x512xf32, #tpu.memory_space<vmem>>) offsets(%dma_start3A_830 : memref<8xi32, #tpu.memory_space<vmem>>) semaphore(%arg26 : memref<!tpu.dma_semaphore, #tpu.memory_space<semaphore_mem>>)
        %dma_start3A_834 = arith.constant 1 : i32
        %dma_start3A_835 = arith.constant 0 : i32
        %dma_start3A_836 = arith.constant 0 : i32
        %dma_start3A_837 = tpu.memref_slice %arg19[%dma_start3A_834, %dma_start3A_835, %dma_start3A_836] : memref<2x16x512xf32, #tpu.memory_space<vmem>> -> memref<1x16x512xf32, #tpu.memory_space<vmem>>
        %dma_start3A_838 = tpu.memref_squeeze %dma_start3A_837 : memref<1x16x512xf32, #tpu.memory_space<vmem>> -> memref<16x512xf32, #tpu.memory_space<vmem>>
        %dma_start3A_839 = arith.constant 0 : i32
        %dma_start3A_840 = tpu.memref_slice %arg4[%add3A_761, %dma_start3A_839] : memref<16384x512xf32, #tpu.memory_space<hbm>> -> memref<16x512xf32, #tpu.memory_space<hbm>>
        %dma_start3A_841 = arith.constant 0 : i32
        %dma_start3A_842 = arith.constant 0 : i32
        %dma_start3A_843 = tpu.memref_slice %arg19[%dma_start3A_834, %dma_start3A_841, %dma_start3A_842] : memref<2x16x512xf32, #tpu.memory_space<vmem>> -> memref<1x16x512xf32, #tpu.memory_space<vmem>>
        %dma_start3A_844 = tpu.memref_squeeze %dma_start3A_843 : memref<1x16x512xf32, #tpu.memory_space<vmem>> -> memref<16x512xf32, #tpu.memory_space<vmem>>
        %dma_start3A_845 = arith.constant 0 : i32
        %dma_start3A_846 = tpu.memref_slice %arg4[%add3A_761, %dma_start3A_845] : memref<16384x512xf32, #tpu.memory_space<hbm>> -> memref<16x512xf32, #tpu.memory_space<hbm>>
        tpu.enqueue_dma source(%dma_start3A_846 : memref<16x512xf32, #tpu.memory_space<hbm>>) target(%dma_start3A_844 : memref<16x512xf32, #tpu.memory_space<vmem>>) target_semaphore(%arg26 : memref<!tpu.dma_semaphore, #tpu.memory_space<semaphore_mem>>)
        %dma_start3A_847 = arith.constant 1 : i32
        %dma_start3A_848 = arith.constant 0 : i32
        %dma_start3A_849 = arith.constant 0 : i32
        %dma_start3A_850 = tpu.memref_slice %arg20[%dma_start3A_847, %dma_start3A_848, %dma_start3A_849] : memref<2x16x512xf32, #tpu.memory_space<vmem>> -> memref<1x16x512xf32, #tpu.memory_space<vmem>>
        %dma_start3A_851 = tpu.memref_squeeze %dma_start3A_850 : memref<1x16x512xf32, #tpu.memory_space<vmem>> -> memref<16x512xf32, #tpu.memory_space<vmem>>
        %dma_start3A_852 = arith.constant 0 : i32
        %dma_start3A_853 = tpu.memref_slice %arg5[%add3A_761, %dma_start3A_852] : memref<16384x512xf32, #tpu.memory_space<hbm>> -> memref<16x512xf32, #tpu.memory_space<hbm>>
        %dma_start3A_854 = arith.constant 0 : i32
        %dma_start3A_855 = arith.constant 0 : i32
        %dma_start3A_856 = tpu.memref_slice %arg20[%dma_start3A_847, %dma_start3A_854, %dma_start3A_855] : memref<2x16x512xf32, #tpu.memory_space<vmem>> -> memref<1x16x512xf32, #tpu.memory_space<vmem>>
        %dma_start3A_857 = tpu.memref_squeeze %dma_start3A_856 : memref<1x16x512xf32, #tpu.memory_space<vmem>> -> memref<16x512xf32, #tpu.memory_space<vmem>>
        %dma_start3A_858 = arith.constant 0 : i32
        %dma_start3A_859 = tpu.memref_slice %arg5[%add3A_761, %dma_start3A_858] : memref<16384x512xf32, #tpu.memory_space<hbm>> -> memref<16x512xf32, #tpu.memory_space<hbm>>
        tpu.enqueue_dma source(%dma_start3A_859 : memref<16x512xf32, #tpu.memory_space<hbm>>) target(%dma_start3A_857 : memref<16x512xf32, #tpu.memory_space<vmem>>) target_semaphore(%arg26 : memref<!tpu.dma_semaphore, #tpu.memory_space<semaphore_mem>>)
      } else {
      }
    }
    %scan3A_325 = arith.constant 16 : i32
    "tpu.region"() ({
      %run_scoped3A = tpu.sem_alloc : memref<!tpu.dma_semaphore, #tpu.memory_space<semaphore_mem>>
      %dma_start3A_326 = tpu.memref_slice %arg12[%mul3A_2] : memref<16384xf32, #tpu.memory_space<hbm>> -> memref<512xf32, #tpu.memory_space<hbm>>
      %dma_start3A_327 = tpu.memref_slice %arg12[%mul3A_2] : memref<16384xf32, #tpu.memory_space<hbm>> -> memref<512xf32, #tpu.memory_space<hbm>>
      tpu.enqueue_dma source(%arg23 : memref<512xf32, #tpu.memory_space<vmem>>) target(%dma_start3A_327 : memref<512xf32, #tpu.memory_space<hbm>>) target_semaphore(%run_scoped3A : memref<!tpu.dma_semaphore, #tpu.memory_space<semaphore_mem>>)
      %dma_wait3A_328 = tpu.memref_slice %arg12[%mul3A_2] : memref<16384xf32, #tpu.memory_space<hbm>> -> memref<512xf32, #tpu.memory_space<hbm>>
      %dma_wait3A_329 = tpu.memref_slice %arg12[%mul3A_2] : memref<16384xf32, #tpu.memory_space<hbm>> -> memref<512xf32, #tpu.memory_space<hbm>>
      tpu.wait_dma2 semaphore(%run_scoped3A : memref<!tpu.dma_semaphore, #tpu.memory_space<semaphore_mem>>) src(%arg23 : memref<512xf32, #tpu.memory_space<vmem>>) dst(%dma_wait3A_329 : memref<512xf32, #tpu.memory_space<hbm>>)
      tpu.yield
    }) : () -> ()
    return
  }
}

</mosaic_0001>

<sc_bundles>
// kernel: kernel.3.cloned.1.call-start
scs
__scs_entry_jumppad:
0x0: {  	(pc) =	sbr.rel $0x88, $3  }
0x1: {  	(tag) =	ssettag $0x0;
	lr =	simm.s32 $0x1  }
0x2: {  	[smem:$0x3F97] =	sst lr;
	_ =	strace $0xD0000000  }
0x3: {  	_ = 	snop  }
0x4: {  	_ = 	snop  }
0x5: {  	_ = 	snop  }
0x6: {  	_ = 	snop  }
0x7: {  	_ = 	snop  }
__scs_overlays_trampoline_lowered:
0x8: {  	[smem:$0x3FA6] =	sst s0  }
0x9: {  	[smem:$0x3FA7] =	sst s1  }
0xa: {  	[smem:$0x3FA8] =	sst s2  }
0xb: {  	[smem:$0x3FA9] =	sst s3  }
0xc: {  	[smem:$0x3FAA] =	sst s4  }
0xd: {  	[smem:$0x3FAB] =	sst s5  }
0xe: {  	[smem:$0x3FAC] =	sst s6  }
0xf: {  	[smem:$0x3FAD] =	sst s7  }
0x10: {  	[smem:$0x3FAE] =	sst s8  }
0x11: {  	[smem:$0x3FAF] =	sst s9;
	s0 =	simm.s32 @!p0 $0x0  }
0x12: {  	s1 =	sld [smem:$0x3F95];
	s0 =	simm.s32 @p0 $0x1  }
0x13: {  	[smem:$0x3FB0] =	sst s0;
	s0 =	simm.s32 @!p1 $0x0  }
0x14: {  	s2 =	sld [smem:$0x3F94];
	s0 =	simm.s32 @p1 $0x1  }
0x15: {  	[smem:$0x3FB1] =	sst s0;
	s0 =	simm.s32 @!p2 $0x0  }
0x16: {  	s3 =	sld [smem:$0x3FDB];
	s0 =	simm.s32 @p2 $0x1  }
0x17: {  	s4 =	simm.s32 $0x1BF5;
	[smem:$0x3FB3] =	sst s0  }
0x18: {  	s0 =	sld [smem:$0x3F96];
	_ =	swait.ge [sflag:s4], $0x0  }
0x19: {  	s7 =	sld [smem:$0x3F97]  }
0x1a: {  	s8 =	sadd.s32 $0xFFFFE003, lr  }
0x1b: {  	s9 =	sadd.s32 $0xFFFFFEF7, lr;
	s5 =	simm.s32 $0xFFFFFFFF;
	p2 =	slt.u32 s8, $0xFFFFF086  }
0x1c: {  	p1 =	slt.u32 s9, $0xF7A;
	s5 =	simm.s32 @!p2 $0x0  }
0x1d: {  	s5 =	simm.s32 @p1 $0x1;
	p0 =	seq.s32 s7, s2  }
0x1e: {  	s7 =	smul.u32 @!p0 $0xF7A, s2;
	p2 =	seq.s32 @!p0 s5, $0x0  }
0x1f: {  	s9 =	smul.u32 $0xF7A, s1;
	s8 =	simm.s32 @!p0 $0x1BF5;
	p2 =	por !p2, p0  }
0x20: {  	[sflag:s8] =	ssyncset.s32 @!p0 $0xFFFFF086;
	s6 =	sadd.s32 @!p0 s3, s7;
	s7 =	simm.s32 @!p0 $0x108  }
0x21: {  	s3 =	sadd.s32 s3, s9;
	s6 =	sadd.s32 @!p0 $0x88, s6;
	s7 =	simm.s32 @p2 $0x1082  }
0x22: {  	[simem:s7], [sflag:s8] =	dma.local @!p0 [hbm:s6], $0xF7A  }
0x23: {  	s9 =	sor.u32 $0xD0000000, s2;
	s6 =	simm.s32 $0x108;
	_ =	swait.ge @!p0 [sflag:s8], $0x0  }
0x24: {  	s3 =	sadd.s32 $0x88, s3;
	s6 =	simm.s32 @!p1 $0x1082;
	[sflag:s4] =	ssyncset.s32 $0xFFFFF086  }
0x25: {  	[simem:s6], [sflag:s4] =	dma.local [hbm:s3], $0xF7A  }
0x26: {  	[smem:$0x3F97] =	sst s1;
	(tag) =	ssettag s2;
	_ =	strace s9  }
0x27: {  	s1 =	sld [smem:$0x3FA7]  }
0x28: {  	s2 =	sld [smem:$0x3FA8]  }
0x29: {  	s4 =	sld [smem:$0x3FAA]  }
0x2a: {  	p0 =	seq.s32 s5, $0x0;
	s5 =	sld [smem:$0x3FAB]  }
0x2b: {  	s6 =	sld [smem:$0x3FAC]  }
0x2c: {  	s7 =	sld [smem:$0x3FAD]  }
0x2d: {  	s3 =	simm.s32 $0x108;
	s8 =	sld [smem:$0x3FAE]  }
0x2e: {  	s3 =	simm.s32 @!p0 $0x1082;
	s9 =	sld [smem:$0x3FAF]  }
0x2f: {  	lr =	sadd.s32 s0, s3;
	s0 =	sld [smem:$0x3FA6]  }
0x30: {  	s3 =	sld [smem:$0x3FA9]  }
0x31: {  	[smem:$0x3FB2] =	sst s10  }
0x32: {  	s10 =	sld [smem:$0x3FB0];
	_ =	sdelay $0x3  }
0x33: {  	p0 =	seq.s32 s10, $0x1;
	s10 =	sld [smem:$0x3FB2];
	_ =	sdelay $0x3  }
0x34: {  	[smem:$0x3FB2] =	sst s10  }
0x35: {  	s10 =	sld [smem:$0x3FB1];
	_ =	sdelay $0x3  }
0x36: {  	p1 =	seq.s32 s10, $0x1;
	s10 =	sld [smem:$0x3FB2];
	_ =	sdelay $0x3  }
0x37: {  	[smem:$0x3FB2] =	sst s10  }
0x38: {  	s10 =	sld [smem:$0x3FB3]  }
0x39: {  	_ = 	snop;
	(pc) =	sbr.ind lr, $3  }
0x3a: {  	_ = 	snop  }
0x3b: {  	_ = 	snop  }
0x3c: {  	p2 =	seq.s32 s10, $0x1;
	s10 =	sld [smem:$0x3FB2]  }
0x3d: {  	_ =	shalt  }
0x3e: {  	_ =	shalt  }
0x3f: {  	_ =	shalt  }
0x40: {  	_ =	shalt  }
0x41: {  	_ =	shalt  }
0x42: {  	_ =	shalt  }
0x43: {  	_ =	shalt  }
0x44: {  	_ =	shalt  }
0x45: {  	_ =	shalt  }
0x46: {  	_ =	shalt  }
0x47: {  	_ =	shalt  }
0x48: {  	_ =	shalt  }
0x49: {  	_ =	shalt  }
0x4a: {  	_ =	shalt  }
0x4b: {  	_ =	shalt  }
0x4c: {  	_ =	shalt  }
0x4d: {  	_ =	shalt  }
0x4e: {  	_ =	shalt  }
0x4f: {  	_ =	shalt  }
0x50: {  	_ =	shalt  }
0x51: {  	_ =	shalt  }
0x52: {  	_ =	shalt  }
0x53: {  	_ =	shalt  }
0x54: {  	_ =	shalt  }
0x55: {  	_ =	shalt  }
0x56: {  	_ =	shalt  }
0x57: {  	_ =	shalt  }
0x58: {  	_ =	shalt  }
0x59: {  	_ =	shalt  }
0x5a: {  	_ =	shalt  }
0x5b: {  	_ =	shalt  }
0x5c: {  	_ =	shalt  }
0x5d: {  	_ =	shalt  }
0x5e: {  	_ =	shalt  }
0x5f: {  	_ =	shalt  }
0x60: {  	_ =	shalt  }
0x61: {  	_ =	shalt  }
0x62: {  	_ =	shalt  }
0x63: {  	_ =	shalt  }
0x64: {  	_ =	shalt  }
0x65: {  	_ =	shalt  }
0x66: {  	_ =	shalt  }
0x67: {  	_ =	shalt  }
0x68: {  	_ =	shalt  }
0x69: {  	_ =	shalt  }
0x6a: {  	_ =	shalt  }
0x6b: {  	_ =	shalt  }
0x6c: {  	_ =	shalt  }
0x6d: {  	_ =	shalt  }
0x6e: {  	_ =	shalt  }
0x6f: {  	_ =	shalt  }
0x70: {  	_ =	shalt  }
0x71: {  	_ =	shalt  }
0x72: {  	_ =	shalt  }
0x73: {  	_ =	shalt  }
0x74: {  	_ =	shalt  }
0x75: {  	_ =	shalt  }
0x76: {  	_ =	shalt  }
0x77: {  	_ =	shalt  }
0x78: {  	_ =	shalt  }
0x79: {  	_ =	shalt  }
0x7a: {  	_ =	shalt  }
0x7b: {  	_ =	shalt  }
0x7c: {  	_ =	shalt  }
0x7d: {  	_ =	shalt  }
0x7e: {  	_ =	shalt  }
0x7f: {  	_ =	shalt  }
0x80: {  	_ =	shalt  }
0x81: {  	_ =	shalt  }
0x82: {  	_ =	shalt  }
0x83: {  	_ =	shalt  }
0x84: {  	_ =	shalt  }
0x85: {  	_ =	shalt  }
0x86: {  	_ =	shalt  }
0x87: {  	_ =	shalt  }
.Lfunc_end0:
.L_simem_size_0:
called_computation_lowered:
.L_overlay_start_0:
0x88: {  	s2 =	sld [smem:$0x3FD9]  }
0x89: {  	s3 =	sld [smem:$0x3FFE];
	_ =	sdelay $0x1  }
0x8a: {  	s1 =	srdreg.scid  }
0x8b: {  	s0 =	sand.u32 $0x1, s1  }
0x8c: {  	s17 =	sshll.u32 s0, $0xA;
	s2 =	sadd.s32 s3, s2  }
0x8d: {  	s2 =	sadd.s32 s2, s17  }
0x8e: {  	[smem:$0x3FBE] =	sst s2  }
0x8f: {  	_ = 	snop  }
0x90: {  	s2 =	sld [smem:$0x3FC9]  }
0x91: {  	s18 =	sld [smem:$0x3FC8]  }
0x92: {  	s4 =	sld [smem:$0x3FC7]  }
0x93: {  	s5 =	sld [smem:$0x3FC6]  }
0x94: {  	s6 =	sld [smem:$0x3FC5]  }
0x95: {  	s7 =	sld [smem:$0x3FC4]  }
0x96: {  	s8 =	sld [smem:$0x3FC1]  }
0x97: {  	s9 =	sld [smem:$0x3FC0]  }
0x98: {  	s10 =	sld [smem:$0x3FD0];
	(tm) =	ssettm $0x1  }
0x99: {  	s11 =	sld [smem:$0x3FFB];
	_ =	sdelay $0x3  }
0x9a: {  	_ =	strace s11  }
0x9b: {  	s11 =	sld [smem:$0x3FFC];
	_ =	sdelay $0x3  }
0x9c: {  	_ =	strace s11  }
0x9d: {  	s11 =	sld [smem:$0x3FFD];
	_ =	sdelay $0x3  }
0x9e: {  	_ =	strace s11  }
0x9f: {  	_ =	strace $0x8FFFFFFF  }
0xa0: {  	s19 =	sld [smem:$0x3FDB];
	_ =	sdelay $0x1  }
0xa1: {  	s12 =	simm.s32 $_scs_section_size  }
0xa2: {  	s13 =	simm.s32 $_size__tile_overlayer_lowered;
	s14 =	simm.s32 $_tile_overlayer_lowered  }
0xa3: {  	s22 =	simm.s32 $0x1BFF;
	s21 =	sshll.u32 s14, $0x1;
	s11 =	sadd.s32 s12, s19  }
0xa4: {  	s15 =	simm.s32 $0x0;
	s20 =	sshll.u32 s13, $0x1;
	s13 =	sadd.s32 s21, s11  }
0xa5: {  	[timem:s15], [sflag:s22] =	dma.local [hbm:s13], s20  }
0xa6: {  	_ =	swait.ge [sflag:s22], s20  }
0xa7: {  	s12 =	ssub.s32 $0x0, s20;
	[sflag:s22] =	ssyncset.done $0x0  }
0xa8: {  	[sflag:s22] =	ssyncadd.s32 s12;
	_ =	sdelay $0x1  }
0xa9: {  	s23 =	simm.s32 $0x1B8B  }
0xaa: {  	_ =	swait.ge [sflag:s23], $0x1  }
0xab: {  	[sflag:s23] =	ssyncset.done $0x0  }
0xac: {  	s25 =	simm.s32 $0x1B8E;
	s24 =	sld [smem:$0x3FFE];
	[sflag:s23] =	ssyncadd.s32 $0xFFFFFFFF  }
0xad: {  	s26 =	simm.s32 $execute0_lowered;
	[smem:$0x3FD2] =	sst s25  }
0xae: {  	s13 =	sshll.u32 s26, $0x1;
	_ =	strace $0x80000046;
	[dreg:$0x1] =	wrdreg $0xFFFFFFFF  }
0xaf: {  	s28 =	simm.s32 $_size_execute0_lowered;
	s11 =	sadd.s32 s11, s13;
	[dreg:$0x0] =	wrdreg $0x0  }
0xb0: {  	s13 =	sshll.u32 s28, $0x1;
	[dreg:$0x2] =	wrdreg s11  }
0xb1: {  	[dreg:$0x3] =	wrdreg s13  }
0xb2: {  	[dreg:$0x4] =	wrdreg $0xC0  }
0xb3: {  	_ =	task [dreg:s15], $0x5FFFF  }
0xb4: {  	[dreg:$0x1] =	wrdreg $0xFFFFFFFF  }
0xb5: {  	[dreg:$0x0] =	wrdreg $0x60  }
0xb6: {  	[dreg:$0x2] =	wrdreg s2  }
0xb7: {  	[dreg:$0x3] =	wrdreg s18  }
0xb8: {  	[dreg:$0x4] =	wrdreg s4  }
0xb9: {  	[dreg:$0x5] =	wrdreg s5  }
0xba: {  	[dreg:$0x6] =	wrdreg s6  }
0xbb: {  	[dreg:$0x7] =	wrdreg s7  }
0xbc: {  	[dreg:$0x8] =	wrdreg s24  }
0xbd: {  	[dreg:$0x9] =	wrdreg s8  }
0xbe: {  	[dreg:$0xa] =	wrdreg s9  }
0xbf: {  	[dreg:$0xb] =	wrdreg s10  }
0xc0: {  	[dreg:$0xc] =	wrdreg $0x9  }
0xc1: {  	_ =	task.clear_ibuf [dreg:s15], $0xDFFFF;
	_ =	strace $0x90000046  }
0xc2: {  	s29 =	simm.s32 $0x9;
	_ =	strace $0x80000048  }
0xc3: {  	_ =	swait.ge [sflag:s29], $0x1  }
0xc4: {  	[sflag:s29] =	ssyncadd.s32 $0xFFFFFFFF  }
0xc5: {  	_ =	strace $0x90000048  }
0xc6: {  	_ =	sfence  }
0xc7: {  	s30 =	sld [smem:$0x0];
	_ =	sdelay $0x2  }
0xc8: {  	s31 =	sshll.u32 s1, $0xD;
	s1 =	sshrl.u32 s1, $0x2  }
0xc9: {  	s3 =	sand.u32 $0x4000, s31;
	s1 =	sadd.s32 s1, s30  }
0xca: {  	s0 =	sor.u32 s3, s0;
	s1 =	sshll.u32 s1, $0x11  }
0xcb: {  	s0 =	sor.u32 s1, s0  }
0xcc: {  	s0 =	sadd.s32 $0x8F2B, s0  }
0xcd: {  	[sflag:s0] =	ssyncadd.remote.s32 $0x1  }
0xce: {  	_ =	sfence.sel $0xFFFF  }
0xcf: {  	[dreg:$0x0] =	wrdreg $0xFFFFFFFF;
	(pc) =	sbr.abs _section_cstart, $3  }
0xd0: {  	[dreg:$0x1] =	wrdreg $0xFFFFFFFF  }
0xd1: {  	_ =	task.clear_ibuf [dreg:s15], $0x2FFFF;
	_ =	strace $0x9FFFFFFF  }
0xd2: {  	(tm) =	ssettm $0x7FFFFFFF  }
0xd3: {  	_ =	shalt  }
tec
execute0_lowered:
.L_overlay_start_1:
0x0: {  	(tag) =	ssettag $0x1  }
0x1: {  	s2 =	rddreg [dreg:$0x0]  }
0x2: {  	s5 =	rddreg [dreg:$0x1]  }
0x3: {  	s0 =	rddreg [dreg:$0x2]  }
0x4: {  	s1 =	rddreg [dreg:$0x3]  }
0x5: {  	s3 =	rddreg [dreg:$0x4]  }
0x6: {  	s4 =	rddreg [dreg:$0x5]  }
0x7: {  	s14 =	rddreg [dreg:$0x6]  }
0x8: {  	s6 =	rddreg [dreg:$0x7]  }
0x9: {  	s7 =	rddreg [dreg:$0x8]  }
0xa: {  	s8 =	rddreg [dreg:$0x9]  }
0xb: {  	s10 =	srdreg.scid;
	s9 =	simm.s32 $0x0;
	s11 =	stileid.u32  }
0xc: {  	s28 =	simm.s32 $0xFC00;
	s29 =	simm.s32 $0x18A00;
	s18 =	simm.s32 $0x0  }
0xd: {  	s10 =	sand.u32 $0x1, s10;
	[smem:$0x7FF] =	sst s9;
	s11 =	sshll.u32 s11, $0xA  }
0xe: {  	s19 =	sadd.s32 $0x3200, s14;
	s14 =	sadd.s32 $0x100, s3;
	s12 =	sshll.u32 s10, $0x9  }
0xf: {  	s15 =	sadd.s32 $0x100, s4;
	s13 =	ssub.s32 $0x2, s10;
	s10 =	sor.u32 s12, s11  }
0x10: {  	s16 =	sadd.s32 $0x100, s6;
	s17 =	sadd.s32 $0x100, s7;
	s12 =	sshrl.u32 s10, $0x3  }
0x11: {  	_ =	strace $0x80000047;
	[dreg:$0xb] =	wrdreg s19;
	s2 =	sadd.s32 s2, s12  }
0x12: {  	s22 =	sshll.u32 s10, $0x6;
	s21 =	sadd.s32 s5, s12;
	[dreg:$0xc] =	wrdreg s2  }
0x13: {  	s20 =	sshrl.u32 s13, $0x1;
	s24 =	sadd.s32 s0, s22;
	[dreg:$0xd] =	wrdreg s21  }
0x14: {  	s11 =	ssub.s32 s13, s20;
	s30 =	sadd.s32 s8, s12;
	[dreg:$0xe] =	wrdreg s24  }
0x15: {  	s23 =	sor.u32 $0x400, s22;
	s31 =	smax.u32 s11, $0x1;
	[dreg:$0x12] =	wrdreg s30  }
.Ltmp0:
0x16: {  	s2 =	sadd.s32 s1, s22;
	[dreg:$0x13] =	wrdreg s31;
	(pc) =	sbr.rel .LBB2_1-.Ltmp0, $4  }
0x17: {  	s5 =	simm.s32 $0xBC00;
	s25 =	sadd.s32 s0, s23;
	[dreg:$0xf] =	wrdreg s2  }
0x18: {  	v2 =	vlaneseq.u32;
	s11 =	simm.s32 $0xF400;
	s26 =	sadd.s32 s1, s23;
	[dreg:$0x10] =	wrdreg s25  }
0x19: {  	vm0 =	vmmov $0xffff;
	v1 =	vshrl.u32 v2, $0x3;
	s8 =	simm.s32 $0x16400;
	s23 =	simm.s32 $0xB400;
	[dreg:$0x11] =	wrdreg s26  }
0x1a: {  	v0 =	vand.u32 $0x7, v2;
	v2 =	vmul.u32 $0x80, v2;
	v1 =	vmul.u32 $0x8, v1;
	s25 =	simm.s32 $0x1;
	s26 =	simm.s32 $0x2;
	s2 =	simm.s32 $0x12400  }
.LBB2_14:
0x1b: {  	s12 =	rddreg [dreg:$0x12];
	s13 =	simm.s32 $0x18800;
	s30 =	simm.s32 $0x3  }
0x1c: {  	[hbm4b:s12+s9] =	stream.linear.scatter [tilespmem:s13], [sflag:$0x3], $0x200, $0x38;
	[tilespmem:$0x19200] =	vst v63  }
0x1d: {  	_ =	swait.ge [sflag:s30], $0x200  }
0x1e: {  	s18 =	rddreg [dreg:$0x14]  }
0x1f: {  	s31 =	rddreg [dreg:$0x13];
	s18 =	sadd.s32 $0x1, s18  }
0x20: {  	p0 =	sne.s32 s18, s31  }
.Ltmp1:
0x21: {  	_ = 	snop;
	(pc) =	sbr.rel @!p0 .LBB2_15-.Ltmp1, $3  }
0x22: {  	_ =	sdelay $0x1  }
0x23: {  	[sflag:s30] =	ssyncset.done $0x0  }
0x24: {  	[sflag:s30] =	ssyncadd.s32 $0xFFFFFE00  }
.LBB2_1:
0x25: {  	[dreg:$0x14] =	wrdreg s18  }
0x26: {  	s12 =	rddreg [dreg:$0xc]  }
0x27: {  	[tilespmem:s9], [sflag:$0x1] =	stream.linear.gather [hbm4b:s12+s9], $0x200, $0x38;
	[tilespmem:$0x19200] =	vst v63  }
0x28: {  	s21 =	rddreg [dreg:$0xd];
	s13 =	simm.s32 $0x200  }
0x29: {  	[tilespmem:s13], [sflag:$0x2] =	stream.linear.gather [hbm4b:s21+s9], $0x200, $0x38;
	[tilespmem:$0x19200] =	vst v63  }
0x2a: {  	_ =	swait.ge [sflag:s25], $0x200  }
0x2b: {  	[sflag:s25] =	ssyncset.done $0x0  }
0x2c: {  	[sflag:s25] =	ssyncadd.s32 $0xFFFFFE00  }
0x2d: {  	_ =	swait.ge [sflag:s26], $0x200  }
0x2e: {  	[sflag:s26] =	ssyncset.done $0x0  }
0x2f: {  	[sflag:s26] =	ssyncadd.s32 $0xFFFFFE00  }
0x30: {  	s18 =	simm.s32 $0x80;
	s19 =	simm.s32 $0x18400;
	s22 =	rddreg [dreg:$0x6]  }
0x31: {  	[tilespmem:s19], [sflag:$0x1] =	stream.indirect.gather [hbm4b:s22+s18], $0x1, s9, s18, $0xb8;
	[tilespmem:$0x19200] =	vst v63  }
0x32: {  	s24 =	simm.s32 $0x18480  }
0x33: {  	[tilespmem:s24], [sflag:$0x1] =	stream.indirect.gather [hbm4b:s22+s18], $0x1, s18, s18, $0xb8;
	[tilespmem:$0x19200] =	vst v63  }
0x34: {  	s31 =	simm.s32 $0x100;
	s20 =	simm.s32 $0x18500  }
0x35: {  	[tilespmem:s20], [sflag:$0x1] =	stream.indirect.gather [hbm4b:s22+s18], $0x1, s31, s18, $0xb8;
	[tilespmem:$0x19200] =	vst v63  }
0x36: {  	s21 =	simm.s32 $0x18580;
	s20 =	simm.s32 $0x180  }
0x37: {  	[tilespmem:s21], [sflag:$0x1] =	stream.indirect.gather [hbm4b:s22+s18], $0x1, s20, s18, $0xb8;
	[tilespmem:$0x19200] =	vst v63  }
0x38: {  	s12 =	rddreg [dreg:$0xb];
	s22 =	simm.s32 $0x18600  }
0x39: {  	[tilespmem:s22], [sflag:$0x1] =	stream.indirect.gather [hbm4b:s12+s18], $0x1, s13, s18, $0xb8;
	[tilespmem:$0x19200] =	vst v63  }
0x3a: {  	s24 =	simm.s32 $0x280;
	s31 =	simm.s32 $0x18680  }
0x3b: {  	[tilespmem:s31], [sflag:$0x1] =	stream.indirect.gather [hbm4b:s12+s18], $0x1, s24, s18, $0xb8;
	[tilespmem:$0x19200] =	vst v63  }
0x3c: {  	s19 =	simm.s32 $0x300;
	s20 =	simm.s32 $0x18700  }
0x3d: {  	[tilespmem:s20], [sflag:$0x1] =	stream.indirect.gather [hbm4b:s12+s18], $0x1, s19, s18, $0xb8;
	[tilespmem:$0x19200] =	vst v63  }
0x3e: {  	s21 =	simm.s32 $0x380;
	s22 =	simm.s32 $0x18780  }
0x3f: {  	[tilespmem:s22], [sflag:$0x1] =	stream.indirect.gather [hbm4b:s12+s18], $0x1, s21, s18, $0xb8;
	[tilespmem:$0x19200] =	vst v63  }
0x40: {  	v3 =	vld.msk [tilespmem:$0x0], $0xff;
	_ =	sdelay $0x4  }
0x41: {  	v4 =	vshll.u32 v3, $0x2  }
0x42: {  	v3 =	vand.u32 $0x7, v3;
	v4 =	vand.u32 $0xFFFFFFE0, v4  }
0x43: {  	v3 =	vor.u32 v3, v4  }
0x44: {  	v3 =	vperm.xlane v3, v0;
	_ =	sdelay $0x1  }
0x45: {  	v3 =	vadd.s32 v1, v3;
	_ =	sdelay $0x3  }
0x46: {  	s24 =	simm.s32 $0x400  }
0x47: {  	[tilespmem:s24], [sflag:$0x1] =	stream.indirect_vreg.gather [hbm4b:s3+s9], $0x80, v3, vm0, $0xb8;
	[tilespmem:$0x19200] =	vst v63  }
0x48: {  	s31 =	simm.s32 $0xC00  }
0x49: {  	[tilespmem:s31], [sflag:$0x1] =	stream.indirect_vreg.gather [hbm4b:s14+s9], $0x80, v3, vm0, $0xb8;
	[tilespmem:$0x19200] =	vst v63  }
0x4a: {  	v3 =	vld.msk [tilespmem:$0x200], $0xff;
	_ =	sdelay $0x4  }
0x4b: {  	v49 =	vshll.u32 v3, $0x2  }
0x4c: {  	v3 =	vand.u32 $0x7, v3;
	v4 =	vand.u32 $0xFFFFFFE0, v49  }
0x4d: {  	v3 =	vor.u32 v3, v4  }
0x4e: {  	v3 =	vperm.xlane v3, v0;
	_ =	sdelay $0x1  }
0x4f: {  	v3 =	vadd.s32 v1, v3;
	_ =	sdelay $0x3  }
0x50: {  	s13 =	simm.s32 $0x4400  }
0x51: {  	[tilespmem:s13], [sflag:$0x1] =	stream.indirect_vreg.gather [hbm4b:s4+s9], $0x80, v3, vm0, $0xb8;
	[tilespmem:$0x19200] =	vst v63  }
0x52: {  	s18 =	simm.s32 $0x4C00  }
0x53: {  	[tilespmem:s18], [sflag:$0x1] =	stream.indirect_vreg.gather [hbm4b:s15+s9], $0x80, v3, vm0, $0xb8;
	[tilespmem:$0x19200] =	vst v63  }
0x54: {  	v3 =	vld.msk [tilespmem:$0x0], $0xff;
	_ =	sdelay $0x4  }
0x55: {  	v50 =	vshll.u32 v3, $0x2  }
0x56: {  	v3 =	vand.u32 $0x7, v3;
	v4 =	vand.u32 $0xFFFFFFE0, v50  }
0x57: {  	v3 =	vor.u32 v3, v4  }
0x58: {  	v3 =	vperm.xlane v3, v0;
	_ =	sdelay $0x1  }
0x59: {  	v3 =	vadd.s32 v1, v3;
	_ =	sdelay $0x3  }
0x5a: {  	s19 =	simm.s32 $0x8400  }
0x5b: {  	[tilespmem:s19], [sflag:$0x1] =	stream.indirect_vreg.gather [hbm4b:s6+s9], $0x80, v3, vm0, $0xb8;
	[tilespmem:$0x19200] =	vst v63  }
0x5c: {  	s20 =	simm.s32 $0x8C00  }
0x5d: {  	[tilespmem:s20], [sflag:$0x1] =	stream.indirect_vreg.gather [hbm4b:s16+s9], $0x80, v3, vm0, $0xb8;
	[tilespmem:$0x19200] =	vst v63  }
0x5e: {  	v3 =	vld.msk [tilespmem:$0x0], $0xff;
	_ =	sdelay $0x4  }
0x5f: {  	v51 =	vshll.u32 v3, $0x2  }
0x60: {  	v3 =	vand.u32 $0x7, v3;
	v4 =	vand.u32 $0xFFFFFFE0, v51  }
0x61: {  	v3 =	vor.u32 v3, v4  }
0x62: {  	v3 =	vperm.xlane v3, v0;
	_ =	sdelay $0x1  }
0x63: {  	v3 =	vadd.s32 v1, v3;
	_ =	sdelay $0x3  }
0x64: {  	s21 =	simm.s32 $0xC400  }
0x65: {  	[tilespmem:s21], [sflag:$0x1] =	stream.indirect_vreg.gather [hbm4b:s7+s9], $0x80, v3, vm0, $0xb8;
	[tilespmem:$0x19200] =	vst v63  }
0x66: {  	s22 =	simm.s32 $0xCC00  }
0x67: {  	[tilespmem:s22], [sflag:$0x1] =	stream.indirect_vreg.gather [hbm4b:s17+s9], $0x80, v3, vm0, $0xb8;
	[tilespmem:$0x19200] =	vst v63  }
0x68: {  	v3 =	vld.msk [tilespmem:$0x8], $0xff;
	_ =	sdelay $0x4  }
0x69: {  	v52 =	vshll.u32 v3, $0x2  }
0x6a: {  	v3 =	vand.u32 $0x7, v3;
	v4 =	vand.u32 $0xFFFFFFE0, v52  }
0x6b: {  	v3 =	vor.u32 v3, v4  }
0x6c: {  	v3 =	vperm.xlane v3, v0;
	_ =	sdelay $0x1  }
0x6d: {  	v3 =	vadd.s32 v1, v3;
	_ =	sdelay $0x3  }
0x6e: {  	s24 =	simm.s32 $0x1400  }
0x6f: {  	[tilespmem:s24], [sflag:$0x1] =	stream.indirect_vreg.gather [hbm4b:s3+s9], $0x80, v3, vm0, $0xb8;
	[tilespmem:$0x19200] =	vst v63  }
0x70: {  	s31 =	simm.s32 $0x1C00  }
0x71: {  	[tilespmem:s31], [sflag:$0x1] =	stream.indirect_vreg.gather [hbm4b:s14+s9], $0x80, v3, vm0, $0xb8;
	[tilespmem:$0x19200] =	vst v63  }
0x72: {  	v3 =	vld.msk [tilespmem:$0x208], $0xff;
	_ =	sdelay $0x4  }
0x73: {  	v53 =	vshll.u32 v3, $0x2  }
0x74: {  	v3 =	vand.u32 $0x7, v3;
	v4 =	vand.u32 $0xFFFFFFE0, v53  }
0x75: {  	v3 =	vor.u32 v3, v4  }
0x76: {  	v3 =	vperm.xlane v3, v0;
	_ =	sdelay $0x1  }
0x77: {  	v3 =	vadd.s32 v1, v3;
	_ =	sdelay $0x3  }
0x78: {  	s13 =	simm.s32 $0x5400  }
0x79: {  	[tilespmem:s13], [sflag:$0x1] =	stream.indirect_vreg.gather [hbm4b:s4+s9], $0x80, v3, vm0, $0xb8;
	[tilespmem:$0x19200] =	vst v63  }
0x7a: {  	s18 =	simm.s32 $0x5C00  }
0x7b: {  	[tilespmem:s18], [sflag:$0x1] =	stream.indirect_vreg.gather [hbm4b:s15+s9], $0x80, v3, vm0, $0xb8;
	[tilespmem:$0x19200] =	vst v63  }
0x7c: {  	v3 =	vld.msk [tilespmem:$0x8], $0xff;
	_ =	sdelay $0x4  }
0x7d: {  	v54 =	vshll.u32 v3, $0x2  }
0x7e: {  	v3 =	vand.u32 $0x7, v3;
	v4 =	vand.u32 $0xFFFFFFE0, v54  }
0x7f: {  	v3 =	vor.u32 v3, v4  }
0x80: {  	v3 =	vperm.xlane v3, v0;
	_ =	sdelay $0x1  }
0x81: {  	v3 =	vadd.s32 v1, v3;
	_ =	sdelay $0x3  }
0x82: {  	s19 =	simm.s32 $0x9400  }
0x83: {  	[tilespmem:s19], [sflag:$0x1] =	stream.indirect_vreg.gather [hbm4b:s6+s9], $0x80, v3, vm0, $0xb8;
	[tilespmem:$0x19200] =	vst v63  }
0x84: {  	s20 =	simm.s32 $0x9C00  }
0x85: {  	[tilespmem:s20], [sflag:$0x1] =	stream.indirect_vreg.gather [hbm4b:s16+s9], $0x80, v3, vm0, $0xb8;
	[tilespmem:$0x19200] =	vst v63  }
0x86: {  	v3 =	vld.msk [tilespmem:$0x8], $0xff;
	_ =	sdelay $0x4  }
0x87: {  	v55 =	vshll.u32 v3, $0x2  }
0x88: {  	v3 =	vand.u32 $0x7, v3;
	v4 =	vand.u32 $0xFFFFFFE0, v55  }
0x89: {  	v3 =	vor.u32 v3, v4  }
0x8a: {  	v3 =	vperm.xlane v3, v0;
	_ =	sdelay $0x1  }
0x8b: {  	v3 =	vadd.s32 v1, v3;
	_ =	sdelay $0x3  }
0x8c: {  	s21 =	simm.s32 $0xD400  }
0x8d: {  	[tilespmem:s21], [sflag:$0x1] =	stream.indirect_vreg.gather [hbm4b:s7+s9], $0x80, v3, vm0, $0xb8;
	[tilespmem:$0x19200] =	vst v63  }
0x8e: {  	s22 =	simm.s32 $0xDC00  }
0x8f: {  	[tilespmem:s22], [sflag:$0x1] =	stream.indirect_vreg.gather [hbm4b:s17+s9], $0x80, v3, vm0, $0xb8;
	[tilespmem:$0x19200] =	vst v63  }
0x90: {  	s24 =	rddreg [dreg:$0xe];
	s31 =	simm.s32 $0x10400  }
0x91: {  	[tilespmem:s31], [sflag:$0x1] =	stream.linear.gather [hbm4b:s24+s9], $0x2000, $0x38;
	[tilespmem:$0x19200] =	vst v63  }
0x92: {  	s13 =	rddreg [dreg:$0xf];
	s18 =	simm.s32 $0x14400  }
0x93: {  	[tilespmem:s18], [sflag:$0x1] =	stream.linear.gather [hbm4b:s13+s9], $0x2000, $0x38;
	[tilespmem:$0x19200] =	vst v63  }
0x94: {  	v3 =	vld.msk [tilespmem:$0x10], $0xff;
	_ =	sdelay $0x4  }
0x95: {  	v56 =	vshll.u32 v3, $0x2  }
0x96: {  	v3 =	vand.u32 $0x7, v3;
	v4 =	vand.u32 $0xFFFFFFE0, v56  }
0x97: {  	v3 =	vor.u32 v3, v4  }
0x98: {  	v3 =	vperm.xlane v3, v0;
	_ =	sdelay $0x1  }
0x99: {  	v3 =	vadd.s32 v1, v3;
	_ =	sdelay $0x3  }
0x9a: {  	s19 =	simm.s32 $0x2400  }
0x9b: {  	[tilespmem:s19], [sflag:$0x2] =	stream.indirect_vreg.gather [hbm4b:s3+s9], $0x80, v3, vm0, $0xb8;
	[tilespmem:$0x19200] =	vst v63  }
0x9c: {  	s20 =	simm.s32 $0x2C00  }
0x9d: {  	[tilespmem:s20], [sflag:$0x2] =	stream.indirect_vreg.gather [hbm4b:s14+s9], $0x80, v3, vm0, $0xb8;
	[tilespmem:$0x19200] =	vst v63  }
0x9e: {  	v3 =	vld.msk [tilespmem:$0x210], $0xff;
	_ =	sdelay $0x4  }
0x9f: {  	v57 =	vshll.u32 v3, $0x2  }
0xa0: {  	v3 =	vand.u32 $0x7, v3;
	v4 =	vand.u32 $0xFFFFFFE0, v57  }
0xa1: {  	v3 =	vor.u32 v3, v4  }
0xa2: {  	v3 =	vperm.xlane v3, v0;
	_ =	sdelay $0x1  }
0xa3: {  	v3 =	vadd.s32 v1, v3;
	_ =	sdelay $0x3  }
0xa4: {  	s21 =	simm.s32 $0x6400  }
0xa5: {  	[tilespmem:s21], [sflag:$0x2] =	stream.indirect_vreg.gather [hbm4b:s4+s9], $0x80, v3, vm0, $0xb8;
	[tilespmem:$0x19200] =	vst v63  }
0xa6: {  	s22 =	simm.s32 $0x6C00  }
0xa7: {  	[tilespmem:s22], [sflag:$0x2] =	stream.indirect_vreg.gather [hbm4b:s15+s9], $0x80, v3, vm0, $0xb8;
	[tilespmem:$0x19200] =	vst v63  }
0xa8: {  	v3 =	vld.msk [tilespmem:$0x10], $0xff;
	_ =	sdelay $0x4  }
0xa9: {  	v58 =	vshll.u32 v3, $0x2  }
0xaa: {  	v3 =	vand.u32 $0x7, v3;
	v4 =	vand.u32 $0xFFFFFFE0, v58  }
0xab: {  	v3 =	vor.u32 v3, v4  }
0xac: {  	v3 =	vperm.xlane v3, v0;
	_ =	sdelay $0x1  }
0xad: {  	v3 =	vadd.s32 v1, v3;
	_ =	sdelay $0x3  }
0xae: {  	s24 =	simm.s32 $0xA400  }
0xaf: {  	[tilespmem:s24], [sflag:$0x2] =	stream.indirect_vreg.gather [hbm4b:s6+s9], $0x80, v3, vm0, $0xb8;
	[tilespmem:$0x19200] =	vst v63  }
0xb0: {  	s31 =	simm.s32 $0xAC00  }
0xb1: {  	[tilespmem:s31], [sflag:$0x2] =	stream.indirect_vreg.gather [hbm4b:s16+s9], $0x80, v3, vm0, $0xb8;
	[tilespmem:$0x19200] =	vst v63  }
0xb2: {  	v3 =	vld.msk [tilespmem:$0x10], $0xff;
	_ =	sdelay $0x4  }
0xb3: {  	v59 =	vshll.u32 v3, $0x2  }
0xb4: {  	v3 =	vand.u32 $0x7, v3;
	v4 =	vand.u32 $0xFFFFFFE0, v59  }
0xb5: {  	v3 =	vor.u32 v3, v4  }
0xb6: {  	v3 =	vperm.xlane v3, v0;
	_ =	sdelay $0x1  }
0xb7: {  	v3 =	vadd.s32 v1, v3;
	_ =	sdelay $0x3  }
0xb8: {  	s13 =	simm.s32 $0xE400  }
0xb9: {  	[tilespmem:s13], [sflag:$0x2] =	stream.indirect_vreg.gather [hbm4b:s7+s9], $0x80, v3, vm0, $0xb8;
	[tilespmem:$0x19200] =	vst v63  }
0xba: {  	s18 =	simm.s32 $0xEC00  }
0xbb: {  	[tilespmem:s18], [sflag:$0x2] =	stream.indirect_vreg.gather [hbm4b:s17+s9], $0x80, v3, vm0, $0xb8;
	[tilespmem:$0x19200] =	vst v63  }
0xbc: {  	v3 =	vld.msk [tilespmem:$0x18], $0xff;
	_ =	sdelay $0x4  }
0xbd: {  	v60 =	vshll.u32 v3, $0x2  }
0xbe: {  	v3 =	vand.u32 $0x7, v3;
	v4 =	vand.u32 $0xFFFFFFE0, v60  }
0xbf: {  	v3 =	vor.u32 v3, v4  }
0xc0: {  	v3 =	vperm.xlane v3, v0;
	_ =	sdelay $0x1  }
0xc1: {  	v3 =	vadd.s32 v1, v3;
	_ =	sdelay $0x3  }
0xc2: {  	s19 =	simm.s32 $0x3400  }
0xc3: {  	[tilespmem:s19], [sflag:$0x2] =	stream.indirect_vreg.gather [hbm4b:s3+s9], $0x80, v3, vm0, $0xb8;
	[tilespmem:$0x19200] =	vst v63  }
0xc4: {  	s20 =	simm.s32 $0x3C00  }
0xc5: {  	[tilespmem:s20], [sflag:$0x2] =	stream.indirect_vreg.gather [hbm4b:s14+s9], $0x80, v3, vm0, $0xb8;
	[tilespmem:$0x19200] =	vst v63  }
0xc6: {  	v3 =	vld.msk [tilespmem:$0x218], $0xff;
	_ =	sdelay $0x4  }
0xc7: {  	v61 =	vshll.u32 v3, $0x2  }
0xc8: {  	v3 =	vand.u32 $0x7, v3;
	v4 =	vand.u32 $0xFFFFFFE0, v61  }
0xc9: {  	v3 =	vor.u32 v3, v4  }
0xca: {  	v3 =	vperm.xlane v3, v0;
	_ =	sdelay $0x1  }
0xcb: {  	v3 =	vadd.s32 v1, v3;
	_ =	sdelay $0x3  }
0xcc: {  	s21 =	simm.s32 $0x7400  }
0xcd: {  	[tilespmem:s21], [sflag:$0x2] =	stream.indirect_vreg.gather [hbm4b:s4+s9], $0x80, v3, vm0, $0xb8;
	[tilespmem:$0x19200] =	vst v63  }
0xce: {  	s22 =	simm.s32 $0x7C00  }
0xcf: {  	[tilespmem:s22], [sflag:$0x2] =	stream.indirect_vreg.gather [hbm4b:s15+s9], $0x80, v3, vm0, $0xb8;
	[tilespmem:$0x19200] =	vst v63  }
0xd0: {  	v3 =	vld.msk [tilespmem:$0x18], $0xff;
	_ =	sdelay $0x4  }
0xd1: {  	v62 =	vshll.u32 v3, $0x2  }
0xd2: {  	v3 =	vand.u32 $0x7, v3;
	v4 =	vand.u32 $0xFFFFFFE0, v62  }
0xd3: {  	v3 =	vor.u32 v3, v4  }
0xd4: {  	v3 =	vperm.xlane v3, v0;
	_ =	sdelay $0x1  }
0xd5: {  	v3 =	vadd.s32 v1, v3;
	_ =	sdelay $0x4  }
0xd6: {  	[tilespmem:s23], [sflag:$0x2] =	stream.indirect_vreg.gather [hbm4b:s6+s9], $0x80, v3, vm0, $0xb8;
	[tilespmem:$0x19200] =	vst v63  }
0xd7: {  	_ = 	snop  }
0xd8: {  	[tilespmem:s5], [sflag:$0x2] =	stream.indirect_vreg.gather [hbm4b:s16+s9], $0x80, v3, vm0, $0xb8;
	[tilespmem:$0x19200] =	vst v63  }
0xd9: {  	v3 =	vld.msk [tilespmem:$0x18], $0xff;
	_ =	sdelay $0x4  }
0xda: {  	v63 =	vshll.u32 v3, $0x2  }
0xdb: {  	v3 =	vand.u32 $0x7, v3;
	v4 =	vand.u32 $0xFFFFFFE0, v63  }
0xdc: {  	v3 =	vor.u32 v3, v4  }
0xdd: {  	v3 =	vperm.xlane v3, v0;
	_ =	sdelay $0x1  }
0xde: {  	v3 =	vadd.s32 v1, v3;
	_ =	sdelay $0x4  }
0xdf: {  	[tilespmem:s11], [sflag:$0x2] =	stream.indirect_vreg.gather [hbm4b:s7+s9], $0x80, v3, vm0, $0xb8;
	[tilespmem:$0x19200] =	vst v63  }
0xe0: {  	_ = 	snop  }
0xe1: {  	[tilespmem:s28], [sflag:$0x2] =	stream.indirect_vreg.gather [hbm4b:s17+s9], $0x80, v3, vm0, $0xb8;
	[tilespmem:$0x19200] =	vst v63  }
0xe2: {  	s24 =	rddreg [dreg:$0x10]  }
0xe3: {  	[tilespmem:s2], [sflag:$0x2] =	stream.linear.gather [hbm4b:s24+s9], $0x2000, $0x38;
	[tilespmem:$0x19200] =	vst v63  }
0xe4: {  	s31 =	rddreg [dreg:$0x11]  }
0xe5: {  	[tilespmem:s8], [sflag:$0x2] =	stream.linear.gather [hbm4b:s31+s9], $0x2000, $0x38;
	[tilespmem:$0x19200] =	vst v63  }
0xe6: {  	_ =	swait.ge [sflag:s25], $0x80  }
0xe7: {  	[sflag:s25] =	ssyncset.done $0x0  }
0xe8: {  	[sflag:s25] =	ssyncadd.s32 $0xFFFFFF80  }
0xe9: {  	_ =	swait.ge [sflag:s25], $0x80  }
0xea: {  	[sflag:s25] =	ssyncset.done $0x0  }
0xeb: {  	[sflag:s25] =	ssyncadd.s32 $0xFFFFFF80  }
0xec: {  	_ =	swait.ge [sflag:s25], $0x80  }
0xed: {  	[sflag:s25] =	ssyncset.done $0x0  }
0xee: {  	[sflag:s25] =	ssyncadd.s32 $0xFFFFFF80  }
0xef: {  	_ =	swait.ge [sflag:s25], $0x80  }
0xf0: {  	[sflag:s25] =	ssyncset.done $0x0  }
0xf1: {  	[sflag:s25] =	ssyncadd.s32 $0xFFFFFF80  }
0xf2: {  	_ =	swait.ge [sflag:s25], $0x80  }
0xf3: {  	[sflag:s25] =	ssyncset.done $0x0  }
0xf4: {  	[sflag:s25] =	ssyncadd.s32 $0xFFFFFF80  }
0xf5: {  	_ =	swait.ge [sflag:s25], $0x80  }
0xf6: {  	[sflag:s25] =	ssyncset.done $0x0  }
0xf7: {  	[sflag:s25] =	ssyncadd.s32 $0xFFFFFF80  }
0xf8: {  	_ =	swait.ge [sflag:s25], $0x80  }
0xf9: {  	[sflag:s25] =	ssyncset.done $0x0  }
0xfa: {  	[sflag:s25] =	ssyncadd.s32 $0xFFFFFF80  }
0xfb: {  	_ =	swait.ge [sflag:s25], $0x80  }
0xfc: {  	[sflag:s25] =	ssyncset.done $0x0  }
0xfd: {  	s30 =	simm.s32 $0x0;
	[sflag:s25] =	ssyncadd.s32 $0xFFFFFF80  }
.LBB2_2:
0xfe: {  	_ =	swait.ge [sflag:s25], $0x1000  }
0xff: {  	[sflag:s25] =	ssyncset.done $0x0  }
0x100: {  	[sflag:s25] =	ssyncadd.s32 $0xFFFFF000  }
0x101: {  	_ =	swait.ge [sflag:s25], $0x1000  }
0x102: {  	[sflag:s25] =	ssyncset.done $0x0  }
0x103: {  	[sflag:s25] =	ssyncadd.s32 $0xFFFFF000  }
0x104: {  	_ =	swait.ge [sflag:s25], $0x1000  }
0x105: {  	[sflag:s25] =	ssyncset.done $0x0  }
0x106: {  	[sflag:s25] =	ssyncadd.s32 $0xFFFFF000  }
0x107: {  	_ =	swait.ge [sflag:s25], $0x1000  }
0x108: {  	[sflag:s25] =	ssyncset.done $0x0  }
0x109: {  	[sflag:s25] =	ssyncadd.s32 $0xFFFFF000  }
0x10a: {  	_ =	swait.ge [sflag:s25], $0x1000  }
0x10b: {  	[sflag:s25] =	ssyncset.done $0x0  }
0x10c: {  	[sflag:s25] =	ssyncadd.s32 $0xFFFFF000  }
0x10d: {  	_ =	swait.ge [sflag:s25], $0x1000  }
0x10e: {  	[sflag:s25] =	ssyncset.done $0x0  }
0x10f: {  	[sflag:s25] =	ssyncadd.s32 $0xFFFFF000  }
0x110: {  	_ =	swait.ge [sflag:s25], $0x1000  }
0x111: {  	[sflag:s25] =	ssyncset.done $0x0  }
0x112: {  	[sflag:s25] =	ssyncadd.s32 $0xFFFFF000  }
0x113: {  	_ =	swait.ge [sflag:s25], $0x1000  }
0x114: {  	[sflag:s25] =	ssyncset.done $0x0  }
0x115: {  	[sflag:s25] =	ssyncadd.s32 $0xFFFFF000  }
0x116: {  	_ =	swait.ge [sflag:s25], $0x2000  }
0x117: {  	[sflag:s25] =	ssyncset.done $0x0  }
0x118: {  	[sflag:s25] =	ssyncadd.s32 $0xFFFFE000  }
0x119: {  	_ =	swait.ge [sflag:s25], $0x2000  }
0x11a: {  	[sflag:s25] =	ssyncset.done $0x0  }
0x11b: {  	s31 =	simm.s32 $0x0;
	s24 =	simm.s32 $0x0;
	[sflag:s25] =	ssyncadd.s32 $0xFFFFE000  }
.LBB2_3:
0x11c: {  	s12 =	sshll.u32 s24, $0x9;
	s13 =	sshll.u32 s24, $0x7  }
0x11d: {  	s12 =	sand.u32 $0x1000, s12;
	s13 =	sand.u32 $0x380, s13  }
0x11e: {  	s22 =	sand.u32 $0x40, s31;
	s13 =	sor.u32 s12, s13  }
0x11f: {  	s18 =	sand.u32 $0xC00, s31;
	s12 =	sor.u32 s22, s13  }
0x120: {  	s12 =	sor.u32 s18, s12  }
0x121: {  	v5 =	vld [tilespmem:s12+$0x420]  }
0x122: {  	v10 =	vld [tilespmem:s12+$0x4420]  }
0x123: {  	v13 =	vld [tilespmem:s12+$0x8420]  }
0x124: {  	v15 =	vld [tilespmem:s12+$0x10420]  }
0x125: {  	v14 =	vld [tilespmem:s12+$0xC420]  }
0x126: {  	v16 =	vld [tilespmem:s12+$0x14420]  }
0x127: {  	v17 =	vld [tilespmem:s12+$0x430]  }
0x128: {  	v18 =	vld [tilespmem:s12+$0x4430]  }
0x129: {  	v3 =	vld [tilespmem:s12+$0x8430]  }
0x12a: {  	v4 =	vld [tilespmem:s12+$0x10430]  }
0x12b: {  	v24 =	vld [tilespmem:s12+$0x400]  }
0x12c: {  	v25 =	vld [tilespmem:s12+$0x4400]  }
0x12d: {  	v26 =	vld [tilespmem:s12+$0x8400]  }
0x12e: {  	v27 =	vld [tilespmem:s12+$0x10400]  }
0x12f: {  	v19 =	vld [tilespmem:s12+$0xC400]  }
0x130: {  	v21 =	vld [tilespmem:s12+$0x14400]  }
0x131: {  	v20 =	vld [tilespmem:s12+$0x410]  }
0x132: {  	v11 =	vimm.f32 $0.0e+00;
	v12 =	vimm.f32 $0.0e+00;
	v6 =	vimm.f32 $0.0e+00;
	v22 =	vld [tilespmem:s12+$0x4410]  }
0x133: {  	s19 =	simm.s32 $0x0;
	v9 =	vimm.f32 $0.0e+00;
	v7 =	vimm.f32 $0.0e+00;
	v8 =	vimm.f32 $0.0e+00;
	s18 =	simm.s32 $0x40;
	v23 =	vld [tilespmem:s12+$0x8410]  }
.LBB2_4:
0x134: {  	p0 =	sne.s32 s18, $0x1C0;
	v28 =	vld [tilespmem:s12+$0x10410]  }
0x135: {  	v29 =	vld [tilespmem:s12+$0xC410]  }
0x136: {  	s20 =	sand.u32 $0x40, s18;
	v31 =	vmul.f32 v10, v5;
	v15 =	vmul.f32 v15, v13;
	s19 =	sadd.s32 $0x200, s19;
	v30 =	vld [tilespmem:s12+$0x14410]  }
0x137: {  	v10 =	vmul.f32 v25, v24;
	v13 =	vmul.f32 v27, v26;
	s21 =	sand.u32 $0xC00, s19;
	s20 =	sor.u32 s20, s13;
	v24 =	vld [tilespmem:s12+$0xC430]  }
0x138: {  	v25 =	vmul.f32 v16, v14;
	v17 =	vmul.f32 v18, v17;
	v16 =	vld [tilespmem:s12+$0x14430];
	s12 =	sor.u32 s21, s20  }
0x139: {  	v14 =	vmul.f32 v21, v19;
	v11 =	vadd.f32 v10, v11;
	v12 =	vadd.f32 v13, v12;
	v5 =	vld [tilespmem:s12+$0x420]  }
0x13a: {  	v18 =	vmul.f32 v22, v20;
	v19 =	vmul.f32 v28, v23;
	v10 =	vld [tilespmem:s12+$0x4420]  }
0x13b: {  	v11 =	vadd.f32 v31, v11;
	v12 =	vadd.f32 v15, v12;
	v13 =	vld [tilespmem:s12+$0x8420];
	v20 =	vmul.f32 v30, v29  }
0x13c: {  	v3 =	vmul.f32 v4, v3;
	v6 =	vadd.f32 v14, v6;
	v9 =	vadd.f32 v18, v9;
	v15 =	vld [tilespmem:s12+$0x10420]  }
0x13d: {  	v4 =	vadd.f32 v19, v7;
	v14 =	vld [tilespmem:s12+$0xC420];
	v8 =	vadd.f32 v20, v8;
	v18 =	vmul.f32 v16, v24  }
0x13e: {  	v6 =	vadd.f32 v25, v6;
	v9 =	vadd.f32 v17, v9;
	v16 =	vld [tilespmem:s12+$0x14420]  }
0x13f: {  	v7 =	vadd.f32 v3, v4;
	v17 =	vld [tilespmem:s12+$0x430];
	v8 =	vadd.f32 v18, v8  }
0x140: {  	v18 =	vld [tilespmem:s12+$0x4430]  }
0x141: {  	v3 =	vld [tilespmem:s12+$0x8430]  }
0x142: {  	v4 =	vld [tilespmem:s12+$0x10430]  }
0x143: {  	v24 =	vld [tilespmem:s12+$0x400]  }
0x144: {  	v25 =	vld [tilespmem:s12+$0x4400]  }
0x145: {  	v26 =	vld [tilespmem:s12+$0x8400]  }
0x146: {  	v27 =	vld [tilespmem:s12+$0x10400]  }
.Ltmp2:
0x147: {  	v19 =	vld [tilespmem:s12+$0xC400];
	(pc) =	sbr.rel @p0 .LBB2_4-.Ltmp2, $4  }
0x148: {  	v21 =	vld [tilespmem:s12+$0x14400]  }
0x149: {  	v20 =	vld [tilespmem:s12+$0x410]  }
0x14a: {  	v22 =	vld [tilespmem:s12+$0x4410]  }
0x14b: {  	s18 =	sadd.s32 $0x40, s18;
	v23 =	vld [tilespmem:s12+$0x8410]  }
0x14c: {  	v28 =	vld [tilespmem:s12+$0x10410]  }
0x14d: {  	v29 =	vld [tilespmem:s12+$0xC410]  }
0x14e: {  	v30 =	vld [tilespmem:s12+$0x14410];
	v24 =	vmul.f32 v25, v24;
	v5 =	vmul.f32 v10, v5  }
0x14f: {  	v50 =	vmul.f32 v27, v26;
	v51 =	vld [tilespmem:s12+$0xC430];
	v13 =	vmul.f32 v15, v13  }
0x150: {  	v14 =	vmul.f32 v16, v14;
	v52 =	vld [tilespmem:s12+$0x14430];
	v53 =	vmul.f32 v18, v17  }
0x151: {  	v3 =	vmul.f32 v4, v3;
	v54 =	vmul.f32 v21, v19;
	v11 =	vadd.f32 v24, v11  }
0x152: {  	v10 =	vadd.f32 v50, v12;
	v55 =	vmul.f32 v22, v20;
	v56 =	vmul.f32 v28, v23  }
0x153: {  	v6 =	vadd.f32 v54, v6;
	v5 =	vadd.f32 v5, v11;
	v57 =	vmul.f32 v30, v29  }
0x154: {  	v61 =	vmov s24;
	v9 =	vadd.f32 v55, v9;
	v58 =	vadd.f32 v56, v7  }
0x155: {  	v10 =	vadd.f32 v13, v10;
	v60 =	vmul.f32 v52, v51;
	v59 =	vadd.f32 v57, v8  }
0x156: {  	v62 =	vand.u32 $0x7F, v61;
	v9 =	vadd.f32 v53, v9;
	v3 =	vadd.f32 v3, v58  }
0x157: {  	v4 =	vbroadcast v62, $0x0;
	v6 =	vadd.f32 v14, v6;
	v7 =	vadd.f32 v60, v59  }
0x158: {  	s24 =	sadd.s32 $0x1, s24;
	v5 =	vadd.f32 v9, v5;
	v3 =	vadd.f32 v3, v10  }
0x159: {  	p0 =	sne.s32 s24, $0x10;
	v4 =	vor.u32 v2, v4  }
.Ltmp3:
0x15a: {  	v63 =	vadd.f32 v7, v6;
	v3 =	vadd.f32 v3, v5;
	(pc) =	sbr.rel @p0 .LBB2_3-.Ltmp3, $3  }
0x15b: {  	_ = 	snop  }
0x15c: {  	v3 =	vadd.f32 v63, v3;
	_ =	sdelay $0x1  }
0x15d: {  	[tilespmem:v4+s29+$0x0] =	vst.idx.msk $0xffff, v3  }
0x15e: {  	s31 =	sshll.u32 s30, $0x5  }
0x15f: {  	v3 =	vld [tilespmem:s31+$0x18400]  }
0x160: {  	v4 =	vld [tilespmem:s31+$0x18600];
	_ =	sdelay $0x1  }
0x161: {  	v5 =	vld [tilespmem:$0x18A00];
	_ =	sdelay $0x1  }
0x162: {  	v6 =	vld [tilespmem:$0x18A80]  }
0x163: {  	v3 =	vadd.f32 v4, v3  }
0x164: {  	v50 =	vld [tilespmem:$0x18B00]  }
0x165: {  	v3 =	vadd.f32 v5, v3  }
0x166: {  	v51 =	vld [tilespmem:$0x18B80]  }
0x167: {  	v3 =	vadd.f32 v6, v3  }
0x168: {  	v52 =	vld [tilespmem:$0x18C00]  }
0x169: {  	v3 =	vadd.f32 v50, v3  }
0x16a: {  	v53 =	vld [tilespmem:$0x18C80]  }
0x16b: {  	v3 =	vadd.f32 v51, v3  }
0x16c: {  	v54 =	vld [tilespmem:$0x18D00]  }
0x16d: {  	v3 =	vadd.f32 v52, v3  }
0x16e: {  	v55 =	vld [tilespmem:$0x18D80]  }
0x16f: {  	v3 =	vadd.f32 v53, v3  }
0x170: {  	v56 =	vld [tilespmem:$0x18E00]  }
0x171: {  	v3 =	vadd.f32 v54, v3  }
0x172: {  	v57 =	vld [tilespmem:$0x18E80]  }
0x173: {  	v3 =	vadd.f32 v55, v3  }
0x174: {  	v58 =	vld [tilespmem:$0x18F00]  }
0x175: {  	v3 =	vadd.f32 v56, v3  }
0x176: {  	v59 =	vld [tilespmem:$0x18F80]  }
0x177: {  	v3 =	vadd.f32 v57, v3  }
0x178: {  	v60 =	vld [tilespmem:$0x19000]  }
0x179: {  	v3 =	vadd.f32 v58, v3  }
0x17a: {  	v61 =	vld [tilespmem:$0x19080]  }
0x17b: {  	v3 =	vadd.f32 v59, v3  }
0x17c: {  	v62 =	vld [tilespmem:$0x19100]  }
0x17d: {  	v3 =	vadd.f32 v60, v3  }
0x17e: {  	v63 =	vld [tilespmem:$0x19180]  }
0x17f: {  	v3 =	vadd.f32 v61, v3  }
0x180: {  	p0 =	seq.s32 s30, $0xF  }
.Ltmp4:
0x181: {  	v3 =	vadd.f32 v62, v3;
	(pc) =	sbr.rel @p0 .LBB2_8-.Ltmp4, $3  }
0x182: {  	_ = 	snop  }
0x183: {  	v3 =	vadd.f32 v63, v3;
	_ =	sdelay $0x1  }
0x184: {  	[tilespmem:s31+$0x18800] =	vst v3  }
0x185: {  	v3 =	vld.msk [tilespmem:s31+$0x20], $0xff;
	_ =	sdelay $0x4  }
0x186: {  	v4 =	vshll.u32 v3, $0x2  }
0x187: {  	v3 =	vand.u32 $0x7, v3;
	v4 =	vand.u32 $0xFFFFFFE0, v4  }
0x188: {  	v3 =	vor.u32 v3, v4  }
0x189: {  	v3 =	vperm.xlane v3, v0;
	_ =	sdelay $0x1  }
0x18a: {  	v3 =	vadd.s32 v1, v3;
	_ =	sdelay $0x3  }
0x18b: {  	s12 =	simm.s32 $0x400  }
0x18c: {  	[tilespmem:s12], [sflag:$0x1] =	stream.indirect_vreg.gather [hbm4b:s3+s9], $0x80, v3, vm0, $0xb8;
	[tilespmem:$0x19200] =	vst v63  }
0x18d: {  	s21 =	simm.s32 $0xC00  }
0x18e: {  	[tilespmem:s21], [sflag:$0x1] =	stream.indirect_vreg.gather [hbm4b:s14+s9], $0x80, v3, vm0, $0xb8;
	[tilespmem:$0x19200] =	vst v63  }
0x18f: {  	v3 =	vld.msk [tilespmem:s31+$0x220], $0xff;
	_ =	sdelay $0x4  }
0x190: {  	v57 =	vshll.u32 v3, $0x2  }
0x191: {  	v3 =	vand.u32 $0x7, v3;
	v4 =	vand.u32 $0xFFFFFFE0, v57  }
0x192: {  	v3 =	vor.u32 v3, v4  }
0x193: {  	v3 =	vperm.xlane v3, v0;
	_ =	sdelay $0x1  }
0x194: {  	v3 =	vadd.s32 v1, v3;
	_ =	sdelay $0x3  }
0x195: {  	s22 =	simm.s32 $0x4400  }
0x196: {  	[tilespmem:s22], [sflag:$0x1] =	stream.indirect_vreg.gather [hbm4b:s4+s9], $0x80, v3, vm0, $0xb8;
	[tilespmem:$0x19200] =	vst v63  }
0x197: {  	s24 =	simm.s32 $0x4C00  }
0x198: {  	[tilespmem:s24], [sflag:$0x1] =	stream.indirect_vreg.gather [hbm4b:s15+s9], $0x80, v3, vm0, $0xb8;
	[tilespmem:$0x19200] =	vst v63  }
0x199: {  	v3 =	vld.msk [tilespmem:s31+$0x20], $0xff;
	_ =	sdelay $0x4  }
0x19a: {  	v58 =	vshll.u32 v3, $0x2  }
0x19b: {  	v3 =	vand.u32 $0x7, v3;
	v4 =	vand.u32 $0xFFFFFFE0, v58  }
0x19c: {  	v3 =	vor.u32 v3, v4  }
0x19d: {  	v3 =	vperm.xlane v3, v0;
	_ =	sdelay $0x1  }
0x19e: {  	v3 =	vadd.s32 v1, v3;
	_ =	sdelay $0x3  }
0x19f: {  	s13 =	simm.s32 $0x8400  }
0x1a0: {  	[tilespmem:s13], [sflag:$0x1] =	stream.indirect_vreg.gather [hbm4b:s6+s9], $0x80, v3, vm0, $0xb8;
	[tilespmem:$0x19200] =	vst v63  }
0x1a1: {  	s18 =	simm.s32 $0x8C00  }
0x1a2: {  	[tilespmem:s18], [sflag:$0x1] =	stream.indirect_vreg.gather [hbm4b:s16+s9], $0x80, v3, vm0, $0xb8;
	[tilespmem:$0x19200] =	vst v63  }
0x1a3: {  	v3 =	vld.msk [tilespmem:s31+$0x20], $0xff;
	_ =	sdelay $0x4  }
0x1a4: {  	v59 =	vshll.u32 v3, $0x2  }
0x1a5: {  	v3 =	vand.u32 $0x7, v3;
	v4 =	vand.u32 $0xFFFFFFE0, v59  }
0x1a6: {  	v3 =	vor.u32 v3, v4  }
0x1a7: {  	v3 =	vperm.xlane v3, v0;
	_ =	sdelay $0x1  }
0x1a8: {  	v3 =	vadd.s32 v1, v3;
	_ =	sdelay $0x3  }
0x1a9: {  	s19 =	simm.s32 $0xC400  }
0x1aa: {  	[tilespmem:s19], [sflag:$0x1] =	stream.indirect_vreg.gather [hbm4b:s7+s9], $0x80, v3, vm0, $0xb8;
	[tilespmem:$0x19200] =	vst v63  }
0x1ab: {  	s20 =	simm.s32 $0xCC00  }
0x1ac: {  	[tilespmem:s20], [sflag:$0x1] =	stream.indirect_vreg.gather [hbm4b:s17+s9], $0x80, v3, vm0, $0xb8;
	[tilespmem:$0x19200] =	vst v63  }
0x1ad: {  	v3 =	vld.msk [tilespmem:s31+$0x28], $0xff;
	_ =	sdelay $0x4  }
0x1ae: {  	v60 =	vshll.u32 v3, $0x2  }
0x1af: {  	v3 =	vand.u32 $0x7, v3;
	v4 =	vand.u32 $0xFFFFFFE0, v60  }
0x1b0: {  	v3 =	vor.u32 v3, v4  }
0x1b1: {  	v3 =	vperm.xlane v3, v0;
	_ =	sdelay $0x1  }
0x1b2: {  	v3 =	vadd.s32 v1, v3;
	_ =	sdelay $0x3  }
0x1b3: {  	s21 =	simm.s32 $0x1400  }
0x1b4: {  	[tilespmem:s21], [sflag:$0x1] =	stream.indirect_vreg.gather [hbm4b:s3+s9], $0x80, v3, vm0, $0xb8;
	[tilespmem:$0x19200] =	vst v63  }
0x1b5: {  	s22 =	simm.s32 $0x1C00  }
0x1b6: {  	[tilespmem:s22], [sflag:$0x1] =	stream.indirect_vreg.gather [hbm4b:s14+s9], $0x80, v3, vm0, $0xb8;
	[tilespmem:$0x19200] =	vst v63  }
0x1b7: {  	v3 =	vld.msk [tilespmem:s31+$0x228], $0xff;
	_ =	sdelay $0x4  }
0x1b8: {  	v61 =	vshll.u32 v3, $0x2  }
0x1b9: {  	v3 =	vand.u32 $0x7, v3;
	v4 =	vand.u32 $0xFFFFFFE0, v61  }
0x1ba: {  	v3 =	vor.u32 v3, v4  }
0x1bb: {  	v3 =	vperm.xlane v3, v0;
	_ =	sdelay $0x1  }
0x1bc: {  	v3 =	vadd.s32 v1, v3;
	_ =	sdelay $0x3  }
0x1bd: {  	s24 =	simm.s32 $0x5400  }
0x1be: {  	[tilespmem:s24], [sflag:$0x1] =	stream.indirect_vreg.gather [hbm4b:s4+s9], $0x80, v3, vm0, $0xb8;
	[tilespmem:$0x19200] =	vst v63  }
0x1bf: {  	s13 =	simm.s32 $0x5C00  }
0x1c0: {  	[tilespmem:s13], [sflag:$0x1] =	stream.indirect_vreg.gather [hbm4b:s15+s9], $0x80, v3, vm0, $0xb8;
	[tilespmem:$0x19200] =	vst v63  }
0x1c1: {  	v3 =	vld.msk [tilespmem:s31+$0x28], $0xff;
	_ =	sdelay $0x4  }
0x1c2: {  	v62 =	vshll.u32 v3, $0x2  }
0x1c3: {  	v3 =	vand.u32 $0x7, v3;
	v4 =	vand.u32 $0xFFFFFFE0, v62  }
0x1c4: {  	v3 =	vor.u32 v3, v4  }
0x1c5: {  	v3 =	vperm.xlane v3, v0;
	_ =	sdelay $0x1  }
0x1c6: {  	v3 =	vadd.s32 v1, v3;
	_ =	sdelay $0x3  }
0x1c7: {  	s18 =	simm.s32 $0x9400  }
0x1c8: {  	[tilespmem:s18], [sflag:$0x1] =	stream.indirect_vreg.gather [hbm4b:s6+s9], $0x80, v3, vm0, $0xb8;
	[tilespmem:$0x19200] =	vst v63  }
0x1c9: {  	s19 =	simm.s32 $0x9C00  }
0x1ca: {  	[tilespmem:s19], [sflag:$0x1] =	stream.indirect_vreg.gather [hbm4b:s16+s9], $0x80, v3, vm0, $0xb8;
	[tilespmem:$0x19200] =	vst v63  }
0x1cb: {  	v3 =	vld.msk [tilespmem:s31+$0x28], $0xff;
	_ =	sdelay $0x4  }
0x1cc: {  	v63 =	vshll.u32 v3, $0x2  }
0x1cd: {  	v3 =	vand.u32 $0x7, v3;
	v4 =	vand.u32 $0xFFFFFFE0, v63  }
0x1ce: {  	v3 =	vor.u32 v3, v4  }
0x1cf: {  	v3 =	vperm.xlane v3, v0;
	_ =	sdelay $0x1  }
0x1d0: {  	v3 =	vadd.s32 v1, v3;
	_ =	sdelay $0x2  }
0x1d1: {  	s21 =	sadd.s32 $0x20, s31  }
0x1d2: {  	s20 =	simm.s32 $0xD400;
	s12 =	sadd.s32 s10, s21  }
0x1d3: {  	[tilespmem:s20], [sflag:$0x1] =	stream.indirect_vreg.gather [hbm4b:s7+s9], $0x80, v3, vm0, $0xb8;
	[tilespmem:$0x19200] =	vst v63  }
0x1d4: {  	s12 =	sshll.u32 s12, $0x6;
	s13 =	simm.s32 $0xDC00  }
0x1d5: {  	[tilespmem:s13], [sflag:$0x1] =	stream.indirect_vreg.gather [hbm4b:s17+s9], $0x80, v3, vm0, $0xb8;
	[tilespmem:$0x19200] =	vst v63  }
0x1d6: {  	s22 =	sadd.s32 s0, s12;
	s18 =	simm.s32 $0x10400  }
0x1d7: {  	[tilespmem:s18], [sflag:$0x1] =	stream.linear.gather [hbm4b:s22+s9], $0x2000, $0x38;
	[tilespmem:$0x19200] =	vst v63  }
0x1d8: {  	s12 =	sadd.s32 s1, s12;
	s24 =	simm.s32 $0x14400  }
0x1d9: {  	[tilespmem:s24], [sflag:$0x1] =	stream.linear.gather [hbm4b:s12+s9], $0x2000, $0x38;
	[tilespmem:$0x19200] =	vst v63  }
.LBB2_8:
0x1da: {  	_ =	swait.ge [sflag:s26], $0x1000  }
0x1db: {  	[sflag:s26] =	ssyncset.done $0x0  }
0x1dc: {  	[sflag:s26] =	ssyncadd.s32 $0xFFFFF000  }
0x1dd: {  	_ =	swait.ge [sflag:s26], $0x1000  }
0x1de: {  	[sflag:s26] =	ssyncset.done $0x0  }
0x1df: {  	[sflag:s26] =	ssyncadd.s32 $0xFFFFF000  }
0x1e0: {  	_ =	swait.ge [sflag:s26], $0x1000  }
0x1e1: {  	[sflag:s26] =	ssyncset.done $0x0  }
0x1e2: {  	[sflag:s26] =	ssyncadd.s32 $0xFFFFF000  }
0x1e3: {  	_ =	swait.ge [sflag:s26], $0x1000  }
0x1e4: {  	[sflag:s26] =	ssyncset.done $0x0  }
0x1e5: {  	[sflag:s26] =	ssyncadd.s32 $0xFFFFF000  }
0x1e6: {  	_ =	swait.ge [sflag:s26], $0x1000  }
0x1e7: {  	[sflag:s26] =	ssyncset.done $0x0  }
0x1e8: {  	[sflag:s26] =	ssyncadd.s32 $0xFFFFF000  }
0x1e9: {  	_ =	swait.ge [sflag:s26], $0x1000  }
0x1ea: {  	[sflag:s26] =	ssyncset.done $0x0  }
0x1eb: {  	[sflag:s26] =	ssyncadd.s32 $0xFFFFF000  }
0x1ec: {  	_ =	swait.ge [sflag:s26], $0x1000  }
0x1ed: {  	[sflag:s26] =	ssyncset.done $0x0  }
0x1ee: {  	[sflag:s26] =	ssyncadd.s32 $0xFFFFF000  }
0x1ef: {  	_ =	swait.ge [sflag:s26], $0x1000  }
0x1f0: {  	[sflag:s26] =	ssyncset.done $0x0  }
0x1f1: {  	[sflag:s26] =	ssyncadd.s32 $0xFFFFF000  }
0x1f2: {  	_ =	swait.ge [sflag:s26], $0x2000  }
0x1f3: {  	[sflag:s26] =	ssyncset.done $0x0  }
0x1f4: {  	[sflag:s26] =	ssyncadd.s32 $0xFFFFE000  }
0x1f5: {  	_ =	swait.ge [sflag:s26], $0x2000  }
0x1f6: {  	[sflag:s26] =	ssyncset.done $0x0  }
0x1f7: {  	s24 =	simm.s32 $0x0;
	s12 =	simm.s32 $0x0;
	[sflag:s26] =	ssyncadd.s32 $0xFFFFE000  }
.LBB2_9:
0x1f8: {  	s13 =	sshll.u32 s12, $0x9;
	s18 =	sshll.u32 s12, $0x7  }
0x1f9: {  	s13 =	sand.u32 $0x1000, s13;
	s18 =	sand.u32 $0x380, s18  }
0x1fa: {  	s22 =	sand.u32 $0x40, s24;
	s18 =	sor.u32 s18, s13  }
0x1fb: {  	s19 =	sand.u32 $0xC00, s24;
	s13 =	sor.u32 s22, s18  }
0x1fc: {  	s13 =	sor.u32 s19, s13  }
0x1fd: {  	v5 =	vld [tilespmem:s13+$0x2420]  }
0x1fe: {  	v10 =	vld [tilespmem:s13+$0x6420]  }
0x1ff: {  	v13 =	vld [tilespmem:s13+$0xA420]  }
0x200: {  	v15 =	vld [tilespmem:s13+$0x12420]  }
0x201: {  	v14 =	vld [tilespmem:s13+$0xE420]  }
0x202: {  	v16 =	vld [tilespmem:s13+$0x16420]  }
0x203: {  	v17 =	vld [tilespmem:s13+$0x2430]  }
0x204: {  	v18 =	vld [tilespmem:s13+$0x6430]  }
0x205: {  	v3 =	vld [tilespmem:s13+$0xA430]  }
0x206: {  	v4 =	vld [tilespmem:s13+$0x12430]  }
0x207: {  	v24 =	vld [tilespmem:s13+$0x2400]  }
0x208: {  	v25 =	vld [tilespmem:s13+$0x6400]  }
0x209: {  	v26 =	vld [tilespmem:s13+$0xA400]  }
0x20a: {  	v27 =	vld [tilespmem:s13+$0x12400]  }
0x20b: {  	v19 =	vld [tilespmem:s13+$0xE400]  }
0x20c: {  	v21 =	vld [tilespmem:s13+$0x16400]  }
0x20d: {  	v20 =	vld [tilespmem:s13+$0x2410]  }
0x20e: {  	v11 =	vimm.f32 $0.0e+00;
	v12 =	vimm.f32 $0.0e+00;
	v6 =	vimm.f32 $0.0e+00;
	v22 =	vld [tilespmem:s13+$0x6410]  }
0x20f: {  	s20 =	simm.s32 $0x0;
	v9 =	vimm.f32 $0.0e+00;
	v7 =	vimm.f32 $0.0e+00;
	v8 =	vimm.f32 $0.0e+00;
	s19 =	simm.s32 $0x40;
	v23 =	vld [tilespmem:s13+$0xA410]  }
.LBB2_10:
0x210: {  	p1 =	sne.s32 s19, $0x1C0;
	v28 =	vld [tilespmem:s13+$0x12410]  }
0x211: {  	v29 =	vld [tilespmem:s13+$0xE410]  }
0x212: {  	s21 =	sand.u32 $0x40, s19;
	v31 =	vmul.f32 v10, v5;
	v15 =	vmul.f32 v15, v13;
	s20 =	sadd.s32 $0x200, s20;
	v30 =	vld [tilespmem:s13+$0x16410]  }
0x213: {  	v10 =	vmul.f32 v25, v24;
	v13 =	vmul.f32 v27, v26;
	s22 =	sand.u32 $0xC00, s20;
	s21 =	sor.u32 s21, s18;
	v24 =	vld [tilespmem:s13+$0xE430]  }
0x214: {  	v25 =	vmul.f32 v16, v14;
	v17 =	vmul.f32 v18, v17;
	v16 =	vld [tilespmem:s13+$0x16430];
	s13 =	sor.u32 s22, s21  }
0x215: {  	v14 =	vmul.f32 v21, v19;
	v11 =	vadd.f32 v10, v11;
	v12 =	vadd.f32 v13, v12;
	v5 =	vld [tilespmem:s13+$0x2420]  }
0x216: {  	v18 =	vmul.f32 v22, v20;
	v19 =	vmul.f32 v28, v23;
	v10 =	vld [tilespmem:s13+$0x6420]  }
0x217: {  	v11 =	vadd.f32 v31, v11;
	v12 =	vadd.f32 v15, v12;
	v13 =	vld [tilespmem:s13+$0xA420];
	v20 =	vmul.f32 v30, v29  }
0x218: {  	v3 =	vmul.f32 v4, v3;
	v6 =	vadd.f32 v14, v6;
	v9 =	vadd.f32 v18, v9;
	v15 =	vld [tilespmem:s13+$0x12420]  }
0x219: {  	v4 =	vadd.f32 v19, v7;
	v14 =	vld [tilespmem:s13+$0xE420];
	v8 =	vadd.f32 v20, v8;
	v18 =	vmul.f32 v16, v24  }
0x21a: {  	v6 =	vadd.f32 v25, v6;
	v9 =	vadd.f32 v17, v9;
	v16 =	vld [tilespmem:s13+$0x16420]  }
0x21b: {  	v7 =	vadd.f32 v3, v4;
	v17 =	vld [tilespmem:s13+$0x2430];
	v8 =	vadd.f32 v18, v8  }
0x21c: {  	v18 =	vld [tilespmem:s13+$0x6430]  }
0x21d: {  	v3 =	vld [tilespmem:s13+$0xA430]  }
0x21e: {  	v4 =	vld [tilespmem:s13+$0x12430]  }
0x21f: {  	v24 =	vld [tilespmem:s13+$0x2400]  }
0x220: {  	v25 =	vld [tilespmem:s13+$0x6400]  }
0x221: {  	v26 =	vld [tilespmem:s13+$0xA400]  }
0x222: {  	v27 =	vld [tilespmem:s13+$0x12400]  }
.Ltmp5:
0x223: {  	v19 =	vld [tilespmem:s13+$0xE400];
	(pc) =	sbr.rel @p1 .LBB2_10-.Ltmp5, $4  }
0x224: {  	v21 =	vld [tilespmem:s13+$0x16400]  }
0x225: {  	v20 =	vld [tilespmem:s13+$0x2410]  }
0x226: {  	v22 =	vld [tilespmem:s13+$0x6410]  }
0x227: {  	s19 =	sadd.s32 $0x40, s19;
	v23 =	vld [tilespmem:s13+$0xA410]  }
0x228: {  	v28 =	vld [tilespmem:s13+$0x12410]  }
0x229: {  	v29 =	vld [tilespmem:s13+$0xE410]  }
0x22a: {  	v30 =	vld [tilespmem:s13+$0x16410];
	v24 =	vmul.f32 v25, v24;
	v5 =	vmul.f32 v10, v5  }
0x22b: {  	v50 =	vmul.f32 v27, v26;
	v51 =	vld [tilespmem:s13+$0xE430];
	v13 =	vmul.f32 v15, v13  }
0x22c: {  	v14 =	vmul.f32 v16, v14;
	v52 =	vld [tilespmem:s13+$0x16430];
	v53 =	vmul.f32 v18, v17  }
0x22d: {  	v3 =	vmul.f32 v4, v3;
	v54 =	vmul.f32 v21, v19;
	v11 =	vadd.f32 v24, v11  }
0x22e: {  	v10 =	vadd.f32 v50, v12;
	v55 =	vmul.f32 v22, v20;
	v56 =	vmul.f32 v28, v23  }
0x22f: {  	v6 =	vadd.f32 v54, v6;
	v5 =	vadd.f32 v5, v11;
	v57 =	vmul.f32 v30, v29  }
0x230: {  	v61 =	vmov s12;
	v9 =	vadd.f32 v55, v9;
	v58 =	vadd.f32 v56, v7  }
0x231: {  	v10 =	vadd.f32 v13, v10;
	v60 =	vmul.f32 v52, v51;
	v59 =	vadd.f32 v57, v8  }
0x232: {  	v62 =	vand.u32 $0x7F, v61;
	v9 =	vadd.f32 v53, v9;
	v3 =	vadd.f32 v3, v58  }
0x233: {  	v4 =	vbroadcast v62, $0x0;
	v6 =	vadd.f32 v14, v6;
	v7 =	vadd.f32 v60, v59  }
0x234: {  	s12 =	sadd.s32 $0x1, s12;
	v5 =	vadd.f32 v9, v5;
	v3 =	vadd.f32 v3, v10  }
0x235: {  	p1 =	sne.s32 s12, $0x10;
	v4 =	vor.u32 v2, v4  }
.Ltmp6:
0x236: {  	v63 =	vadd.f32 v7, v6;
	v3 =	vadd.f32 v3, v5;
	(pc) =	sbr.rel @p1 .LBB2_9-.Ltmp6, $3  }
0x237: {  	_ = 	snop  }
0x238: {  	v3 =	vadd.f32 v63, v3;
	_ =	sdelay $0x1  }
0x239: {  	[tilespmem:v4+s29+$0x0] =	vst.idx.msk $0xffff, v3  }
0x23a: {  	v3 =	vld [tilespmem:s31+$0x18410]  }
0x23b: {  	v4 =	vld [tilespmem:s31+$0x18610];
	_ =	sdelay $0x1  }
0x23c: {  	v5 =	vld [tilespmem:$0x18A00];
	_ =	sdelay $0x1  }
0x23d: {  	v6 =	vld [tilespmem:$0x18A80]  }
0x23e: {  	v3 =	vadd.f32 v4, v3  }
0x23f: {  	v50 =	vld [tilespmem:$0x18B00]  }
0x240: {  	v3 =	vadd.f32 v5, v3  }
0x241: {  	v51 =	vld [tilespmem:$0x18B80]  }
0x242: {  	v3 =	vadd.f32 v6, v3  }
0x243: {  	v52 =	vld [tilespmem:$0x18C00]  }
0x244: {  	v3 =	vadd.f32 v50, v3  }
0x245: {  	v53 =	vld [tilespmem:$0x18C80]  }
0x246: {  	v3 =	vadd.f32 v51, v3  }
0x247: {  	v54 =	vld [tilespmem:$0x18D00]  }
0x248: {  	v3 =	vadd.f32 v52, v3  }
0x249: {  	v55 =	vld [tilespmem:$0x18D80]  }
0x24a: {  	v3 =	vadd.f32 v53, v3  }
0x24b: {  	v56 =	vld [tilespmem:$0x18E00]  }
0x24c: {  	v3 =	vadd.f32 v54, v3  }
0x24d: {  	v57 =	vld [tilespmem:$0x18E80]  }
0x24e: {  	v3 =	vadd.f32 v55, v3  }
0x24f: {  	v58 =	vld [tilespmem:$0x18F00]  }
0x250: {  	v3 =	vadd.f32 v56, v3  }
0x251: {  	v59 =	vld [tilespmem:$0x18F80]  }
0x252: {  	v3 =	vadd.f32 v57, v3  }
0x253: {  	v60 =	vld [tilespmem:$0x19000]  }
0x254: {  	v3 =	vadd.f32 v58, v3  }
0x255: {  	v61 =	vld [tilespmem:$0x19080]  }
0x256: {  	v3 =	vadd.f32 v59, v3  }
0x257: {  	v62 =	vld [tilespmem:$0x19100]  }
0x258: {  	v3 =	vadd.f32 v60, v3  }
0x259: {  	v63 =	vld [tilespmem:$0x19180]  }
0x25a: {  	v3 =	vadd.f32 v61, v3;
	_ =	sdelay $0x1  }
.Ltmp7:
0x25b: {  	v3 =	vadd.f32 v62, v3;
	(pc) =	sbr.rel @p0 .LBB2_14-.Ltmp7, $3  }
0x25c: {  	_ = 	snop  }
0x25d: {  	v3 =	vadd.f32 v63, v3;
	_ =	sdelay $0x1  }
0x25e: {  	[tilespmem:s31+$0x18810] =	vst v3  }
0x25f: {  	v3 =	vld.msk [tilespmem:s31+$0x30], $0xff;
	_ =	sdelay $0x4  }
0x260: {  	v4 =	vshll.u32 v3, $0x2  }
0x261: {  	v3 =	vand.u32 $0x7, v3;
	v4 =	vand.u32 $0xFFFFFFE0, v4  }
0x262: {  	v3 =	vor.u32 v3, v4  }
0x263: {  	v3 =	vperm.xlane v3, v0;
	_ =	sdelay $0x1  }
0x264: {  	v3 =	vadd.s32 v1, v3;
	_ =	sdelay $0x3  }
0x265: {  	s12 =	simm.s32 $0x2400  }
0x266: {  	[tilespmem:s12], [sflag:$0x2] =	stream.indirect_vreg.gather [hbm4b:s3+s9], $0x80, v3, vm0, $0xb8;
	[tilespmem:$0x19200] =	vst v63  }
0x267: {  	s20 =	simm.s32 $0x2C00  }
0x268: {  	[tilespmem:s20], [sflag:$0x2] =	stream.indirect_vreg.gather [hbm4b:s14+s9], $0x80, v3, vm0, $0xb8;
	[tilespmem:$0x19200] =	vst v63  }
0x269: {  	v3 =	vld.msk [tilespmem:s31+$0x230], $0xff;
	_ =	sdelay $0x4  }
0x26a: {  	v57 =	vshll.u32 v3, $0x2  }
0x26b: {  	v3 =	vand.u32 $0x7, v3;
	v4 =	vand.u32 $0xFFFFFFE0, v57  }
0x26c: {  	v3 =	vor.u32 v3, v4  }
0x26d: {  	v3 =	vperm.xlane v3, v0;
	_ =	sdelay $0x1  }
0x26e: {  	v3 =	vadd.s32 v1, v3;
	_ =	sdelay $0x3  }
0x26f: {  	s21 =	simm.s32 $0x6400  }
0x270: {  	[tilespmem:s21], [sflag:$0x2] =	stream.indirect_vreg.gather [hbm4b:s4+s9], $0x80, v3, vm0, $0xb8;
	[tilespmem:$0x19200] =	vst v63  }
0x271: {  	s22 =	simm.s32 $0x6C00  }
0x272: {  	[tilespmem:s22], [sflag:$0x2] =	stream.indirect_vreg.gather [hbm4b:s15+s9], $0x80, v3, vm0, $0xb8;
	[tilespmem:$0x19200] =	vst v63  }
0x273: {  	v3 =	vld.msk [tilespmem:s31+$0x30], $0xff;
	_ =	sdelay $0x4  }
0x274: {  	v58 =	vshll.u32 v3, $0x2  }
0x275: {  	v3 =	vand.u32 $0x7, v3;
	v4 =	vand.u32 $0xFFFFFFE0, v58  }
0x276: {  	v3 =	vor.u32 v3, v4  }
0x277: {  	v3 =	vperm.xlane v3, v0;
	_ =	sdelay $0x1  }
0x278: {  	v3 =	vadd.s32 v1, v3;
	_ =	sdelay $0x3  }
0x279: {  	s24 =	simm.s32 $0xA400  }
0x27a: {  	[tilespmem:s24], [sflag:$0x2] =	stream.indirect_vreg.gather [hbm4b:s6+s9], $0x80, v3, vm0, $0xb8;
	[tilespmem:$0x19200] =	vst v63  }
0x27b: {  	s13 =	simm.s32 $0xAC00  }
0x27c: {  	[tilespmem:s13], [sflag:$0x2] =	stream.indirect_vreg.gather [hbm4b:s16+s9], $0x80, v3, vm0, $0xb8;
	[tilespmem:$0x19200] =	vst v63  }
0x27d: {  	v3 =	vld.msk [tilespmem:s31+$0x30], $0xff;
	_ =	sdelay $0x4  }
0x27e: {  	v59 =	vshll.u32 v3, $0x2  }
0x27f: {  	v3 =	vand.u32 $0x7, v3;
	v4 =	vand.u32 $0xFFFFFFE0, v59  }
0x280: {  	v3 =	vor.u32 v3, v4  }
0x281: {  	v3 =	vperm.xlane v3, v0;
	_ =	sdelay $0x1  }
0x282: {  	v3 =	vadd.s32 v1, v3;
	_ =	sdelay $0x3  }
0x283: {  	s18 =	simm.s32 $0xE400  }
0x284: {  	[tilespmem:s18], [sflag:$0x2] =	stream.indirect_vreg.gather [hbm4b:s7+s9], $0x80, v3, vm0, $0xb8;
	[tilespmem:$0x19200] =	vst v63  }
0x285: {  	s19 =	simm.s32 $0xEC00  }
0x286: {  	[tilespmem:s19], [sflag:$0x2] =	stream.indirect_vreg.gather [hbm4b:s17+s9], $0x80, v3, vm0, $0xb8;
	[tilespmem:$0x19200] =	vst v63  }
0x287: {  	v3 =	vld.msk [tilespmem:s31+$0x38], $0xff;
	_ =	sdelay $0x4  }
0x288: {  	v60 =	vshll.u32 v3, $0x2  }
0x289: {  	v3 =	vand.u32 $0x7, v3;
	v4 =	vand.u32 $0xFFFFFFE0, v60  }
0x28a: {  	v3 =	vor.u32 v3, v4  }
0x28b: {  	v3 =	vperm.xlane v3, v0;
	_ =	sdelay $0x1  }
0x28c: {  	v3 =	vadd.s32 v1, v3;
	_ =	sdelay $0x3  }
0x28d: {  	s20 =	simm.s32 $0x3400  }
0x28e: {  	[tilespmem:s20], [sflag:$0x2] =	stream.indirect_vreg.gather [hbm4b:s3+s9], $0x80, v3, vm0, $0xb8;
	[tilespmem:$0x19200] =	vst v63  }
0x28f: {  	s21 =	simm.s32 $0x3C00  }
0x290: {  	[tilespmem:s21], [sflag:$0x2] =	stream.indirect_vreg.gather [hbm4b:s14+s9], $0x80, v3, vm0, $0xb8;
	[tilespmem:$0x19200] =	vst v63  }
0x291: {  	v3 =	vld.msk [tilespmem:s31+$0x238], $0xff;
	_ =	sdelay $0x4  }
0x292: {  	v61 =	vshll.u32 v3, $0x2  }
0x293: {  	v3 =	vand.u32 $0x7, v3;
	v4 =	vand.u32 $0xFFFFFFE0, v61  }
0x294: {  	v3 =	vor.u32 v3, v4  }
0x295: {  	v3 =	vperm.xlane v3, v0;
	_ =	sdelay $0x1  }
0x296: {  	v3 =	vadd.s32 v1, v3;
	_ =	sdelay $0x3  }
0x297: {  	s22 =	simm.s32 $0x7400  }
0x298: {  	[tilespmem:s22], [sflag:$0x2] =	stream.indirect_vreg.gather [hbm4b:s4+s9], $0x80, v3, vm0, $0xb8;
	[tilespmem:$0x19200] =	vst v63  }
0x299: {  	s24 =	simm.s32 $0x7C00  }
0x29a: {  	[tilespmem:s24], [sflag:$0x2] =	stream.indirect_vreg.gather [hbm4b:s15+s9], $0x80, v3, vm0, $0xb8;
	[tilespmem:$0x19200] =	vst v63  }
0x29b: {  	v3 =	vld.msk [tilespmem:s31+$0x38], $0xff;
	_ =	sdelay $0x4  }
0x29c: {  	v62 =	vshll.u32 v3, $0x2  }
0x29d: {  	v3 =	vand.u32 $0x7, v3;
	v4 =	vand.u32 $0xFFFFFFE0, v62  }
0x29e: {  	v3 =	vor.u32 v3, v4  }
0x29f: {  	v3 =	vperm.xlane v3, v0;
	_ =	sdelay $0x1  }
0x2a0: {  	v3 =	vadd.s32 v1, v3;
	_ =	sdelay $0x4  }
0x2a1: {  	[tilespmem:s23], [sflag:$0x2] =	stream.indirect_vreg.gather [hbm4b:s6+s9], $0x80, v3, vm0, $0xb8;
	[tilespmem:$0x19200] =	vst v63  }
0x2a2: {  	_ = 	snop  }
0x2a3: {  	[tilespmem:s5], [sflag:$0x2] =	stream.indirect_vreg.gather [hbm4b:s16+s9], $0x80, v3, vm0, $0xb8;
	[tilespmem:$0x19200] =	vst v63  }
0x2a4: {  	v3 =	vld.msk [tilespmem:s31+$0x38], $0xff;
	_ =	sdelay $0x4  }
0x2a5: {  	v63 =	vshll.u32 v3, $0x2  }
0x2a6: {  	v3 =	vand.u32 $0x7, v3;
	v4 =	vand.u32 $0xFFFFFFE0, v63  }
0x2a7: {  	v3 =	vor.u32 v3, v4  }
0x2a8: {  	v3 =	vperm.xlane v3, v0;
	_ =	sdelay $0x1  }
0x2a9: {  	v3 =	vadd.s32 v1, v3;
	_ =	sdelay $0x3  }
0x2aa: {  	s31 =	sadd.s32 $0x30, s31  }
0x2ab: {  	[tilespmem:s11], [sflag:$0x2] =	stream.indirect_vreg.gather [hbm4b:s7+s9], $0x80, v3, vm0, $0xb8;
	[tilespmem:$0x19200] =	vst v63  }
0x2ac: {  	s12 =	sadd.s32 s10, s31  }
0x2ad: {  	[tilespmem:s28], [sflag:$0x2] =	stream.indirect_vreg.gather [hbm4b:s17+s9], $0x80, v3, vm0, $0xb8;
	[tilespmem:$0x19200] =	vst v63  }
.Ltmp8:
0x2ae: {  	s12 =	sshll.u32 s12, $0x6;
	(pc) =	sbr.rel .LBB2_2-.Ltmp8, $4  }
0x2af: {  	s13 =	sadd.s32 s0, s12  }
0x2b0: {  	[tilespmem:s2], [sflag:$0x2] =	stream.linear.gather [hbm4b:s13+s9], $0x2000, $0x38;
	[tilespmem:$0x19200] =	vst v63  }
0x2b1: {  	s30 =	sadd.s32 $0x1, s30;
	s12 =	sadd.s32 s1, s12  }
0x2b2: {  	[tilespmem:s8], [sflag:$0x2] =	stream.linear.gather [hbm4b:s12+s9], $0x2000, $0x38;
	[tilespmem:$0x19200] =	vst v63  }
.LBB2_15:
0x2b3: {  	_ =	sfence.sel $0x180000  }
0x2b4: {  	[bflag:$0x0] =	sbarrier.arrive $0xFFFF  }
0x2b5: {  	_ =	strace $0x90000047  }
0x2b6: {  	s0 =	stileid.u32;
	[bflag:$0x2] =	sbarrier.arrive $0xFFFF  }
0x2b7: {  	p0 =	sne.s32 s0, $0x0;
	s0 =	rddreg [dreg:$0xa]  }
0x2b8: {  	s0 =	sadd.s32 @!p0 $0x100000, s0  }
0x2b9: {  	[sflag:s0] =	ssyncadd.tile.s32 @!p0 $0x1;
	_ =	shalt  }
.Lfunc_end2:
_tile_overlayer_lowered:
.L_overlay_start_2:
0x2ba: {  	(tag) =	ssettag $0x2  }
0x2bb: {  	s0 =	rddreg [dreg:$0x0];
	s2 =	stileid.u32  }
0x2bc: {  	s1 =	rddreg [dreg:$0x1];
	p0 =	sne.s32 s2, $0x0  }
0x2bd: {  	s3 =	rddreg [dreg:$0x2];
	[bflag:$0x3] =	sbarrier.arrive $0xFFFF;
	s2 =	simm.s32 @!p0 $0x1C03  }
0x2be: {  	[timem:s3], [sflag:s2] =	dma.local @!p0 [hbm:s0], s1  }
0x2bf: {  	s0 =	simm.s32 @!p0 $0x3  }
0x2c0: {  	_ =	swait.ge @!p0 [sflag:s0], s1  }
0x2c1: {  	s1 =	ssub.s32 @!p0 $0x0, s1;
	[sflag:s0] =	ssyncset.done @!p0 $0x0  }
0x2c2: {  	[sflag:s0] =	ssyncadd.s32 @!p0 s1  }
0x2c3: {  	[bflag:$0x3] =	sbarrier.arrive $0xFFFF  }
0x2c4: {  	_ =	shalt  }

</sc_bundles>
